<compile_context>
chip_gen: v7x
topology: tpu7x:2x2x1
jax: 0.10.2.dev20260603
libtpu: 0.0.44.dev20260713+nightly
codegen_flags: <defaults>
</compile_context>

<pallas_src>
import functools

import jax
import jax.numpy as jnp
from jax import lax
from jax.experimental import pallas as pl
from jax.experimental.pallas import tpu as pltpu
from jax.experimental.pallas import tpu_sc as plsc

B, C, L, K = 8, 384, 4096, 3
LANES = 16
NW = 32
CHUNK = 128
NCHUNK = B * L // CHUNK
CHUNK_PER_W = NCHUNK // NW
NGRP = CHUNK // LANES


def _dense_body(x_ref, cw_ref, cb_ref, g_ref, be_ref, w8_ref, b8_ref,
                a_ref, b_ref, s_ref):
    xb = x_ref[0]
    w0 = cw_ref[:, 0:1]
    w1 = cw_ref[:, 1:2]
    w2 = cw_ref[:, 2:3]
    z = jnp.zeros((C, 1), dtype=jnp.float32)
    xm1 = jnp.concatenate([z, xb[:, :-1]], axis=1)
    xp1 = jnp.concatenate([xb[:, 1:], z], axis=1)
    y = xm1 * w0 + xb * w1 + xp1 * w2 + cb_ref[...]
    y = y * g_ref[...] + be_ref[...]
    feat = 0.5 * y * (1.0 + lax.erf(y * 0.7071067811865476))
    r8 = jnp.dot(w8_ref[...], feat, preferred_element_type=jnp.float32)
    r8 = r8 + b8_ref[...]
    off = r8[0:K]
    logits = r8[K:2 * K]
    m = jnp.max(logits, axis=0, keepdims=True)
    e = jnp.exp(logits - m)
    w = e / jnp.sum(e, axis=0, keepdims=True)
    offc = jnp.clip(off, -float(C), float(C))
    s = jnp.floor(offc)
    f = offc - s
    a_ref[0] = w * (1.0 - f)
    b_ref[0] = w * f
    s_ref[0] = s.astype(jnp.int32)


def _dense_stage(x, conv_w, conv_b, bn_gamma, bn_beta, w8, b8):
    spec_c1 = pl.BlockSpec((C, 1), lambda i: (0, 0))
    out_spec = pl.BlockSpec((1, K, L), lambda i: (i, 0, 0))
    return pl.pallas_call(
        _dense_body,
        grid=(B,),
        in_specs=[
            pl.BlockSpec((1, C, L), lambda i: (i, 0, 0)),
            pl.BlockSpec((C, K), lambda i: (0, 0)),
            spec_c1, spec_c1, spec_c1,
            pl.BlockSpec((2 * K + 2, C), lambda i: (0, 0)),
            pl.BlockSpec((2 * K + 2, 1), lambda i: (0, 0)),
        ],
        out_specs=[out_spec, out_spec, out_spec],
        out_shape=[
            jax.ShapeDtypeStruct((B, K, L), jnp.float32),
            jax.ShapeDtypeStruct((B, K, L), jnp.float32),
            jax.ShapeDtypeStruct((B, K, L), jnp.int32),
        ],
    )(x.reshape(B, C, L), conv_w, conv_b, bn_gamma, bn_beta, w8, b8)


PAD = 8
WIN = 4
SMAX = 3


HALF = C // 2


def _sc_body(x_hbm, a_hbm, b_hbm, s_hbm, out_hbm, xv, ov, av, bv, sv,
             sem_in, sem_oa, sem_ob):
    nc = 2
    wid = lax.axis_index("s") * nc + lax.axis_index("c")
    zero = jnp.zeros((LANES,), jnp.float32)

    def chunk_coords(i):
        gblk = wid * CHUNK_PER_W + i
        bb = gblk // (L // CHUNK)
        l0 = (gblk % (L // CHUNK)) * CHUNK
        return bb, l0

    def in_copy(i):
        bb, l0 = chunk_coords(i)
        return pltpu.make_async_copy(
            x_hbm.at[bb, :, pl.ds(l0, CHUNK)], xv.at[pl.ds(PAD, C), :],
            sem_in)

    def out_copy(i, h):
        bb, l0 = chunk_coords(i)
        return pltpu.make_async_copy(
            ov.at[pl.ds(h * HALF, HALF), :],
            out_hbm.at[bb, pl.ds(h * HALF, HALF), pl.ds(l0, CHUNK)],
            sem_oa if h == 0 else sem_ob)

    def compute_half(h):
        c0 = h * HALF

        def t_body(t, _):
            sl = pl.ds(t * LANES, LANES)
            sk = [sv[k, sl] for k in range(K)]
            ak = [av[k, sl] for k in range(K)]
            bk = [bv[k, sl] for k in range(K)]
            smin = jnp.min(jnp.minimum(jnp.minimum(sk[0], sk[1]), sk[2]))
            smax1 = jnp.max(jnp.maximum(jnp.maximum(sk[0], sk[1]),
                                        sk[2])) + 1
            ok = ((smin >= -SMAX) & (smax1 <= SMAX)
                  & (smax1 - smin <= WIN - 1))

            def coeff_for(sigma):
                cf = zero
                for k in range(K):
                    cf = cf + jnp.where(sk[k] == sigma, ak[k], zero)
                    cf = cf + jnp.where(sk[k] + 1 == sigma, bk[k], zero)
                return cf

            @pl.when(ok)
            def _fast():
                cfs = [coeff_for(smin + j) for j in range(WIN)]
                base = smin + PAD
                r0 = xv[base + c0, sl]
                r1 = xv[base + c0 + 1, sl]
                r2 = xv[base + c0 + 2, sl]

                @plsc.parallel_loop(c0, c0 + HALF, unroll=8,
                                    carry=(r0, r1, r2))
                def c_body(c, rows):
                    ra, rb, rc = rows
                    rd = xv[base + c + 3, sl]
                    ov[c, sl] = ((cfs[0] * ra + cfs[1] * rb)
                                 + (cfs[2] * rc + cfs[3] * rd))
                    return (rb, rc, rd)

            @pl.when(jnp.logical_not(ok))
            def _general():
                @plsc.parallel_loop(c0, c0 + HALF, unroll=8)
                def zero_body(c):
                    ov[c, sl] = zero

                def sigma_body(sigma, _):
                    cf = coeff_for(sigma)

                    def c_body(c, _, cf=cf, sigma=sigma):
                        r = jnp.minimum(jnp.maximum(c + sigma, 0), C - 1)
                        ov[c, sl] = ov[c, sl] + cf * xv[r + PAD, sl]
                        return 0

                    lax.fori_loop(c0, c0 + HALF, c_body, 0, unroll=4)
                    return 0

                lax.fori_loop(smin, smax1 + 1, sigma_body, 0)

            return 0

        lax.fori_loop(0, NGRP, t_body, 0)

    in_copy(0).start()

    def blk_body(i, _):
        bb, l0 = chunk_coords(i)
        pltpu.sync_copy(a_hbm.at[bb, :, pl.ds(l0, CHUNK)], av)
        pltpu.sync_copy(b_hbm.at[bb, :, pl.ds(l0, CHUNK)], bv)
        pltpu.sync_copy(s_hbm.at[bb, :, pl.ds(l0, CHUNK)], sv)
        in_copy(i).wait()

        def pad_body(t, _):
            sl = pl.ds(t * LANES, LANES)
            lo_row = xv[PAD, sl]
            hi_row = xv[PAD + C - 1, sl]
            for j in range(1, SMAX + 1):
                xv[PAD - j, sl] = lo_row
                xv[PAD + C - 1 + j, sl] = hi_row
            return 0

        lax.fori_loop(0, NGRP, pad_body, 0)

        @pl.when(i > 0)
        def _drain_oa():
            out_copy(i, 0).wait()
        compute_half(0)
        out_copy(i, 0).start()

        @pl.when(i > 0)
        def _drain_ob():
            out_copy(i, 1).wait()
        compute_half(1)
        out_copy(i, 1).start()

        @pl.when(i + 1 < CHUNK_PER_W)
        def _next_in():
            in_copy(i + 1).start()
        return 0

    lax.fori_loop(0, CHUNK_PER_W, blk_body, 0)
    out_copy(CHUNK_PER_W - 1, 0).wait()
    out_copy(CHUNK_PER_W - 1, 1).wait()


def _sc_stage(x, a, b, s):
    mesh = plsc.VectorSubcoreMesh(core_axis_name="c", subcore_axis_name="s")
    f = pl.kernel(
        _sc_body,
        out_type=jax.ShapeDtypeStruct((B, C, L), jnp.float32),
        mesh=mesh,
        scratch_types=[
            pltpu.VMEM((C + 2 * PAD, CHUNK), jnp.float32),
            pltpu.VMEM((C, CHUNK), jnp.float32),
            pltpu.VMEM((K, CHUNK), jnp.float32),
            pltpu.VMEM((K, CHUNK), jnp.float32),
            pltpu.VMEM((K, CHUNK), jnp.int32),
            pltpu.SemaphoreType.DMA,
            pltpu.SemaphoreType.DMA,
            pltpu.SemaphoreType.DMA,
        ],
        compiler_params=pltpu.CompilerParams(needs_layout_passes=False),
    )
    return f(x, a, b, s)


def kernel(input_feat, x, conv_w, conv_b, bn_gamma, bn_beta,
           offset_w, offset_b, weight_w, weight_b):
    del input_feat
    cw = conv_w[:, 0, :].astype(jnp.float32)
    w8 = jnp.concatenate(
        [offset_w, weight_w, jnp.zeros((2, C), jnp.float32)], axis=0)
    b8 = jnp.concatenate(
        [offset_b, weight_b, jnp.zeros((2,), jnp.float32)])[:, None]
    a, b, s = _dense_stage(x, cw, conv_b[:, None], bn_gamma[:, None],
                           bn_beta[:, None], w8, b8)
    return _sc_stage(x, a, b, s)

# --- scband reference (transcript-rebuilt; emitter-appended) ---
"""Pipeline reference for scband-spectral-adaptive-scan-46686294507587 (READ-ONLY COPY).

The authoritative reference and input builder live on the scoring server;
editing this copy changes nothing except your own understanding.
"""

import jax, jax.numpy as jnp
import numpy as np

B, C, L, K = 8, 384, 4096, 3

def setup_inputs(seed: int = 0) -> dict:
    key = jax.random.key(seed)
    ks = jax.random.split(key, 8)
    x = jax.random.normal(ks[0], (B, C, L), dtype=jnp.float32)
    input_feat = jax.random.normal(ks[1], (B, C, L), dtype=jnp.float32)
    conv_w = jax.random.normal(ks[2], (C, 1, K), dtype=jnp.float32) * 0.1
    conv_b = jax.random.normal(ks[3], (C,), dtype=jnp.float32) * 0.01
    bn_gamma = jnp.ones((C,), dtype=jnp.float32)
    bn_beta = jnp.zeros((C,), dtype=jnp.float32)
    offset_w = jax.random.normal(ks[4], (K, C), dtype=jnp.float32) * 0.01
    offset_b = jax.random.normal(ks[5], (K,), dtype=jnp.float32) * 0.01
    weight_w = jax.random.normal(ks[6], (K, C), dtype=jnp.float32) * 0.01
    weight_b = jax.random.normal(ks[7], (K,), dtype=jnp.float32) * 0.01
    return {"input_feat": input_feat, "x": x, "conv_w": conv_w, "conv_b": conv_b,
            "bn_gamma": bn_gamma, "bn_beta": bn_beta, "offset_w": offset_w,
            "offset_b": offset_b, "weight_w": weight_w, "weight_b": weight_b}

def reference(input_feat, x, conv_w, conv_b, bn_gamma, bn_beta, offset_w, offset_b, weight_w, weight_b):
    Bs, Cs, Ls = x.shape
    Ks = conv_w.shape[-1]
    pad = (Ks - 1) // 2
    # depthwise Conv1d over L (groups == channels)
    y = jax.lax.conv_general_dilated(
        x, conv_w, window_strides=(1,), padding=((pad, pad),),
        dimension_numbers=("NCH", "OIH", "NCH"), feature_group_count=Cs)
    y = y + conv_b[None, :, None]
    # BatchNorm1d in inference mode (running_mean=0, running_var=1) + affine
    y = y * bn_gamma[None, :, None] + bn_beta[None, :, None]
    y = jax.nn.gelu(y, approximate=False)
    feat = jnp.transpose(y, (0, 2, 1))  # [B, L, C]
    offsets = feat @ offset_w.T + offset_b  # [B, L, K] (group=1)
    logits = feat @ weight_w.T + weight_b   # [B, L, K]
    w = jax.nn.softmax(logits, axis=-1)
    x_blc = jnp.transpose(x, (0, 2, 1))  # [B, L, C]
    base = jnp.arange(Cs, dtype=jnp.float32)
    # sample indices along spectral (channel) axis: [B, L, K, C]
    idx = jnp.clip(base[None, None, None, :] + offsets[..., None], 0.0, Cs - 1)
    out = jnp.zeros_like(x_blc)
    for k in range(Ks):
        ik = idx[:, :, k, :]
        ifl = jnp.floor(ik)
        ice = jnp.ceil(ik)
        frac = ik - ifl
        ifl = jnp.clip(ifl, 0, Cs - 1).astype(jnp.int32)
        ice = jnp.clip(ice, 0, Cs - 1).astype(jnp.int32)
        xf = jnp.take_along_axis(x_blc, ifl, axis=2)
        xc = jnp.take_along_axis(x_blc, ice, axis=2)
        xi = xf * (1.0 - frac) + xc * frac
        out = out + xi * w[:, :, k][..., None]
    return jnp.transpose(out, (0, 2, 1))  # [B, C, L]

if __name__ == "__main__":
    import jax
    _d = setup_inputs()
    print(jax.jit(kernel)(*tuple(_d.values())))

</pallas_src>

<mosaic_0001>
#map = affine_map<(d0, d1) -> (0, 0, 0)>
module attributes {stable_mosaic.version = 14 : i64} {
  func.func @_sc_body(%arg0: i32, %arg1: i32, %arg2: memref<8x384x4096xf32, #tpu.memory_space<hbm>>, %arg3: memref<8x3x4096xf32, #tpu.memory_space<hbm>>, %arg4: memref<8x3x4096xf32, #tpu.memory_space<hbm>>, %arg5: memref<8x3x4096xi32, #tpu.memory_space<hbm>>, %arg6: memref<8x384x4096xf32, #tpu.memory_space<hbm>>, %arg7: memref<400x128xf32, #tpu.memory_space<vmem>>, %arg8: memref<384x128xf32, #tpu.memory_space<vmem>>, %arg9: memref<3x128xf32, #tpu.memory_space<vmem>>, %arg10: memref<3x128xf32, #tpu.memory_space<vmem>>, %arg11: memref<3x128xi32, #tpu.memory_space<vmem>>, %arg12: memref<!tpu.dma_semaphore, #tpu.memory_space<semaphore_mem>>, %arg13: memref<!tpu.dma_semaphore, #tpu.memory_space<semaphore_mem>>, %arg14: memref<!tpu.dma_semaphore, #tpu.memory_space<semaphore_mem>>) attributes {dimension_semantics = [#tpu.dimension_semantics<core_parallel>, #tpu.dimension_semantics<subcore_parallel>], iteration_bounds = array<i64: 2, 16>, scalar_prefetch = 0 : i64, scratch_operands = 8 : i64, tpu.core_type = #tpu.core_type<sc_vector_subcore>, window_params = [{transform_indices = #map}, {transform_indices = #map}, {transform_indices = #map}, {transform_indices = #map}, {transform_indices = #map}]} {
    %mul3A = arith.constant 2 : i32
    %mul3A_0 = arith.muli %arg1, %mul3A : i32
    %add3A = arith.addi %mul3A_0, %arg0 : i32
    %broadcast_in_dim3A = arith.constant 0.000000e+00 : f32
    %broadcast_in_dim3A_1 = vector.broadcast %broadcast_in_dim3A : f32 to vector<16xf32>
    %mul3A_2 = arith.constant 8 : i32
    %mul3A_3 = arith.muli %add3A, %mul3A_2 : i32
    %add3A_4 = arith.constant 0 : i32
    %add3A_5 = arith.addi %mul3A_3, %add3A_4 : i32
    %jit3A = arith.constant 32 : i32
    %div3A = arith.divsi %add3A_5, %jit3A : i32
    %sign3A = arith.constant 0 : i32
    %sign3A_6 = arith.cmpi sgt, %add3A_5, %sign3A : i32
    %sign3A_7 = arith.extui %sign3A_6 : i1 to i32
    %sign3A_8 = arith.constant 0 : i32
    %sign3A_9 = arith.cmpi slt, %add3A_5, %sign3A_8 : i32
    %sign3A_10 = arith.extui %sign3A_9 : i1 to i32
    %sign3A_11 = arith.subi %sign3A_7, %sign3A_10 : i32
    %sign3A_12 = arith.constant 0 : i32
    %sign3A_13 = arith.cmpi sgt, %jit3A, %sign3A_12 : i32
    %sign3A_14 = arith.extui %sign3A_13 : i1 to i32
    %sign3A_15 = arith.constant 0 : i32
    %sign3A_16 = arith.cmpi slt, %jit3A, %sign3A_15 : i32
    %sign3A_17 = arith.extui %sign3A_16 : i1 to i32
    %sign3A_18 = arith.subi %sign3A_14, %sign3A_17 : i32
    %ne3A = arith.cmpi ne, %sign3A_11, %sign3A_18 : i32
    %rem3A = arith.remsi %add3A_5, %jit3A : i32
    %ne3A_19 = arith.constant 0 : i32
    %ne3A_20 = arith.cmpi ne, %rem3A, %ne3A_19 : i32
    %and3A = arith.andi %ne3A, %ne3A_20 : i1
    %sub3A = arith.constant 1 : i32
    %sub3A_21 = arith.subi %div3A, %sub3A : i32
    %select_n3A = arith.select %and3A, %sub3A_21, %div3A : i32
    %jit3A_22 = arith.constant 32 : i32
    %eq3A = arith.constant 0 : i32
    %eq3A_23 = arith.cmpi eq, %jit3A_22, %eq3A : i32
    %jit3A_24 = arith.constant 1 : i32
    %select_n3A_25 = arith.select %eq3A_23, %jit3A_24, %jit3A_22 : i32
    %rem3A_26 = arith.remsi %add3A_5, %select_n3A_25 : i32
    %ne3A_27 = arith.constant 0 : i32
    %ne3A_28 = arith.cmpi ne, %rem3A_26, %ne3A_27 : i32
    %lt3A = arith.constant 0 : i32
    %lt3A_29 = arith.cmpi slt, %rem3A_26, %lt3A : i32
    %lt3A_30 = arith.constant 0 : i32
    %lt3A_31 = arith.cmpi slt, %select_n3A_25, %lt3A_30 : i32
    %ne3A_32 = arith.xori %lt3A_29, %lt3A_31 : i1
    %and3A_33 = arith.andi %ne3A_32, %ne3A_28 : i1
    %add3A_34 = arith.addi %rem3A_26, %select_n3A_25 : i32
    %select_n3A_35 = arith.select %and3A_33, %add3A_34, %rem3A_26 : i32
    %mul3A_36 = arith.constant 128 : i32
    %mul3A_37 = arith.muli %select_n3A_35, %mul3A_36 : i32
    %dma_start3A = arith.constant 8 : i32
    %dma_start3A_38 = arith.constant 0 : i32
    %dma_start3A_39 = tpu.memref_slice %arg7[%dma_start3A, %dma_start3A_38] : memref<400x128xf32, #tpu.memory_space<vmem>> -> memref<384x128xf32, #tpu.memory_space<vmem>>
    %dma_start3A_40 = arith.constant 0 : i32
    %dma_start3A_41 = tpu.memref_slice %arg2[%select_n3A, %dma_start3A_40, %mul3A_37] : memref<8x384x4096xf32, #tpu.memory_space<hbm>> -> memref<1x384x128xf32, #tpu.memory_space<hbm>>
    %dma_start3A_42 = tpu.memref_squeeze %dma_start3A_41 : memref<1x384x128xf32, #tpu.memory_space<hbm>> -> memref<384x128xf32, #tpu.memory_space<hbm>>
    %dma_start3A_43 = arith.constant 8 : i32
    %dma_start3A_44 = arith.constant 0 : i32
    %dma_start3A_45 = tpu.memref_slice %arg7[%dma_start3A_43, %dma_start3A_44] : memref<400x128xf32, #tpu.memory_space<vmem>> -> memref<384x128xf32, #tpu.memory_space<vmem>>
    %dma_start3A_46 = arith.constant 0 : i32
    %dma_start3A_47 = tpu.memref_slice %arg2[%select_n3A, %dma_start3A_46, %mul3A_37] : memref<8x384x4096xf32, #tpu.memory_space<hbm>> -> memref<1x384x128xf32, #tpu.memory_space<hbm>>
    %dma_start3A_48 = tpu.memref_squeeze %dma_start3A_47 : memref<1x384x128xf32, #tpu.memory_space<hbm>> -> memref<384x128xf32, #tpu.memory_space<hbm>>
    tpu.enqueue_dma source(%dma_start3A_48 : memref<384x128xf32, #tpu.memory_space<hbm>>) target(%dma_start3A_45 : memref<384x128xf32, #tpu.memory_space<vmem>>) target_semaphore(%arg12 : memref<!tpu.dma_semaphore, #tpu.memory_space<semaphore_mem>>)
    %scan3A = arith.constant 0 : i32
    %scan3A_49 = arith.constant 0 : i32
    %scan3A_50 = arith.constant 8 : i32
    %scan3A_51 = arith.addi %scan3A_49, %scan3A_50 : i32
    %scan3A_52 = arith.constant 1 : i32
    %scan3A_53 = scf.for %scan3A_170 = %scan3A_49 to %scan3A_51 step %scan3A_52 iter_args(%scan3A_171 = %scan3A) -> (i32)  : i32 {
      %mul3A_172 = arith.constant 8 : i32
      %mul3A_173 = arith.muli %add3A, %mul3A_172 : i32
      %add3A_174 = arith.addi %mul3A_173, %scan3A_170 : i32
      %jit3A_175 = arith.constant 32 : i32
      %div3A_176 = arith.divsi %add3A_174, %jit3A_175 : i32
      %sign3A_177 = arith.constant 0 : i32
      %sign3A_178 = arith.cmpi sgt, %add3A_174, %sign3A_177 : i32
      %sign3A_179 = arith.extui %sign3A_178 : i1 to i32
      %sign3A_180 = arith.constant 0 : i32
      %sign3A_181 = arith.cmpi slt, %add3A_174, %sign3A_180 : i32
      %sign3A_182 = arith.extui %sign3A_181 : i1 to i32
      %sign3A_183 = arith.subi %sign3A_179, %sign3A_182 : i32
      %sign3A_184 = arith.constant 0 : i32
      %sign3A_185 = arith.cmpi sgt, %jit3A_175, %sign3A_184 : i32
      %sign3A_186 = arith.extui %sign3A_185 : i1 to i32
      %sign3A_187 = arith.constant 0 : i32
      %sign3A_188 = arith.cmpi slt, %jit3A_175, %sign3A_187 : i32
      %sign3A_189 = arith.extui %sign3A_188 : i1 to i32
      %sign3A_190 = arith.subi %sign3A_186, %sign3A_189 : i32
      %ne3A_191 = arith.cmpi ne, %sign3A_183, %sign3A_190 : i32
      %rem3A_192 = arith.remsi %add3A_174, %jit3A_175 : i32
      %ne3A_193 = arith.constant 0 : i32
      %ne3A_194 = arith.cmpi ne, %rem3A_192, %ne3A_193 : i32
      %and3A_195 = arith.andi %ne3A_191, %ne3A_194 : i1
      %sub3A_196 = arith.constant 1 : i32
      %sub3A_197 = arith.subi %div3A_176, %sub3A_196 : i32
      %select_n3A_198 = arith.select %and3A_195, %sub3A_197, %div3A_176 : i32
      %jit3A_199 = arith.constant 32 : i32
      %eq3A_200 = arith.constant 0 : i32
      %eq3A_201 = arith.cmpi eq, %jit3A_199, %eq3A_200 : i32
      %jit3A_202 = arith.constant 1 : i32
      %select_n3A_203 = arith.select %eq3A_201, %jit3A_202, %jit3A_199 : i32
      %rem3A_204 = arith.remsi %add3A_174, %select_n3A_203 : i32
      %ne3A_205 = arith.constant 0 : i32
      %ne3A_206 = arith.cmpi ne, %rem3A_204, %ne3A_205 : i32
      %lt3A_207 = arith.constant 0 : i32
      %lt3A_208 = arith.cmpi slt, %rem3A_204, %lt3A_207 : i32
      %lt3A_209 = arith.constant 0 : i32
      %lt3A_210 = arith.cmpi slt, %select_n3A_203, %lt3A_209 : i32
      %ne3A_211 = arith.xori %lt3A_208, %lt3A_210 : i1
      %and3A_212 = arith.andi %ne3A_211, %ne3A_206 : i1
      %add3A_213 = arith.addi %rem3A_204, %select_n3A_203 : i32
      %select_n3A_214 = arith.select %and3A_212, %add3A_213, %rem3A_204 : i32
      %mul3A_215 = arith.constant 128 : i32
      %mul3A_216 = arith.muli %select_n3A_214, %mul3A_215 : i32
      "tpu.region"() ({
        %run_scoped3A = tpu.sem_alloc : memref<!tpu.dma_semaphore, #tpu.memory_space<semaphore_mem>>
        %dma_start3A_424 = arith.constant 0 : i32
        %dma_start3A_425 = tpu.memref_slice %arg3[%select_n3A_198, %dma_start3A_424, %mul3A_216] : memref<8x3x4096xf32, #tpu.memory_space<hbm>> -> memref<1x3x128xf32, #tpu.memory_space<hbm>>
        %dma_start3A_426 = tpu.memref_squeeze %dma_start3A_425 : memref<1x3x128xf32, #tpu.memory_space<hbm>> -> memref<3x128xf32, #tpu.memory_space<hbm>>
        %dma_start3A_427 = arith.constant 0 : i32
        %dma_start3A_428 = tpu.memref_slice %arg3[%select_n3A_198, %dma_start3A_427, %mul3A_216] : memref<8x3x4096xf32, #tpu.memory_space<hbm>> -> memref<1x3x128xf32, #tpu.memory_space<hbm>>
        %dma_start3A_429 = tpu.memref_squeeze %dma_start3A_428 : memref<1x3x128xf32, #tpu.memory_space<hbm>> -> memref<3x128xf32, #tpu.memory_space<hbm>>
        tpu.enqueue_dma source(%dma_start3A_429 : memref<3x128xf32, #tpu.memory_space<hbm>>) target(%arg9 : memref<3x128xf32, #tpu.memory_space<vmem>>) target_semaphore(%run_scoped3A : memref<!tpu.dma_semaphore, #tpu.memory_space<semaphore_mem>>)
        %dma_wait3A_430 = arith.constant 0 : i32
        %dma_wait3A_431 = tpu.memref_slice %arg3[%select_n3A_198, %dma_wait3A_430, %mul3A_216] : memref<8x3x4096xf32, #tpu.memory_space<hbm>> -> memref<1x3x128xf32, #tpu.memory_space<hbm>>
        %dma_wait3A_432 = tpu.memref_squeeze %dma_wait3A_431 : memref<1x3x128xf32, #tpu.memory_space<hbm>> -> memref<3x128xf32, #tpu.memory_space<hbm>>
        %dma_wait3A_433 = arith.constant 0 : i32
        %dma_wait3A_434 = tpu.memref_slice %arg3[%select_n3A_198, %dma_wait3A_433, %mul3A_216] : memref<8x3x4096xf32, #tpu.memory_space<hbm>> -> memref<1x3x128xf32, #tpu.memory_space<hbm>>
        %dma_wait3A_435 = tpu.memref_squeeze %dma_wait3A_434 : memref<1x3x128xf32, #tpu.memory_space<hbm>> -> memref<3x128xf32, #tpu.memory_space<hbm>>
        tpu.wait_dma2 semaphore(%run_scoped3A : memref<!tpu.dma_semaphore, #tpu.memory_space<semaphore_mem>>) src(%dma_wait3A_435 : memref<3x128xf32, #tpu.memory_space<hbm>>) dst(%arg9 : memref<3x128xf32, #tpu.memory_space<vmem>>)
        tpu.yield
      }) : () -> ()
      "tpu.region"() ({
        %run_scoped3A = tpu.sem_alloc : memref<!tpu.dma_semaphore, #tpu.memory_space<semaphore_mem>>
        %dma_start3A_424 = arith.constant 0 : i32
        %dma_start3A_425 = tpu.memref_slice %arg4[%select_n3A_198, %dma_start3A_424, %mul3A_216] : memref<8x3x4096xf32, #tpu.memory_space<hbm>> -> memref<1x3x128xf32, #tpu.memory_space<hbm>>
        %dma_start3A_426 = tpu.memref_squeeze %dma_start3A_425 : memref<1x3x128xf32, #tpu.memory_space<hbm>> -> memref<3x128xf32, #tpu.memory_space<hbm>>
        %dma_start3A_427 = arith.constant 0 : i32
        %dma_start3A_428 = tpu.memref_slice %arg4[%select_n3A_198, %dma_start3A_427, %mul3A_216] : memref<8x3x4096xf32, #tpu.memory_space<hbm>> -> memref<1x3x128xf32, #tpu.memory_space<hbm>>
        %dma_start3A_429 = tpu.memref_squeeze %dma_start3A_428 : memref<1x3x128xf32, #tpu.memory_space<hbm>> -> memref<3x128xf32, #tpu.memory_space<hbm>>
        tpu.enqueue_dma source(%dma_start3A_429 : memref<3x128xf32, #tpu.memory_space<hbm>>) target(%arg10 : memref<3x128xf32, #tpu.memory_space<vmem>>) target_semaphore(%run_scoped3A : memref<!tpu.dma_semaphore, #tpu.memory_space<semaphore_mem>>)
        %dma_wait3A_430 = arith.constant 0 : i32
        %dma_wait3A_431 = tpu.memref_slice %arg4[%select_n3A_198, %dma_wait3A_430, %mul3A_216] : memref<8x3x4096xf32, #tpu.memory_space<hbm>> -> memref<1x3x128xf32, #tpu.memory_space<hbm>>
        %dma_wait3A_432 = tpu.memref_squeeze %dma_wait3A_431 : memref<1x3x128xf32, #tpu.memory_space<hbm>> -> memref<3x128xf32, #tpu.memory_space<hbm>>
        %dma_wait3A_433 = arith.constant 0 : i32
        %dma_wait3A_434 = tpu.memref_slice %arg4[%select_n3A_198, %dma_wait3A_433, %mul3A_216] : memref<8x3x4096xf32, #tpu.memory_space<hbm>> -> memref<1x3x128xf32, #tpu.memory_space<hbm>>
        %dma_wait3A_435 = tpu.memref_squeeze %dma_wait3A_434 : memref<1x3x128xf32, #tpu.memory_space<hbm>> -> memref<3x128xf32, #tpu.memory_space<hbm>>
        tpu.wait_dma2 semaphore(%run_scoped3A : memref<!tpu.dma_semaphore, #tpu.memory_space<semaphore_mem>>) src(%dma_wait3A_435 : memref<3x128xf32, #tpu.memory_space<hbm>>) dst(%arg10 : memref<3x128xf32, #tpu.memory_space<vmem>>)
        tpu.yield
      }) : () -> ()
      "tpu.region"() ({
        %run_scoped3A = tpu.sem_alloc : memref<!tpu.dma_semaphore, #tpu.memory_space<semaphore_mem>>
        %dma_start3A_424 = arith.constant 0 : i32
        %dma_start3A_425 = tpu.memref_slice %arg5[%select_n3A_198, %dma_start3A_424, %mul3A_216] : memref<8x3x4096xi32, #tpu.memory_space<hbm>> -> memref<1x3x128xi32, #tpu.memory_space<hbm>>
        %dma_start3A_426 = tpu.memref_squeeze %dma_start3A_425 : memref<1x3x128xi32, #tpu.memory_space<hbm>> -> memref<3x128xi32, #tpu.memory_space<hbm>>
        %dma_start3A_427 = arith.constant 0 : i32
        %dma_start3A_428 = tpu.memref_slice %arg5[%select_n3A_198, %dma_start3A_427, %mul3A_216] : memref<8x3x4096xi32, #tpu.memory_space<hbm>> -> memref<1x3x128xi32, #tpu.memory_space<hbm>>
        %dma_start3A_429 = tpu.memref_squeeze %dma_start3A_428 : memref<1x3x128xi32, #tpu.memory_space<hbm>> -> memref<3x128xi32, #tpu.memory_space<hbm>>
        tpu.enqueue_dma source(%dma_start3A_429 : memref<3x128xi32, #tpu.memory_space<hbm>>) target(%arg11 : memref<3x128xi32, #tpu.memory_space<vmem>>) target_semaphore(%run_scoped3A : memref<!tpu.dma_semaphore, #tpu.memory_space<semaphore_mem>>)
        %dma_wait3A_430 = arith.constant 0 : i32
        %dma_wait3A_431 = tpu.memref_slice %arg5[%select_n3A_198, %dma_wait3A_430, %mul3A_216] : memref<8x3x4096xi32, #tpu.memory_space<hbm>> -> memref<1x3x128xi32, #tpu.memory_space<hbm>>
        %dma_wait3A_432 = tpu.memref_squeeze %dma_wait3A_431 : memref<1x3x128xi32, #tpu.memory_space<hbm>> -> memref<3x128xi32, #tpu.memory_space<hbm>>
        %dma_wait3A_433 = arith.constant 0 : i32
        %dma_wait3A_434 = tpu.memref_slice %arg5[%select_n3A_198, %dma_wait3A_433, %mul3A_216] : memref<8x3x4096xi32, #tpu.memory_space<hbm>> -> memref<1x3x128xi32, #tpu.memory_space<hbm>>
        %dma_wait3A_435 = tpu.memref_squeeze %dma_wait3A_434 : memref<1x3x128xi32, #tpu.memory_space<hbm>> -> memref<3x128xi32, #tpu.memory_space<hbm>>
        tpu.wait_dma2 semaphore(%run_scoped3A : memref<!tpu.dma_semaphore, #tpu.memory_space<semaphore_mem>>) src(%dma_wait3A_435 : memref<3x128xi32, #tpu.memory_space<hbm>>) dst(%arg11 : memref<3x128xi32, #tpu.memory_space<vmem>>)
        tpu.yield
      }) : () -> ()
      %mul3A_217 = arith.constant 8 : i32
      %mul3A_218 = arith.muli %add3A, %mul3A_217 : i32
      %add3A_219 = arith.addi %mul3A_218, %scan3A_170 : i32
      %jit3A_220 = arith.constant 32 : i32
      %div3A_221 = arith.divsi %add3A_219, %jit3A_220 : i32
      %sign3A_222 = arith.constant 0 : i32
      %sign3A_223 = arith.cmpi sgt, %add3A_219, %sign3A_222 : i32
      %sign3A_224 = arith.extui %sign3A_223 : i1 to i32
      %sign3A_225 = arith.constant 0 : i32
      %sign3A_226 = arith.cmpi slt, %add3A_219, %sign3A_225 : i32
      %sign3A_227 = arith.extui %sign3A_226 : i1 to i32
      %sign3A_228 = arith.subi %sign3A_224, %sign3A_227 : i32
      %sign3A_229 = arith.constant 0 : i32
      %sign3A_230 = arith.cmpi sgt, %jit3A_220, %sign3A_229 : i32
      %sign3A_231 = arith.extui %sign3A_230 : i1 to i32
      %sign3A_232 = arith.constant 0 : i32
      %sign3A_233 = arith.cmpi slt, %jit3A_220, %sign3A_232 : i32
      %sign3A_234 = arith.extui %sign3A_233 : i1 to i32
      %sign3A_235 = arith.subi %sign3A_231, %sign3A_234 : i32
      %ne3A_236 = arith.cmpi ne, %sign3A_228, %sign3A_235 : i32
      %rem3A_237 = arith.remsi %add3A_219, %jit3A_220 : i32
      %ne3A_238 = arith.constant 0 : i32
      %ne3A_239 = arith.cmpi ne, %rem3A_237, %ne3A_238 : i32
      %and3A_240 = arith.andi %ne3A_236, %ne3A_239 : i1
      %sub3A_241 = arith.constant 1 : i32
      %sub3A_242 = arith.subi %div3A_221, %sub3A_241 : i32
      %select_n3A_243 = arith.select %and3A_240, %sub3A_242, %div3A_221 : i32
      %jit3A_244 = arith.constant 32 : i32
      %eq3A_245 = arith.constant 0 : i32
      %eq3A_246 = arith.cmpi eq, %jit3A_244, %eq3A_245 : i32
      %jit3A_247 = arith.constant 1 : i32
      %select_n3A_248 = arith.select %eq3A_246, %jit3A_247, %jit3A_244 : i32
      %rem3A_249 = arith.remsi %add3A_219, %select_n3A_248 : i32
      %ne3A_250 = arith.constant 0 : i32
      %ne3A_251 = arith.cmpi ne, %rem3A_249, %ne3A_250 : i32
      %lt3A_252 = arith.constant 0 : i32
      %lt3A_253 = arith.cmpi slt, %rem3A_249, %lt3A_252 : i32
      %lt3A_254 = arith.constant 0 : i32
      %lt3A_255 = arith.cmpi slt, %select_n3A_248, %lt3A_254 : i32
      %ne3A_256 = arith.xori %lt3A_253, %lt3A_255 : i1
      %and3A_257 = arith.andi %ne3A_256, %ne3A_251 : i1
      %add3A_258 = arith.addi %rem3A_249, %select_n3A_248 : i32
      %select_n3A_259 = arith.select %and3A_257, %add3A_258, %rem3A_249 : i32
      %mul3A_260 = arith.constant 128 : i32
      %mul3A_261 = arith.muli %select_n3A_259, %mul3A_260 : i32
      %dma_wait3A_262 = arith.constant 8 : i32
      %dma_wait3A_263 = arith.constant 0 : i32
      %dma_wait3A_264 = tpu.memref_slice %arg7[%dma_wait3A_262, %dma_wait3A_263] : memref<400x128xf32, #tpu.memory_space<vmem>> -> memref<384x128xf32, #tpu.memory_space<vmem>>
      %dma_wait3A_265 = arith.constant 0 : i32
      %dma_wait3A_266 = tpu.memref_slice %arg2[%select_n3A_243, %dma_wait3A_265, %mul3A_261] : memref<8x384x4096xf32, #tpu.memory_space<hbm>> -> memref<1x384x128xf32, #tpu.memory_space<hbm>>
      %dma_wait3A_267 = tpu.memref_squeeze %dma_wait3A_266 : memref<1x384x128xf32, #tpu.memory_space<hbm>> -> memref<384x128xf32, #tpu.memory_space<hbm>>
      %dma_wait3A_268 = arith.constant 8 : i32
      %dma_wait3A_269 = arith.constant 0 : i32
      %dma_wait3A_270 = tpu.memref_slice %arg7[%dma_wait3A_268, %dma_wait3A_269] : memref<400x128xf32, #tpu.memory_space<vmem>> -> memref<384x128xf32, #tpu.memory_space<vmem>>
      %dma_wait3A_271 = arith.constant 0 : i32
      %dma_wait3A_272 = tpu.memref_slice %arg2[%select_n3A_243, %dma_wait3A_271, %mul3A_261] : memref<8x384x4096xf32, #tpu.memory_space<hbm>> -> memref<1x384x128xf32, #tpu.memory_space<hbm>>
      %dma_wait3A_273 = tpu.memref_squeeze %dma_wait3A_272 : memref<1x384x128xf32, #tpu.memory_space<hbm>> -> memref<384x128xf32, #tpu.memory_space<hbm>>
      tpu.wait_dma2 semaphore(%arg12 : memref<!tpu.dma_semaphore, #tpu.memory_space<semaphore_mem>>) src(%dma_wait3A_273 : memref<384x128xf32, #tpu.memory_space<hbm>>) dst(%dma_wait3A_270 : memref<384x128xf32, #tpu.memory_space<vmem>>)
      %scan3A_274 = arith.constant 0 : i32
      %scan3A_275 = arith.constant 0 : i32
      %scan3A_276 = arith.constant 8 : i32
      %scan3A_277 = arith.addi %scan3A_275, %scan3A_276 : i32
      %scan3A_278 = arith.constant 1 : i32
      %scan3A_279 = scf.for %scan3A_424 = %scan3A_275 to %scan3A_277 step %scan3A_278 iter_args(%scan3A_425 = %scan3A_274) -> (i32)  : i32 {
        %mul3A_426 = arith.constant 16 : i32
        %mul3A_427 = arith.muli %scan3A_424, %mul3A_426 : i32
        %get3A = arith.constant 8 : i32
        %get3A_428 = arith.index_cast %get3A : i32 to index
        %get3A_429 = arith.index_cast %mul3A_427 : i32 to index
        %get3A_430 = tpu.vector_load %arg7[%get3A_428, %get3A_429] {strides = array<i32>} : memref<400x128xf32, #tpu.memory_space<vmem>>, vector<16xf32>,
        %get3A_431 = arith.constant 391 : i32
        %get3A_432 = arith.index_cast %get3A_431 : i32 to index
        %get3A_433 = arith.index_cast %mul3A_427 : i32 to index
        %get3A_434 = tpu.vector_load %arg7[%get3A_432, %get3A_433] {strides = array<i32>} : memref<400x128xf32, #tpu.memory_space<vmem>>, vector<16xf32>,
        %swap3A = arith.constant 7 : i32
        %swap3A_435 = arith.index_cast %swap3A : i32 to index
        %swap3A_436 = arith.index_cast %mul3A_427 : i32 to index
        %swap3A_437 = tpu.vector_load %arg7[%swap3A_435, %swap3A_436] {strides = array<i32>} : memref<400x128xf32, #tpu.memory_space<vmem>>, vector<16xf32>,
        tpu.vector_store %arg7[%swap3A_435, %swap3A_436], %get3A_430 {strides = array<i32>} : memref<400x128xf32, #tpu.memory_space<vmem>>, vector<16xf32>,
        %swap3A_438 = arith.constant 392 : i32
        %swap3A_439 = arith.index_cast %swap3A_438 : i32 to index
        %swap3A_440 = arith.index_cast %mul3A_427 : i32 to index
        %swap3A_441 = tpu.vector_load %arg7[%swap3A_439, %swap3A_440] {strides = array<i32>} : memref<400x128xf32, #tpu.memory_space<vmem>>, vector<16xf32>,
        tpu.vector_store %arg7[%swap3A_439, %swap3A_440], %get3A_434 {strides = array<i32>} : memref<400x128xf32, #tpu.memory_space<vmem>>, vector<16xf32>,
        %swap3A_442 = arith.constant 6 : i32
        %swap3A_443 = arith.index_cast %swap3A_442 : i32 to index
        %swap3A_444 = arith.index_cast %mul3A_427 : i32 to index
        %swap3A_445 = tpu.vector_load %arg7[%swap3A_443, %swap3A_444] {strides = array<i32>} : memref<400x128xf32, #tpu.memory_space<vmem>>, vector<16xf32>,
        tpu.vector_store %arg7[%swap3A_443, %swap3A_444], %get3A_430 {strides = array<i32>} : memref<400x128xf32, #tpu.memory_space<vmem>>, vector<16xf32>,
        %swap3A_446 = arith.constant 393 : i32
        %swap3A_447 = arith.index_cast %swap3A_446 : i32 to index
        %swap3A_448 = arith.index_cast %mul3A_427 : i32 to index
        %swap3A_449 = tpu.vector_load %arg7[%swap3A_447, %swap3A_448] {strides = array<i32>} : memref<400x128xf32, #tpu.memory_space<vmem>>, vector<16xf32>,
        tpu.vector_store %arg7[%swap3A_447, %swap3A_448], %get3A_434 {strides = array<i32>} : memref<400x128xf32, #tpu.memory_space<vmem>>, vector<16xf32>,
        %swap3A_450 = arith.constant 5 : i32
        %swap3A_451 = arith.index_cast %swap3A_450 : i32 to index
        %swap3A_452 = arith.index_cast %mul3A_427 : i32 to index
        %swap3A_453 = tpu.vector_load %arg7[%swap3A_451, %swap3A_452] {strides = array<i32>} : memref<400x128xf32, #tpu.memory_space<vmem>>, vector<16xf32>,
        tpu.vector_store %arg7[%swap3A_451, %swap3A_452], %get3A_430 {strides = array<i32>} : memref<400x128xf32, #tpu.memory_space<vmem>>, vector<16xf32>,
        %swap3A_454 = arith.constant 394 : i32
        %swap3A_455 = arith.index_cast %swap3A_454 : i32 to index
        %swap3A_456 = arith.index_cast %mul3A_427 : i32 to index
        %swap3A_457 = tpu.vector_load %arg7[%swap3A_455, %swap3A_456] {strides = array<i32>} : memref<400x128xf32, #tpu.memory_space<vmem>>, vector<16xf32>,
        tpu.vector_store %arg7[%swap3A_455, %swap3A_456], %get3A_434 {strides = array<i32>} : memref<400x128xf32, #tpu.memory_space<vmem>>, vector<16xf32>,
        %scan3A_458 = arith.constant 0 : i32
        scf.yield %scan3A_458 : i32
      }
      %scan3A_280 = arith.constant 8 : i32
      %gt3A = arith.constant 0 : i32
      %gt3A_281 = arith.cmpi sgt, %scan3A_170, %gt3A : i32
      %convert_element_type3A = arith.extui %gt3A_281 : i1 to i32
      %cond3A = arith.constant 0 : i32
      %cond3A_282 = arith.cmpi ne, %convert_element_type3A, %cond3A : i32
      scf.if %cond3A_282 {
        %mul3A_424 = arith.constant 8 : i32
        %mul3A_425 = arith.muli %add3A, %mul3A_424 : i32
        %add3A_426 = arith.addi %mul3A_425, %scan3A_170 : i32
        %jit3A_427 = arith.constant 32 : i32
        %div3A_428 = arith.divsi %add3A_426, %jit3A_427 : i32
        %sign3A_429 = arith.constant 0 : i32
        %sign3A_430 = arith.cmpi sgt, %add3A_426, %sign3A_429 : i32
        %sign3A_431 = arith.extui %sign3A_430 : i1 to i32
        %sign3A_432 = arith.constant 0 : i32
        %sign3A_433 = arith.cmpi slt, %add3A_426, %sign3A_432 : i32
        %sign3A_434 = arith.extui %sign3A_433 : i1 to i32
        %sign3A_435 = arith.subi %sign3A_431, %sign3A_434 : i32
        %sign3A_436 = arith.constant 0 : i32
        %sign3A_437 = arith.cmpi sgt, %jit3A_427, %sign3A_436 : i32
        %sign3A_438 = arith.extui %sign3A_437 : i1 to i32
        %sign3A_439 = arith.constant 0 : i32
        %sign3A_440 = arith.cmpi slt, %jit3A_427, %sign3A_439 : i32
        %sign3A_441 = arith.extui %sign3A_440 : i1 to i32
        %sign3A_442 = arith.subi %sign3A_438, %sign3A_441 : i32
        %ne3A_443 = arith.cmpi ne, %sign3A_435, %sign3A_442 : i32
        %rem3A_444 = arith.remsi %add3A_426, %jit3A_427 : i32
        %ne3A_445 = arith.constant 0 : i32
        %ne3A_446 = arith.cmpi ne, %rem3A_444, %ne3A_445 : i32
        %and3A_447 = arith.andi %ne3A_443, %ne3A_446 : i1
        %sub3A_448 = arith.constant 1 : i32
        %sub3A_449 = arith.subi %div3A_428, %sub3A_448 : i32
        %select_n3A_450 = arith.select %and3A_447, %sub3A_449, %div3A_428 : i32
        %jit3A_451 = arith.constant 32 : i32
        %eq3A_452 = arith.constant 0 : i32
        %eq3A_453 = arith.cmpi eq, %jit3A_451, %eq3A_452 : i32
        %jit3A_454 = arith.constant 1 : i32
        %select_n3A_455 = arith.select %eq3A_453, %jit3A_454, %jit3A_451 : i32
        %rem3A_456 = arith.remsi %add3A_426, %select_n3A_455 : i32
        %ne3A_457 = arith.constant 0 : i32
        %ne3A_458 = arith.cmpi ne, %rem3A_456, %ne3A_457 : i32
        %lt3A_459 = arith.constant 0 : i32
        %lt3A_460 = arith.cmpi slt, %rem3A_456, %lt3A_459 : i32
        %lt3A_461 = arith.constant 0 : i32
        %lt3A_462 = arith.cmpi slt, %select_n3A_455, %lt3A_461 : i32
        %ne3A_463 = arith.xori %lt3A_460, %lt3A_462 : i1
        %and3A_464 = arith.andi %ne3A_463, %ne3A_458 : i1
        %add3A_465 = arith.addi %rem3A_456, %select_n3A_455 : i32
        %select_n3A_466 = arith.select %and3A_464, %add3A_465, %rem3A_456 : i32
        %mul3A_467 = arith.constant 128 : i32
        %mul3A_468 = arith.muli %select_n3A_466, %mul3A_467 : i32
        %dma_wait3A_469 = arith.constant 0 : i32
        %dma_wait3A_470 = arith.constant 0 : i32
        %dma_wait3A_471 = tpu.memref_slice %arg8[%dma_wait3A_469, %dma_wait3A_470] : memref<384x128xf32, #tpu.memory_space<vmem>> -> memref<192x128xf32, #tpu.memory_space<vmem>>
        %dma_wait3A_472 = arith.constant 0 : i32
        %dma_wait3A_473 = tpu.memref_slice %arg6[%select_n3A_450, %dma_wait3A_472, %mul3A_468] : memref<8x384x4096xf32, #tpu.memory_space<hbm>> -> memref<1x192x128xf32, #tpu.memory_space<hbm>>
        %dma_wait3A_474 = tpu.memref_squeeze %dma_wait3A_473 : memref<1x192x128xf32, #tpu.memory_space<hbm>> -> memref<192x128xf32, #tpu.memory_space<hbm>>
        %dma_wait3A_475 = arith.constant 0 : i32
        %dma_wait3A_476 = tpu.memref_slice %arg6[%select_n3A_450, %dma_wait3A_475, %mul3A_468] : memref<8x384x4096xf32, #tpu.memory_space<hbm>> -> memref<1x192x128xf32, #tpu.memory_space<hbm>>
        %dma_wait3A_477 = tpu.memref_squeeze %dma_wait3A_476 : memref<1x192x128xf32, #tpu.memory_space<hbm>> -> memref<192x128xf32, #tpu.memory_space<hbm>>
        %dma_wait3A_478 = arith.constant 0 : i32
        %dma_wait3A_479 = arith.constant 0 : i32
        %dma_wait3A_480 = tpu.memref_slice %arg8[%dma_wait3A_478, %dma_wait3A_479] : memref<384x128xf32, #tpu.memory_space<vmem>> -> memref<192x128xf32, #tpu.memory_space<vmem>>
        tpu.wait_dma2 semaphore(%arg13 : memref<!tpu.dma_semaphore, #tpu.memory_space<semaphore_mem>>) src(%dma_wait3A_480 : memref<192x128xf32, #tpu.memory_space<vmem>>) dst(%dma_wait3A_477 : memref<192x128xf32, #tpu.memory_space<hbm>>)
      } else {
      }
      %scan3A_283 = arith.constant 0 : i32
      %scan3A_284 = arith.constant 0 : i32
      %scan3A_285 = arith.constant 8 : i32
      %scan3A_286 = arith.addi %scan3A_284, %scan3A_285 : i32
      %scan3A_287 = arith.constant 1 : i32
      %scan3A_288 = scf.for %scan3A_424 = %scan3A_284 to %scan3A_286 step %scan3A_287 iter_args(%scan3A_425 = %scan3A_283) -> (i32)  : i32 {
        %mul3A_426 = arith.constant 16 : i32
        %mul3A_427 = arith.muli %scan3A_424, %mul3A_426 : i32
        %get3A = arith.constant 0 : i32
        %get3A_428 = arith.index_cast %get3A : i32 to index
        %get3A_429 = arith.index_cast %mul3A_427 : i32 to index
        %get3A_430 = tpu.vector_load %arg11[%get3A_428, %get3A_429] {strides = array<i32>} : memref<3x128xi32, #tpu.memory_space<vmem>>, vector<16xi32>,
        %get3A_431 = arith.constant 1 : i32
        %get3A_432 = arith.index_cast %get3A_431 : i32 to index
        %get3A_433 = arith.index_cast %mul3A_427 : i32 to index
        %get3A_434 = tpu.vector_load %arg11[%get3A_432, %get3A_433] {strides = array<i32>} : memref<3x128xi32, #tpu.memory_space<vmem>>, vector<16xi32>,
        %get3A_435 = arith.constant 2 : i32
        %get3A_436 = arith.index_cast %get3A_435 : i32 to index
        %get3A_437 = arith.index_cast %mul3A_427 : i32 to index
        %get3A_438 = tpu.vector_load %arg11[%get3A_436, %get3A_437] {strides = array<i32>} : memref<3x128xi32, #tpu.memory_space<vmem>>, vector<16xi32>,
        %get3A_439 = arith.constant 0 : i32
        %get3A_440 = arith.index_cast %get3A_439 : i32 to index
        %get3A_441 = arith.index_cast %mul3A_427 : i32 to index
        %get3A_442 = tpu.vector_load %arg9[%get3A_440, %get3A_441] {strides = array<i32>} : memref<3x128xf32, #tpu.memory_space<vmem>>, vector<16xf32>,
        %get3A_443 = arith.constant 1 : i32
        %get3A_444 = arith.index_cast %get3A_443 : i32 to index
        %get3A_445 = arith.index_cast %mul3A_427 : i32 to index
        %get3A_446 = tpu.vector_load %arg9[%get3A_444, %get3A_445] {strides = array<i32>} : memref<3x128xf32, #tpu.memory_space<vmem>>, vector<16xf32>,
        %get3A_447 = arith.constant 2 : i32
        %get3A_448 = arith.index_cast %get3A_447 : i32 to index
        %get3A_449 = arith.index_cast %mul3A_427 : i32 to index
        %get3A_450 = tpu.vector_load %arg9[%get3A_448, %get3A_449] {strides = array<i32>} : memref<3x128xf32, #tpu.memory_space<vmem>>, vector<16xf32>,
        %get3A_451 = arith.constant 0 : i32
        %get3A_452 = arith.index_cast %get3A_451 : i32 to index
        %get3A_453 = arith.index_cast %mul3A_427 : i32 to index
        %get3A_454 = tpu.vector_load %arg10[%get3A_452, %get3A_453] {strides = array<i32>} : memref<3x128xf32, #tpu.memory_space<vmem>>, vector<16xf32>,
        %get3A_455 = arith.constant 1 : i32
        %get3A_456 = arith.index_cast %get3A_455 : i32 to index
        %get3A_457 = arith.index_cast %mul3A_427 : i32 to index
        %get3A_458 = tpu.vector_load %arg10[%get3A_456, %get3A_457] {strides = array<i32>} : memref<3x128xf32, #tpu.memory_space<vmem>>, vector<16xf32>,
        %get3A_459 = arith.constant 2 : i32
        %get3A_460 = arith.index_cast %get3A_459 : i32 to index
        %get3A_461 = arith.index_cast %mul3A_427 : i32 to index
        %get3A_462 = tpu.vector_load %arg10[%get3A_460, %get3A_461] {strides = array<i32>} : memref<3x128xf32, #tpu.memory_space<vmem>>, vector<16xf32>,
        %min3A = arith.minsi %get3A_430, %get3A_434 : vector<16xi32>
        %min3A_463 = arith.minsi %min3A, %get3A_438 : vector<16xi32>
        %reduce_min3A = arith.constant true
        %reduce_min3A_464 = vector.broadcast %reduce_min3A : i1 to vector<16xi1>
        %reduce_min3A_465 = arith.constant -2147483648 : i32
        %reduce_min3A_466 = vector.broadcast %reduce_min3A_465 : i32 to vector<16xi32>
        %reduce_min3A_467 = arith.xori %min3A_463, %reduce_min3A_466 : vector<16xi32>
        %reduce_min3A_468 = tpu.scan <min>, %reduce_min3A_467 masked %reduce_min3A_464 : vector<16xi32>, vector<16xi1> -> vector<16xi32>
        %reduce_min3A_469 = arith.xori %reduce_min3A_468, %reduce_min3A_466 : vector<16xi32>
        %reduce_min3A_470 = vector.extract %reduce_min3A_469[15] : i32 from vector<16xi32>
        %max3A = arith.maxsi %get3A_430, %get3A_434 : vector<16xi32>
        %max3A_471 = arith.maxsi %max3A, %get3A_438 : vector<16xi32>
        %reduce_max3A = arith.constant true
        %reduce_max3A_472 = vector.broadcast %reduce_max3A : i1 to vector<16xi1>
        %reduce_max3A_473 = arith.constant -2147483648 : i32
        %reduce_max3A_474 = vector.broadcast %reduce_max3A_473 : i32 to vector<16xi32>
        %reduce_max3A_475 = arith.xori %max3A_471, %reduce_max3A_474 : vector<16xi32>
        %reduce_max3A_476 = tpu.scan <max>, %reduce_max3A_475 masked %reduce_max3A_472 : vector<16xi32>, vector<16xi1> -> vector<16xi32>
        %reduce_max3A_477 = arith.xori %reduce_max3A_476, %reduce_max3A_474 : vector<16xi32>
        %reduce_max3A_478 = vector.extract %reduce_max3A_477[15] : i32 from vector<16xi32>
        %add3A_479 = arith.constant 1 : i32
        %add3A_480 = arith.addi %reduce_max3A_478, %add3A_479 : i32
        %ge3A = arith.constant -3 : i32
        %ge3A_481 = arith.cmpi sge, %reduce_min3A_470, %ge3A : i32
        %le3A = arith.constant 3 : i32
        %le3A_482 = arith.cmpi sle, %add3A_480, %le3A : i32
        %and3A_483 = arith.andi %ge3A_481, %le3A_482 : i1
        %sub3A_484 = arith.subi %add3A_480, %reduce_min3A_470 : i32
        %le3A_485 = arith.constant 3 : i32
        %le3A_486 = arith.cmpi sle, %sub3A_484, %le3A_485 : i32
        %and3A_487 = arith.andi %and3A_483, %le3A_486 : i1
        %convert_element_type3A_488 = arith.extui %and3A_487 : i1 to i32
        %cond3A_489 = arith.constant 0 : i32
        %cond3A_490 = arith.cmpi ne, %convert_element_type3A_488, %cond3A_489 : i32
        scf.if %cond3A_490 {
          %add3A_496 = arith.constant 0 : i32
          %add3A_497 = arith.addi %reduce_min3A_470, %add3A_496 : i32
          %eq3A_498 = vector.broadcast %add3A_497 : i32 to vector<16xi32>
          %eq3A_499 = arith.cmpi eq, %get3A_430, %eq3A_498 : vector<16xi32>
          %select_n3A_500 = arith.select %eq3A_499, %get3A_442, %broadcast_in_dim3A_1 : vector<16xi1>, vector<16xf32>
          %add3A_501 = arith.addf %broadcast_in_dim3A_1, %select_n3A_500 : vector<16xf32>
          %add3A_502 = arith.constant 1 : i32
          %add3A_503 = vector.broadcast %add3A_502 : i32 to vector<16xi32>
          %add3A_504 = arith.addi %get3A_430, %add3A_503 : vector<16xi32>
          %eq3A_505 = vector.broadcast %add3A_497 : i32 to vector<16xi32>
          %eq3A_506 = arith.cmpi eq, %add3A_504, %eq3A_505 : vector<16xi32>
          %select_n3A_507 = arith.select %eq3A_506, %get3A_454, %broadcast_in_dim3A_1 : vector<16xi1>, vector<16xf32>
          %add3A_508 = arith.addf %add3A_501, %select_n3A_507 : vector<16xf32>
          %eq3A_509 = vector.broadcast %add3A_497 : i32 to vector<16xi32>
          %eq3A_510 = arith.cmpi eq, %get3A_434, %eq3A_509 : vector<16xi32>
          %select_n3A_511 = arith.select %eq3A_510, %get3A_446, %broadcast_in_dim3A_1 : vector<16xi1>, vector<16xf32>
          %add3A_512 = arith.addf %add3A_508, %select_n3A_511 : vector<16xf32>
          %add3A_513 = arith.constant 1 : i32
          %add3A_514 = vector.broadcast %add3A_513 : i32 to vector<16xi32>
          %add3A_515 = arith.addi %get3A_434, %add3A_514 : vector<16xi32>
          %eq3A_516 = vector.broadcast %add3A_497 : i32 to vector<16xi32>
          %eq3A_517 = arith.cmpi eq, %add3A_515, %eq3A_516 : vector<16xi32>
          %select_n3A_518 = arith.select %eq3A_517, %get3A_458, %broadcast_in_dim3A_1 : vector<16xi1>, vector<16xf32>
          %add3A_519 = arith.addf %add3A_512, %select_n3A_518 : vector<16xf32>
          %eq3A_520 = vector.broadcast %add3A_497 : i32 to vector<16xi32>
          %eq3A_521 = arith.cmpi eq, %get3A_438, %eq3A_520 : vector<16xi32>
          %select_n3A_522 = arith.select %eq3A_521, %get3A_450, %broadcast_in_dim3A_1 : vector<16xi1>, vector<16xf32>
          %add3A_523 = arith.addf %add3A_519, %select_n3A_522 : vector<16xf32>
          %add3A_524 = arith.constant 1 : i32
          %add3A_525 = vector.broadcast %add3A_524 : i32 to vector<16xi32>
          %add3A_526 = arith.addi %get3A_438, %add3A_525 : vector<16xi32>
          %eq3A_527 = vector.broadcast %add3A_497 : i32 to vector<16xi32>
          %eq3A_528 = arith.cmpi eq, %add3A_526, %eq3A_527 : vector<16xi32>
          %select_n3A_529 = arith.select %eq3A_528, %get3A_462, %broadcast_in_dim3A_1 : vector<16xi1>, vector<16xf32>
          %add3A_530 = arith.addf %add3A_523, %select_n3A_529 : vector<16xf32>
          %add3A_531 = arith.constant 1 : i32
          %add3A_532 = arith.addi %reduce_min3A_470, %add3A_531 : i32
          %eq3A_533 = vector.broadcast %add3A_532 : i32 to vector<16xi32>
          %eq3A_534 = arith.cmpi eq, %get3A_430, %eq3A_533 : vector<16xi32>
          %select_n3A_535 = arith.select %eq3A_534, %get3A_442, %broadcast_in_dim3A_1 : vector<16xi1>, vector<16xf32>
          %add3A_536 = arith.addf %broadcast_in_dim3A_1, %select_n3A_535 : vector<16xf32>
          %add3A_537 = arith.constant 1 : i32
          %add3A_538 = vector.broadcast %add3A_537 : i32 to vector<16xi32>
          %add3A_539 = arith.addi %get3A_430, %add3A_538 : vector<16xi32>
          %eq3A_540 = vector.broadcast %add3A_532 : i32 to vector<16xi32>
          %eq3A_541 = arith.cmpi eq, %add3A_539, %eq3A_540 : vector<16xi32>
          %select_n3A_542 = arith.select %eq3A_541, %get3A_454, %broadcast_in_dim3A_1 : vector<16xi1>, vector<16xf32>
          %add3A_543 = arith.addf %add3A_536, %select_n3A_542 : vector<16xf32>
          %eq3A_544 = vector.broadcast %add3A_532 : i32 to vector<16xi32>
          %eq3A_545 = arith.cmpi eq, %get3A_434, %eq3A_544 : vector<16xi32>
          %select_n3A_546 = arith.select %eq3A_545, %get3A_446, %broadcast_in_dim3A_1 : vector<16xi1>, vector<16xf32>
          %add3A_547 = arith.addf %add3A_543, %select_n3A_546 : vector<16xf32>
          %add3A_548 = arith.constant 1 : i32
          %add3A_549 = vector.broadcast %add3A_548 : i32 to vector<16xi32>
          %add3A_550 = arith.addi %get3A_434, %add3A_549 : vector<16xi32>
          %eq3A_551 = vector.broadcast %add3A_532 : i32 to vector<16xi32>
          %eq3A_552 = arith.cmpi eq, %add3A_550, %eq3A_551 : vector<16xi32>
          %select_n3A_553 = arith.select %eq3A_552, %get3A_458, %broadcast_in_dim3A_1 : vector<16xi1>, vector<16xf32>
          %add3A_554 = arith.addf %add3A_547, %select_n3A_553 : vector<16xf32>
          %eq3A_555 = vector.broadcast %add3A_532 : i32 to vector<16xi32>
          %eq3A_556 = arith.cmpi eq, %get3A_438, %eq3A_555 : vector<16xi32>
          %select_n3A_557 = arith.select %eq3A_556, %get3A_450, %broadcast_in_dim3A_1 : vector<16xi1>, vector<16xf32>
          %add3A_558 = arith.addf %add3A_554, %select_n3A_557 : vector<16xf32>
          %add3A_559 = arith.constant 1 : i32
          %add3A_560 = vector.broadcast %add3A_559 : i32 to vector<16xi32>
          %add3A_561 = arith.addi %get3A_438, %add3A_560 : vector<16xi32>
          %eq3A_562 = vector.broadcast %add3A_532 : i32 to vector<16xi32>
          %eq3A_563 = arith.cmpi eq, %add3A_561, %eq3A_562 : vector<16xi32>
          %select_n3A_564 = arith.select %eq3A_563, %get3A_462, %broadcast_in_dim3A_1 : vector<16xi1>, vector<16xf32>
          %add3A_565 = arith.addf %add3A_558, %select_n3A_564 : vector<16xf32>
          %add3A_566 = arith.constant 2 : i32
          %add3A_567 = arith.addi %reduce_min3A_470, %add3A_566 : i32
          %eq3A_568 = vector.broadcast %add3A_567 : i32 to vector<16xi32>
          %eq3A_569 = arith.cmpi eq, %get3A_430, %eq3A_568 : vector<16xi32>
          %select_n3A_570 = arith.select %eq3A_569, %get3A_442, %broadcast_in_dim3A_1 : vector<16xi1>, vector<16xf32>
          %add3A_571 = arith.addf %broadcast_in_dim3A_1, %select_n3A_570 : vector<16xf32>
          %add3A_572 = arith.constant 1 : i32
          %add3A_573 = vector.broadcast %add3A_572 : i32 to vector<16xi32>
          %add3A_574 = arith.addi %get3A_430, %add3A_573 : vector<16xi32>
          %eq3A_575 = vector.broadcast %add3A_567 : i32 to vector<16xi32>
          %eq3A_576 = arith.cmpi eq, %add3A_574, %eq3A_575 : vector<16xi32>
          %select_n3A_577 = arith.select %eq3A_576, %get3A_454, %broadcast_in_dim3A_1 : vector<16xi1>, vector<16xf32>
          %add3A_578 = arith.addf %add3A_571, %select_n3A_577 : vector<16xf32>
          %eq3A_579 = vector.broadcast %add3A_567 : i32 to vector<16xi32>
          %eq3A_580 = arith.cmpi eq, %get3A_434, %eq3A_579 : vector<16xi32>
          %select_n3A_581 = arith.select %eq3A_580, %get3A_446, %broadcast_in_dim3A_1 : vector<16xi1>, vector<16xf32>
          %add3A_582 = arith.addf %add3A_578, %select_n3A_581 : vector<16xf32>
          %add3A_583 = arith.constant 1 : i32
          %add3A_584 = vector.broadcast %add3A_583 : i32 to vector<16xi32>
          %add3A_585 = arith.addi %get3A_434, %add3A_584 : vector<16xi32>
          %eq3A_586 = vector.broadcast %add3A_567 : i32 to vector<16xi32>
          %eq3A_587 = arith.cmpi eq, %add3A_585, %eq3A_586 : vector<16xi32>
          %select_n3A_588 = arith.select %eq3A_587, %get3A_458, %broadcast_in_dim3A_1 : vector<16xi1>, vector<16xf32>
          %add3A_589 = arith.addf %add3A_582, %select_n3A_588 : vector<16xf32>
          %eq3A_590 = vector.broadcast %add3A_567 : i32 to vector<16xi32>
          %eq3A_591 = arith.cmpi eq, %get3A_438, %eq3A_590 : vector<16xi32>
          %select_n3A_592 = arith.select %eq3A_591, %get3A_450, %broadcast_in_dim3A_1 : vector<16xi1>, vector<16xf32>
          %add3A_593 = arith.addf %add3A_589, %select_n3A_592 : vector<16xf32>
          %add3A_594 = arith.constant 1 : i32
          %add3A_595 = vector.broadcast %add3A_594 : i32 to vector<16xi32>
          %add3A_596 = arith.addi %get3A_438, %add3A_595 : vector<16xi32>
          %eq3A_597 = vector.broadcast %add3A_567 : i32 to vector<16xi32>
          %eq3A_598 = arith.cmpi eq, %add3A_596, %eq3A_597 : vector<16xi32>
          %select_n3A_599 = arith.select %eq3A_598, %get3A_462, %broadcast_in_dim3A_1 : vector<16xi1>, vector<16xf32>
          %add3A_600 = arith.addf %add3A_593, %select_n3A_599 : vector<16xf32>
          %add3A_601 = arith.constant 3 : i32
          %add3A_602 = arith.addi %reduce_min3A_470, %add3A_601 : i32
          %eq3A_603 = vector.broadcast %add3A_602 : i32 to vector<16xi32>
          %eq3A_604 = arith.cmpi eq, %get3A_430, %eq3A_603 : vector<16xi32>
          %select_n3A_605 = arith.select %eq3A_604, %get3A_442, %broadcast_in_dim3A_1 : vector<16xi1>, vector<16xf32>
          %add3A_606 = arith.addf %broadcast_in_dim3A_1, %select_n3A_605 : vector<16xf32>
          %add3A_607 = arith.constant 1 : i32
          %add3A_608 = vector.broadcast %add3A_607 : i32 to vector<16xi32>
          %add3A_609 = arith.addi %get3A_430, %add3A_608 : vector<16xi32>
          %eq3A_610 = vector.broadcast %add3A_602 : i32 to vector<16xi32>
          %eq3A_611 = arith.cmpi eq, %add3A_609, %eq3A_610 : vector<16xi32>
          %select_n3A_612 = arith.select %eq3A_611, %get3A_454, %broadcast_in_dim3A_1 : vector<16xi1>, vector<16xf32>
          %add3A_613 = arith.addf %add3A_606, %select_n3A_612 : vector<16xf32>
          %eq3A_614 = vector.broadcast %add3A_602 : i32 to vector<16xi32>
          %eq3A_615 = arith.cmpi eq, %get3A_434, %eq3A_614 : vector<16xi32>
          %select_n3A_616 = arith.select %eq3A_615, %get3A_446, %broadcast_in_dim3A_1 : vector<16xi1>, vector<16xf32>
          %add3A_617 = arith.addf %add3A_613, %select_n3A_616 : vector<16xf32>
          %add3A_618 = arith.constant 1 : i32
          %add3A_619 = vector.broadcast %add3A_618 : i32 to vector<16xi32>
          %add3A_620 = arith.addi %get3A_434, %add3A_619 : vector<16xi32>
          %eq3A_621 = vector.broadcast %add3A_602 : i32 to vector<16xi32>
          %eq3A_622 = arith.cmpi eq, %add3A_620, %eq3A_621 : vector<16xi32>
          %select_n3A_623 = arith.select %eq3A_622, %get3A_458, %broadcast_in_dim3A_1 : vector<16xi1>, vector<16xf32>
          %add3A_624 = arith.addf %add3A_617, %select_n3A_623 : vector<16xf32>
          %eq3A_625 = vector.broadcast %add3A_602 : i32 to vector<16xi32>
          %eq3A_626 = arith.cmpi eq, %get3A_438, %eq3A_625 : vector<16xi32>
          %select_n3A_627 = arith.select %eq3A_626, %get3A_450, %broadcast_in_dim3A_1 : vector<16xi1>, vector<16xf32>
          %add3A_628 = arith.addf %add3A_624, %select_n3A_627 : vector<16xf32>
          %add3A_629 = arith.constant 1 : i32
          %add3A_630 = vector.broadcast %add3A_629 : i32 to vector<16xi32>
          %add3A_631 = arith.addi %get3A_438, %add3A_630 : vector<16xi32>
          %eq3A_632 = vector.broadcast %add3A_602 : i32 to vector<16xi32>
          %eq3A_633 = arith.cmpi eq, %add3A_631, %eq3A_632 : vector<16xi32>
          %select_n3A_634 = arith.select %eq3A_633, %get3A_462, %broadcast_in_dim3A_1 : vector<16xi1>, vector<16xf32>
          %add3A_635 = arith.addf %add3A_628, %select_n3A_634 : vector<16xf32>
          %add3A_636 = arith.constant 8 : i32
          %add3A_637 = arith.addi %reduce_min3A_470, %add3A_636 : i32
          %add3A_638 = arith.constant 0 : i32
          %add3A_639 = arith.addi %add3A_637, %add3A_638 : i32
          %get3A_640 = arith.index_cast %add3A_639 : i32 to index
          %get3A_641 = arith.index_cast %mul3A_427 : i32 to index
          %get3A_642 = tpu.vector_load %arg7[%get3A_640, %get3A_641] {strides = array<i32>} : memref<400x128xf32, #tpu.memory_space<vmem>>, vector<16xf32>,
          %add3A_643 = arith.constant 0 : i32
          %add3A_644 = arith.addi %add3A_637, %add3A_643 : i32
          %add3A_645 = arith.constant 1 : i32
          %add3A_646 = arith.addi %add3A_644, %add3A_645 : i32
          %get3A_647 = arith.index_cast %add3A_646 : i32 to index
          %get3A_648 = arith.index_cast %mul3A_427 : i32 to index
          %get3A_649 = tpu.vector_load %arg7[%get3A_647, %get3A_648] {strides = array<i32>} : memref<400x128xf32, #tpu.memory_space<vmem>>, vector<16xf32>,
          %add3A_650 = arith.constant 0 : i32
          %add3A_651 = arith.addi %add3A_637, %add3A_650 : i32
          %add3A_652 = arith.constant 2 : i32
          %add3A_653 = arith.addi %add3A_651, %add3A_652 : i32
          %get3A_654 = arith.index_cast %add3A_653 : i32 to index
          %get3A_655 = arith.index_cast %mul3A_427 : i32 to index
          %get3A_656 = tpu.vector_load %arg7[%get3A_654, %get3A_655] {strides = array<i32>} : memref<400x128xf32, #tpu.memory_space<vmem>>, vector<16xf32>,
          %parallel_loop3A = arith.constant 0 : i32
          %parallel_loop3A_657 = arith.constant 192 : i32
          %parallel_loop3A_658 = arith.constant 1 : i32
          %parallel_loop3A_659:3 = scf.for %parallel_loop3A_660 = %parallel_loop3A to %parallel_loop3A_657 step %parallel_loop3A_658 iter_args(%parallel_loop3A_661 = %get3A_642, %parallel_loop3A_662 = %get3A_649, %parallel_loop3A_663 = %get3A_656) -> (vector<16xf32>, vector<16xf32>, vector<16xf32>)  : i32 {
            %parallel_loop3A_664 = arith.addi %add3A_637, %parallel_loop3A_660 : i32
            %parallel_loop3A_665 = arith.constant 3 : i32
            %parallel_loop3A_666 = arith.addi %parallel_loop3A_664, %parallel_loop3A_665 : i32
            %parallel_loop3A_667 = arith.index_cast %parallel_loop3A_666 : i32 to index
            %parallel_loop3A_668 = arith.index_cast %mul3A_427 : i32 to index
            %parallel_loop3A_669 = tpu.vector_load %arg7[%parallel_loop3A_667, %parallel_loop3A_668] {strides = array<i32>} : memref<400x128xf32, #tpu.memory_space<vmem>>, vector<16xf32>,
            %parallel_loop3A_670 = arith.mulf %add3A_530, %parallel_loop3A_661 : vector<16xf32>
            %parallel_loop3A_671 = arith.mulf %add3A_565, %parallel_loop3A_662 : vector<16xf32>
            %parallel_loop3A_672 = arith.addf %parallel_loop3A_670, %parallel_loop3A_671 : vector<16xf32>
            %parallel_loop3A_673 = arith.mulf %add3A_600, %parallel_loop3A_663 : vector<16xf32>
            %parallel_loop3A_674 = arith.mulf %add3A_635, %parallel_loop3A_669 : vector<16xf32>
            %parallel_loop3A_675 = arith.addf %parallel_loop3A_673, %parallel_loop3A_674 : vector<16xf32>
            %parallel_loop3A_676 = arith.addf %parallel_loop3A_672, %parallel_loop3A_675 : vector<16xf32>
            %parallel_loop3A_677 = arith.index_cast %parallel_loop3A_660 : i32 to index
            %parallel_loop3A_678 = arith.index_cast %mul3A_427 : i32 to index
            %parallel_loop3A_679 = tpu.vector_load %arg8[%parallel_loop3A_677, %parallel_loop3A_678] {strides = array<i32>} : memref<384x128xf32, #tpu.memory_space<vmem>>, vector<16xf32>,
            tpu.vector_store %arg8[%parallel_loop3A_677, %parallel_loop3A_678], %parallel_loop3A_676 {strides = array<i32>} : memref<384x128xf32, #tpu.memory_space<vmem>>, vector<16xf32>,
            scf.yield %parallel_loop3A_662, %parallel_loop3A_663, %parallel_loop3A_669 : vector<16xf32>, vector<16xf32>, vector<16xf32>
          } {sc.loop_unroll_factor = 8 : i64, sc.parallel_access}
        } else {
        }
        %not3A = arith.constant true
        %not3A_491 = arith.xori %and3A_487, %not3A : i1
        %convert_element_type3A_492 = arith.extui %not3A_491 : i1 to i32
        %cond3A_493 = arith.constant 0 : i32
        %cond3A_494 = arith.cmpi ne, %convert_element_type3A_492, %cond3A_493 : i32
        scf.if %cond3A_494 {
          %parallel_loop3A = arith.constant 0 : i32
          %parallel_loop3A_496 = arith.constant 192 : i32
          %parallel_loop3A_497 = arith.constant 1 : i32
          scf.for %parallel_loop3A_510 = %parallel_loop3A to %parallel_loop3A_496 step %parallel_loop3A_497  : i32 {
            %parallel_loop3A_511 = arith.index_cast %parallel_loop3A_510 : i32 to index
            %parallel_loop3A_512 = arith.index_cast %mul3A_427 : i32 to index
            %parallel_loop3A_513 = tpu.vector_load %arg8[%parallel_loop3A_511, %parallel_loop3A_512] {strides = array<i32>} : memref<384x128xf32, #tpu.memory_space<vmem>>, vector<16xf32>,
            tpu.vector_store %arg8[%parallel_loop3A_511, %parallel_loop3A_512], %broadcast_in_dim3A_1 {strides = array<i32>} : memref<384x128xf32, #tpu.memory_space<vmem>>, vector<16xf32>,
          } {sc.loop_unroll_factor = 8 : i64, sc.parallel_access}
          %add3A_498 = arith.constant 1 : i32
          %add3A_499 = arith.addi %add3A_480, %add3A_498 : i32
          %while3A = arith.constant 0 : i32
          %while3A_500 = arith.subi %add3A_499, %reduce_min3A_470 : i32
          %while3A_501 = arith.addi %reduce_min3A_470, %while3A_500 : i32
          %while3A_502 = arith.constant 1 : i32
          %while3A_503 = arith.divsi %while3A_500, %while3A_502 : i32
          %while3A_504 = arith.muli %while3A_503, %while3A_502 : i32
          %while3A_505 = arith.addi %reduce_min3A_470, %while3A_504 : i32
          %while3A_506 = arith.constant 1 : i32
          %while3A_507 = scf.for %while3A_510 = %reduce_min3A_470 to %while3A_505 step %while3A_506 iter_args(%while3A_511 = %while3A) -> (i32)  : i32 {
            %eq3A_512 = vector.broadcast %while3A_510 : i32 to vector<16xi32>
            %eq3A_513 = arith.cmpi eq, %get3A_430, %eq3A_512 : vector<16xi32>
            %select_n3A_514 = arith.select %eq3A_513, %get3A_442, %broadcast_in_dim3A_1 : vector<16xi1>, vector<16xf32>
            %add3A_515 = arith.addf %broadcast_in_dim3A_1, %select_n3A_514 : vector<16xf32>
            %add3A_516 = arith.constant 1 : i32
            %add3A_517 = vector.broadcast %add3A_516 : i32 to vector<16xi32>
            %add3A_518 = arith.addi %get3A_430, %add3A_517 : vector<16xi32>
            %eq3A_519 = vector.broadcast %while3A_510 : i32 to vector<16xi32>
            %eq3A_520 = arith.cmpi eq, %add3A_518, %eq3A_519 : vector<16xi32>
            %select_n3A_521 = arith.select %eq3A_520, %get3A_454, %broadcast_in_dim3A_1 : vector<16xi1>, vector<16xf32>
            %add3A_522 = arith.addf %add3A_515, %select_n3A_521 : vector<16xf32>
            %eq3A_523 = vector.broadcast %while3A_510 : i32 to vector<16xi32>
            %eq3A_524 = arith.cmpi eq, %get3A_434, %eq3A_523 : vector<16xi32>
            %select_n3A_525 = arith.select %eq3A_524, %get3A_446, %broadcast_in_dim3A_1 : vector<16xi1>, vector<16xf32>
            %add3A_526 = arith.addf %add3A_522, %select_n3A_525 : vector<16xf32>
            %add3A_527 = arith.constant 1 : i32
            %add3A_528 = vector.broadcast %add3A_527 : i32 to vector<16xi32>
            %add3A_529 = arith.addi %get3A_434, %add3A_528 : vector<16xi32>
            %eq3A_530 = vector.broadcast %while3A_510 : i32 to vector<16xi32>
            %eq3A_531 = arith.cmpi eq, %add3A_529, %eq3A_530 : vector<16xi32>
            %select_n3A_532 = arith.select %eq3A_531, %get3A_458, %broadcast_in_dim3A_1 : vector<16xi1>, vector<16xf32>
            %add3A_533 = arith.addf %add3A_526, %select_n3A_532 : vector<16xf32>
            %eq3A_534 = vector.broadcast %while3A_510 : i32 to vector<16xi32>
            %eq3A_535 = arith.cmpi eq, %get3A_438, %eq3A_534 : vector<16xi32>
            %select_n3A_536 = arith.select %eq3A_535, %get3A_450, %broadcast_in_dim3A_1 : vector<16xi1>, vector<16xf32>
            %add3A_537 = arith.addf %add3A_533, %select_n3A_536 : vector<16xf32>
            %add3A_538 = arith.constant 1 : i32
            %add3A_539 = vector.broadcast %add3A_538 : i32 to vector<16xi32>
            %add3A_540 = arith.addi %get3A_438, %add3A_539 : vector<16xi32>
            %eq3A_541 = vector.broadcast %while3A_510 : i32 to vector<16xi32>
            %eq3A_542 = arith.cmpi eq, %add3A_540, %eq3A_541 : vector<16xi32>
            %select_n3A_543 = arith.select %eq3A_542, %get3A_462, %broadcast_in_dim3A_1 : vector<16xi1>, vector<16xf32>
            %add3A_544 = arith.addf %add3A_537, %select_n3A_543 : vector<16xf32>
            %scan3A_545 = arith.constant 0 : i32
            %scan3A_546 = arith.constant 0 : i32
            %scan3A_547 = arith.constant 192 : i32
            %scan3A_548 = arith.addi %scan3A_546, %scan3A_547 : i32
            %scan3A_549 = arith.constant 4 : i32
            %scan3A_550 = scf.for %scan3A_553 = %scan3A_546 to %scan3A_548 step %scan3A_549 iter_args(%scan3A_554 = %scan3A_545) -> (i32)  : i32 {
              %add3A_555 = arith.addi %scan3A_553, %while3A_510 : i32
              %max3A_556 = arith.constant 0 : i32
              %max3A_557 = arith.maxsi %add3A_555, %max3A_556 : i32
              %min3A_558 = arith.constant 383 : i32
              %min3A_559 = arith.minsi %max3A_557, %min3A_558 : i32
              %get3A_560 = arith.index_cast %scan3A_553 : i32 to index
              %get3A_561 = arith.index_cast %mul3A_427 : i32 to index
              %get3A_562 = tpu.vector_load %arg8[%get3A_560, %get3A_561] {strides = array<i32>} : memref<384x128xf32, #tpu.memory_space<vmem>>, vector<16xf32>,
              %add3A_563 = arith.constant 8 : i32
              %add3A_564 = arith.addi %min3A_559, %add3A_563 : i32
              %get3A_565 = arith.index_cast %add3A_564 : i32 to index
              %get3A_566 = arith.index_cast %mul3A_427 : i32 to index
              %get3A_567 = tpu.vector_load %arg7[%get3A_565, %get3A_566] {strides = array<i32>} : memref<400x128xf32, #tpu.memory_space<vmem>>, vector<16xf32>,
              %mul3A_568 = arith.mulf %add3A_544, %get3A_567 : vector<16xf32>
              %add3A_569 = arith.addf %get3A_562, %mul3A_568 : vector<16xf32>
              %swap3A = arith.index_cast %scan3A_553 : i32 to index
              %swap3A_570 = arith.index_cast %mul3A_427 : i32 to index
              %swap3A_571 = tpu.vector_load %arg8[%swap3A, %swap3A_570] {strides = array<i32>} : memref<384x128xf32, #tpu.memory_space<vmem>>, vector<16xf32>,
              tpu.vector_store %arg8[%swap3A, %swap3A_570], %add3A_569 {strides = array<i32>} : memref<384x128xf32, #tpu.memory_space<vmem>>, vector<16xf32>,
              %scan3A_572 = arith.constant 0 : i32
              %scan3A_573 = arith.constant 1 : i32
              %scan3A_574 = arith.addi %scan3A_553, %scan3A_573 : i32
              %add3A_575 = arith.addi %scan3A_574, %while3A_510 : i32
              %max3A_576 = arith.constant 0 : i32
              %max3A_577 = arith.maxsi %add3A_575, %max3A_576 : i32
              %min3A_578 = arith.constant 383 : i32
              %min3A_579 = arith.minsi %max3A_577, %min3A_578 : i32
              %get3A_580 = arith.index_cast %scan3A_574 : i32 to index
              %get3A_581 = arith.index_cast %mul3A_427 : i32 to index
              %get3A_582 = tpu.vector_load %arg8[%get3A_580, %get3A_581] {strides = array<i32>} : memref<384x128xf32, #tpu.memory_space<vmem>>, vector<16xf32>,
              %add3A_583 = arith.constant 8 : i32
              %add3A_584 = arith.addi %min3A_579, %add3A_583 : i32
              %get3A_585 = arith.index_cast %add3A_584 : i32 to index
              %get3A_586 = arith.index_cast %mul3A_427 : i32 to index
              %get3A_587 = tpu.vector_load %arg7[%get3A_585, %get3A_586] {strides = array<i32>} : memref<400x128xf32, #tpu.memory_space<vmem>>, vector<16xf32>,
              %mul3A_588 = arith.mulf %add3A_544, %get3A_587 : vector<16xf32>
              %add3A_589 = arith.addf %get3A_582, %mul3A_588 : vector<16xf32>
              %swap3A_590 = arith.index_cast %scan3A_574 : i32 to index
              %swap3A_591 = arith.index_cast %mul3A_427 : i32 to index
              %swap3A_592 = tpu.vector_load %arg8[%swap3A_590, %swap3A_591] {strides = array<i32>} : memref<384x128xf32, #tpu.memory_space<vmem>>, vector<16xf32>,
              tpu.vector_store %arg8[%swap3A_590, %swap3A_591], %add3A_589 {strides = array<i32>} : memref<384x128xf32, #tpu.memory_space<vmem>>, vector<16xf32>,
              %scan3A_593 = arith.constant 0 : i32
              %scan3A_594 = arith.constant 2 : i32
              %scan3A_595 = arith.addi %scan3A_553, %scan3A_594 : i32
              %add3A_596 = arith.addi %scan3A_595, %while3A_510 : i32
              %max3A_597 = arith.constant 0 : i32
              %max3A_598 = arith.maxsi %add3A_596, %max3A_597 : i32
              %min3A_599 = arith.constant 383 : i32
              %min3A_600 = arith.minsi %max3A_598, %min3A_599 : i32
              %get3A_601 = arith.index_cast %scan3A_595 : i32 to index
              %get3A_602 = arith.index_cast %mul3A_427 : i32 to index
              %get3A_603 = tpu.vector_load %arg8[%get3A_601, %get3A_602] {strides = array<i32>} : memref<384x128xf32, #tpu.memory_space<vmem>>, vector<16xf32>,
              %add3A_604 = arith.constant 8 : i32
              %add3A_605 = arith.addi %min3A_600, %add3A_604 : i32
              %get3A_606 = arith.index_cast %add3A_605 : i32 to index
              %get3A_607 = arith.index_cast %mul3A_427 : i32 to index
              %get3A_608 = tpu.vector_load %arg7[%get3A_606, %get3A_607] {strides = array<i32>} : memref<400x128xf32, #tpu.memory_space<vmem>>, vector<16xf32>,
              %mul3A_609 = arith.mulf %add3A_544, %get3A_608 : vector<16xf32>
              %add3A_610 = arith.addf %get3A_603, %mul3A_609 : vector<16xf32>
              %swap3A_611 = arith.index_cast %scan3A_595 : i32 to index
              %swap3A_612 = arith.index_cast %mul3A_427 : i32 to index
              %swap3A_613 = tpu.vector_load %arg8[%swap3A_611, %swap3A_612] {strides = array<i32>} : memref<384x128xf32, #tpu.memory_space<vmem>>, vector<16xf32>,
              tpu.vector_store %arg8[%swap3A_611, %swap3A_612], %add3A_610 {strides = array<i32>} : memref<384x128xf32, #tpu.memory_space<vmem>>, vector<16xf32>,
              %scan3A_614 = arith.constant 0 : i32
              %scan3A_615 = arith.constant 3 : i32
              %scan3A_616 = arith.addi %scan3A_553, %scan3A_615 : i32
              %add3A_617 = arith.addi %scan3A_616, %while3A_510 : i32
              %max3A_618 = arith.constant 0 : i32
              %max3A_619 = arith.maxsi %add3A_617, %max3A_618 : i32
              %min3A_620 = arith.constant 383 : i32
              %min3A_621 = arith.minsi %max3A_619, %min3A_620 : i32
              %get3A_622 = arith.index_cast %scan3A_616 : i32 to index
              %get3A_623 = arith.index_cast %mul3A_427 : i32 to index
              %get3A_624 = tpu.vector_load %arg8[%get3A_622, %get3A_623] {strides = array<i32>} : memref<384x128xf32, #tpu.memory_space<vmem>>, vector<16xf32>,
              %add3A_625 = arith.constant 8 : i32
              %add3A_626 = arith.addi %min3A_621, %add3A_625 : i32
              %get3A_627 = arith.index_cast %add3A_626 : i32 to index
              %get3A_628 = arith.index_cast %mul3A_427 : i32 to index
              %get3A_629 = tpu.vector_load %arg7[%get3A_627, %get3A_628] {strides = array<i32>} : memref<400x128xf32, #tpu.memory_space<vmem>>, vector<16xf32>,
              %mul3A_630 = arith.mulf %add3A_544, %get3A_629 : vector<16xf32>
              %add3A_631 = arith.addf %get3A_624, %mul3A_630 : vector<16xf32>
              %swap3A_632 = arith.index_cast %scan3A_616 : i32 to index
              %swap3A_633 = arith.index_cast %mul3A_427 : i32 to index
              %swap3A_634 = tpu.vector_load %arg8[%swap3A_632, %swap3A_633] {strides = array<i32>} : memref<384x128xf32, #tpu.memory_space<vmem>>, vector<16xf32>,
              tpu.vector_store %arg8[%swap3A_632, %swap3A_633], %add3A_631 {strides = array<i32>} : memref<384x128xf32, #tpu.memory_space<vmem>>, vector<16xf32>,
              %scan3A_635 = arith.constant 0 : i32
              scf.yield %scan3A_635 : i32
            }
            %scan3A_551 = arith.constant 192 : i32
            %while3A_552 = arith.constant 0 : i32
            scf.yield %while3A_552 : i32
          }
          %while3A_508 = arith.constant 1 : i32
          %while3A_509 = scf.for %while3A_510 = %while3A_505 to %while3A_501 step %while3A_508 iter_args(%while3A_511 = %while3A_507) -> (i32)  : i32 {
            %eq3A_512 = vector.broadcast %while3A_510 : i32 to vector<16xi32>
            %eq3A_513 = arith.cmpi eq, %get3A_430, %eq3A_512 : vector<16xi32>
            %select_n3A_514 = arith.select %eq3A_513, %get3A_442, %broadcast_in_dim3A_1 : vector<16xi1>, vector<16xf32>
            %add3A_515 = arith.addf %broadcast_in_dim3A_1, %select_n3A_514 : vector<16xf32>
            %add3A_516 = arith.constant 1 : i32
            %add3A_517 = vector.broadcast %add3A_516 : i32 to vector<16xi32>
            %add3A_518 = arith.addi %get3A_430, %add3A_517 : vector<16xi32>
            %eq3A_519 = vector.broadcast %while3A_510 : i32 to vector<16xi32>
            %eq3A_520 = arith.cmpi eq, %add3A_518, %eq3A_519 : vector<16xi32>
            %select_n3A_521 = arith.select %eq3A_520, %get3A_454, %broadcast_in_dim3A_1 : vector<16xi1>, vector<16xf32>
            %add3A_522 = arith.addf %add3A_515, %select_n3A_521 : vector<16xf32>
            %eq3A_523 = vector.broadcast %while3A_510 : i32 to vector<16xi32>
            %eq3A_524 = arith.cmpi eq, %get3A_434, %eq3A_523 : vector<16xi32>
            %select_n3A_525 = arith.select %eq3A_524, %get3A_446, %broadcast_in_dim3A_1 : vector<16xi1>, vector<16xf32>
            %add3A_526 = arith.addf %add3A_522, %select_n3A_525 : vector<16xf32>
            %add3A_527 = arith.constant 1 : i32
            %add3A_528 = vector.broadcast %add3A_527 : i32 to vector<16xi32>
            %add3A_529 = arith.addi %get3A_434, %add3A_528 : vector<16xi32>
            %eq3A_530 = vector.broadcast %while3A_510 : i32 to vector<16xi32>
            %eq3A_531 = arith.cmpi eq, %add3A_529, %eq3A_530 : vector<16xi32>
            %select_n3A_532 = arith.select %eq3A_531, %get3A_458, %broadcast_in_dim3A_1 : vector<16xi1>, vector<16xf32>
            %add3A_533 = arith.addf %add3A_526, %select_n3A_532 : vector<16xf32>
            %eq3A_534 = vector.broadcast %while3A_510 : i32 to vector<16xi32>
            %eq3A_535 = arith.cmpi eq, %get3A_438, %eq3A_534 : vector<16xi32>
            %select_n3A_536 = arith.select %eq3A_535, %get3A_450, %broadcast_in_dim3A_1 : vector<16xi1>, vector<16xf32>
            %add3A_537 = arith.addf %add3A_533, %select_n3A_536 : vector<16xf32>
            %add3A_538 = arith.constant 1 : i32
            %add3A_539 = vector.broadcast %add3A_538 : i32 to vector<16xi32>
            %add3A_540 = arith.addi %get3A_438, %add3A_539 : vector<16xi32>
            %eq3A_541 = vector.broadcast %while3A_510 : i32 to vector<16xi32>
            %eq3A_542 = arith.cmpi eq, %add3A_540, %eq3A_541 : vector<16xi32>
            %select_n3A_543 = arith.select %eq3A_542, %get3A_462, %broadcast_in_dim3A_1 : vector<16xi1>, vector<16xf32>
            %add3A_544 = arith.addf %add3A_537, %select_n3A_543 : vector<16xf32>
            %scan3A_545 = arith.constant 0 : i32
            %scan3A_546 = arith.constant 0 : i32
            %scan3A_547 = arith.constant 192 : i32
            %scan3A_548 = arith.addi %scan3A_546, %scan3A_547 : i32
            %scan3A_549 = arith.constant 4 : i32
            %scan3A_550 = scf.for %scan3A_553 = %scan3A_546 to %scan3A_548 step %scan3A_549 iter_args(%scan3A_554 = %scan3A_545) -> (i32)  : i32 {
              %add3A_555 = arith.addi %scan3A_553, %while3A_510 : i32
              %max3A_556 = arith.constant 0 : i32
              %max3A_557 = arith.maxsi %add3A_555, %max3A_556 : i32
              %min3A_558 = arith.constant 383 : i32
              %min3A_559 = arith.minsi %max3A_557, %min3A_558 : i32
              %get3A_560 = arith.index_cast %scan3A_553 : i32 to index
              %get3A_561 = arith.index_cast %mul3A_427 : i32 to index
              %get3A_562 = tpu.vector_load %arg8[%get3A_560, %get3A_561] {strides = array<i32>} : memref<384x128xf32, #tpu.memory_space<vmem>>, vector<16xf32>,
              %add3A_563 = arith.constant 8 : i32
              %add3A_564 = arith.addi %min3A_559, %add3A_563 : i32
              %get3A_565 = arith.index_cast %add3A_564 : i32 to index
              %get3A_566 = arith.index_cast %mul3A_427 : i32 to index
              %get3A_567 = tpu.vector_load %arg7[%get3A_565, %get3A_566] {strides = array<i32>} : memref<400x128xf32, #tpu.memory_space<vmem>>, vector<16xf32>,
              %mul3A_568 = arith.mulf %add3A_544, %get3A_567 : vector<16xf32>
              %add3A_569 = arith.addf %get3A_562, %mul3A_568 : vector<16xf32>
              %swap3A = arith.index_cast %scan3A_553 : i32 to index
              %swap3A_570 = arith.index_cast %mul3A_427 : i32 to index
              %swap3A_571 = tpu.vector_load %arg8[%swap3A, %swap3A_570] {strides = array<i32>} : memref<384x128xf32, #tpu.memory_space<vmem>>, vector<16xf32>,
              tpu.vector_store %arg8[%swap3A, %swap3A_570], %add3A_569 {strides = array<i32>} : memref<384x128xf32, #tpu.memory_space<vmem>>, vector<16xf32>,
              %scan3A_572 = arith.constant 0 : i32
              %scan3A_573 = arith.constant 1 : i32
              %scan3A_574 = arith.addi %scan3A_553, %scan3A_573 : i32
              %add3A_575 = arith.addi %scan3A_574, %while3A_510 : i32
              %max3A_576 = arith.constant 0 : i32
              %max3A_577 = arith.maxsi %add3A_575, %max3A_576 : i32
              %min3A_578 = arith.constant 383 : i32
              %min3A_579 = arith.minsi %max3A_577, %min3A_578 : i32
              %get3A_580 = arith.index_cast %scan3A_574 : i32 to index
              %get3A_581 = arith.index_cast %mul3A_427 : i32 to index
              %get3A_582 = tpu.vector_load %arg8[%get3A_580, %get3A_581] {strides = array<i32>} : memref<384x128xf32, #tpu.memory_space<vmem>>, vector<16xf32>,
              %add3A_583 = arith.constant 8 : i32
              %add3A_584 = arith.addi %min3A_579, %add3A_583 : i32
              %get3A_585 = arith.index_cast %add3A_584 : i32 to index
              %get3A_586 = arith.index_cast %mul3A_427 : i32 to index
              %get3A_587 = tpu.vector_load %arg7[%get3A_585, %get3A_586] {strides = array<i32>} : memref<400x128xf32, #tpu.memory_space<vmem>>, vector<16xf32>,
              %mul3A_588 = arith.mulf %add3A_544, %get3A_587 : vector<16xf32>
              %add3A_589 = arith.addf %get3A_582, %mul3A_588 : vector<16xf32>
              %swap3A_590 = arith.index_cast %scan3A_574 : i32 to index
              %swap3A_591 = arith.index_cast %mul3A_427 : i32 to index
              %swap3A_592 = tpu.vector_load %arg8[%swap3A_590, %swap3A_591] {strides = array<i32>} : memref<384x128xf32, #tpu.memory_space<vmem>>, vector<16xf32>,
              tpu.vector_store %arg8[%swap3A_590, %swap3A_591], %add3A_589 {strides = array<i32>} : memref<384x128xf32, #tpu.memory_space<vmem>>, vector<16xf32>,
              %scan3A_593 = arith.constant 0 : i32
              %scan3A_594 = arith.constant 2 : i32
              %scan3A_595 = arith.addi %scan3A_553, %scan3A_594 : i32
              %add3A_596 = arith.addi %scan3A_595, %while3A_510 : i32
              %max3A_597 = arith.constant 0 : i32
              %max3A_598 = arith.maxsi %add3A_596, %max3A_597 : i32
              %min3A_599 = arith.constant 383 : i32
              %min3A_600 = arith.minsi %max3A_598, %min3A_599 : i32
              %get3A_601 = arith.index_cast %scan3A_595 : i32 to index
              %get3A_602 = arith.index_cast %mul3A_427 : i32 to index
              %get3A_603 = tpu.vector_load %arg8[%get3A_601, %get3A_602] {strides = array<i32>} : memref<384x128xf32, #tpu.memory_space<vmem>>, vector<16xf32>,
              %add3A_604 = arith.constant 8 : i32
              %add3A_605 = arith.addi %min3A_600, %add3A_604 : i32
              %get3A_606 = arith.index_cast %add3A_605 : i32 to index
              %get3A_607 = arith.index_cast %mul3A_427 : i32 to index
              %get3A_608 = tpu.vector_load %arg7[%get3A_606, %get3A_607] {strides = array<i32>} : memref<400x128xf32, #tpu.memory_space<vmem>>, vector<16xf32>,
              %mul3A_609 = arith.mulf %add3A_544, %get3A_608 : vector<16xf32>
              %add3A_610 = arith.addf %get3A_603, %mul3A_609 : vector<16xf32>
              %swap3A_611 = arith.index_cast %scan3A_595 : i32 to index
              %swap3A_612 = arith.index_cast %mul3A_427 : i32 to index
              %swap3A_613 = tpu.vector_load %arg8[%swap3A_611, %swap3A_612] {strides = array<i32>} : memref<384x128xf32, #tpu.memory_space<vmem>>, vector<16xf32>,
              tpu.vector_store %arg8[%swap3A_611, %swap3A_612], %add3A_610 {strides = array<i32>} : memref<384x128xf32, #tpu.memory_space<vmem>>, vector<16xf32>,
              %scan3A_614 = arith.constant 0 : i32
              %scan3A_615 = arith.constant 3 : i32
              %scan3A_616 = arith.addi %scan3A_553, %scan3A_615 : i32
              %add3A_617 = arith.addi %scan3A_616, %while3A_510 : i32
              %max3A_618 = arith.constant 0 : i32
              %max3A_619 = arith.maxsi %add3A_617, %max3A_618 : i32
              %min3A_620 = arith.constant 383 : i32
              %min3A_621 = arith.minsi %max3A_619, %min3A_620 : i32
              %get3A_622 = arith.index_cast %scan3A_616 : i32 to index
              %get3A_623 = arith.index_cast %mul3A_427 : i32 to index
              %get3A_624 = tpu.vector_load %arg8[%get3A_622, %get3A_623] {strides = array<i32>} : memref<384x128xf32, #tpu.memory_space<vmem>>, vector<16xf32>,
              %add3A_625 = arith.constant 8 : i32
              %add3A_626 = arith.addi %min3A_621, %add3A_625 : i32
              %get3A_627 = arith.index_cast %add3A_626 : i32 to index
              %get3A_628 = arith.index_cast %mul3A_427 : i32 to index
              %get3A_629 = tpu.vector_load %arg7[%get3A_627, %get3A_628] {strides = array<i32>} : memref<400x128xf32, #tpu.memory_space<vmem>>, vector<16xf32>,
              %mul3A_630 = arith.mulf %add3A_544, %get3A_629 : vector<16xf32>
              %add3A_631 = arith.addf %get3A_624, %mul3A_630 : vector<16xf32>
              %swap3A_632 = arith.index_cast %scan3A_616 : i32 to index
              %swap3A_633 = arith.index_cast %mul3A_427 : i32 to index
              %swap3A_634 = tpu.vector_load %arg8[%swap3A_632, %swap3A_633] {strides = array<i32>} : memref<384x128xf32, #tpu.memory_space<vmem>>, vector<16xf32>,
              tpu.vector_store %arg8[%swap3A_632, %swap3A_633], %add3A_631 {strides = array<i32>} : memref<384x128xf32, #tpu.memory_space<vmem>>, vector<16xf32>,
              %scan3A_635 = arith.constant 0 : i32
              scf.yield %scan3A_635 : i32
            }
            %scan3A_551 = arith.constant 192 : i32
            %while3A_552 = arith.constant 0 : i32
            scf.yield %while3A_552 : i32
          }
        } else {
        }
        %scan3A_495 = arith.constant 0 : i32
        scf.yield %scan3A_495 : i32
      }
      %scan3A_289 = arith.constant 8 : i32
      %mul3A_290 = arith.constant 8 : i32
      %mul3A_291 = arith.muli %add3A, %mul3A_290 : i32
      %add3A_292 = arith.addi %mul3A_291, %scan3A_170 : i32
      %jit3A_293 = arith.constant 32 : i32
      %div3A_294 = arith.divsi %add3A_292, %jit3A_293 : i32
      %sign3A_295 = arith.constant 0 : i32
      %sign3A_296 = arith.cmpi sgt, %add3A_292, %sign3A_295 : i32
      %sign3A_297 = arith.extui %sign3A_296 : i1 to i32
      %sign3A_298 = arith.constant 0 : i32
      %sign3A_299 = arith.cmpi slt, %add3A_292, %sign3A_298 : i32
      %sign3A_300 = arith.extui %sign3A_299 : i1 to i32
      %sign3A_301 = arith.subi %sign3A_297, %sign3A_300 : i32
      %sign3A_302 = arith.constant 0 : i32
      %sign3A_303 = arith.cmpi sgt, %jit3A_293, %sign3A_302 : i32
      %sign3A_304 = arith.extui %sign3A_303 : i1 to i32
      %sign3A_305 = arith.constant 0 : i32
      %sign3A_306 = arith.cmpi slt, %jit3A_293, %sign3A_305 : i32
      %sign3A_307 = arith.extui %sign3A_306 : i1 to i32
      %sign3A_308 = arith.subi %sign3A_304, %sign3A_307 : i32
      %ne3A_309 = arith.cmpi ne, %sign3A_301, %sign3A_308 : i32
      %rem3A_310 = arith.remsi %add3A_292, %jit3A_293 : i32
      %ne3A_311 = arith.constant 0 : i32
      %ne3A_312 = arith.cmpi ne, %rem3A_310, %ne3A_311 : i32
      %and3A_313 = arith.andi %ne3A_309, %ne3A_312 : i1
      %sub3A_314 = arith.constant 1 : i32
      %sub3A_315 = arith.subi %div3A_294, %sub3A_314 : i32
      %select_n3A_316 = arith.select %and3A_313, %sub3A_315, %div3A_294 : i32
      %jit3A_317 = arith.constant 32 : i32
      %eq3A_318 = arith.constant 0 : i32
      %eq3A_319 = arith.cmpi eq, %jit3A_317, %eq3A_318 : i32
      %jit3A_320 = arith.constant 1 : i32
      %select_n3A_321 = arith.select %eq3A_319, %jit3A_320, %jit3A_317 : i32
      %rem3A_322 = arith.remsi %add3A_292, %select_n3A_321 : i32
      %ne3A_323 = arith.constant 0 : i32
      %ne3A_324 = arith.cmpi ne, %rem3A_322, %ne3A_323 : i32
      %lt3A_325 = arith.constant 0 : i32
      %lt3A_326 = arith.cmpi slt, %rem3A_322, %lt3A_325 : i32
      %lt3A_327 = arith.constant 0 : i32
      %lt3A_328 = arith.cmpi slt, %select_n3A_321, %lt3A_327 : i32
      %ne3A_329 = arith.xori %lt3A_326, %lt3A_328 : i1
      %and3A_330 = arith.andi %ne3A_329, %ne3A_324 : i1
      %add3A_331 = arith.addi %rem3A_322, %select_n3A_321 : i32
      %select_n3A_332 = arith.select %and3A_330, %add3A_331, %rem3A_322 : i32
      %mul3A_333 = arith.constant 128 : i32
      %mul3A_334 = arith.muli %select_n3A_332, %mul3A_333 : i32
      %dma_start3A_335 = arith.constant 0 : i32
      %dma_start3A_336 = arith.constant 0 : i32
      %dma_start3A_337 = tpu.memref_slice %arg8[%dma_start3A_335, %dma_start3A_336] : memref<384x128xf32, #tpu.memory_space<vmem>> -> memref<192x128xf32, #tpu.memory_space<vmem>>
      %dma_start3A_338 = arith.constant 0 : i32
      %dma_start3A_339 = tpu.memref_slice %arg6[%select_n3A_316, %dma_start3A_338, %mul3A_334] : memref<8x384x4096xf32, #tpu.memory_space<hbm>> -> memref<1x192x128xf32, #tpu.memory_space<hbm>>
      %dma_start3A_340 = tpu.memref_squeeze %dma_start3A_339 : memref<1x192x128xf32, #tpu.memory_space<hbm>> -> memref<192x128xf32, #tpu.memory_space<hbm>>
      %dma_start3A_341 = arith.constant 0 : i32
      %dma_start3A_342 = tpu.memref_slice %arg6[%select_n3A_316, %dma_start3A_341, %mul3A_334] : memref<8x384x4096xf32, #tpu.memory_space<hbm>> -> memref<1x192x128xf32, #tpu.memory_space<hbm>>
      %dma_start3A_343 = tpu.memref_squeeze %dma_start3A_342 : memref<1x192x128xf32, #tpu.memory_space<hbm>> -> memref<192x128xf32, #tpu.memory_space<hbm>>
      %dma_start3A_344 = arith.constant 0 : i32
      %dma_start3A_345 = arith.constant 0 : i32
      %dma_start3A_346 = tpu.memref_slice %arg8[%dma_start3A_344, %dma_start3A_345] : memref<384x128xf32, #tpu.memory_space<vmem>> -> memref<192x128xf32, #tpu.memory_space<vmem>>
      tpu.enqueue_dma source(%dma_start3A_346 : memref<192x128xf32, #tpu.memory_space<vmem>>) target(%dma_start3A_343 : memref<192x128xf32, #tpu.memory_space<hbm>>) target_semaphore(%arg13 : memref<!tpu.dma_semaphore, #tpu.memory_space<semaphore_mem>>)
      %gt3A_347 = arith.constant 0 : i32
      %gt3A_348 = arith.cmpi sgt, %scan3A_170, %gt3A_347 : i32
      %convert_element_type3A_349 = arith.extui %gt3A_348 : i1 to i32
      %cond3A_350 = arith.constant 0 : i32
      %cond3A_351 = arith.cmpi ne, %convert_element_type3A_349, %cond3A_350 : i32
      scf.if %cond3A_351 {
        %mul3A_424 = arith.constant 8 : i32
        %mul3A_425 = arith.muli %add3A, %mul3A_424 : i32
        %add3A_426 = arith.addi %mul3A_425, %scan3A_170 : i32
        %jit3A_427 = arith.constant 32 : i32
        %div3A_428 = arith.divsi %add3A_426, %jit3A_427 : i32
        %sign3A_429 = arith.constant 0 : i32
        %sign3A_430 = arith.cmpi sgt, %add3A_426, %sign3A_429 : i32
        %sign3A_431 = arith.extui %sign3A_430 : i1 to i32
        %sign3A_432 = arith.constant 0 : i32
        %sign3A_433 = arith.cmpi slt, %add3A_426, %sign3A_432 : i32
        %sign3A_434 = arith.extui %sign3A_433 : i1 to i32
        %sign3A_435 = arith.subi %sign3A_431, %sign3A_434 : i32
        %sign3A_436 = arith.constant 0 : i32
        %sign3A_437 = arith.cmpi sgt, %jit3A_427, %sign3A_436 : i32
        %sign3A_438 = arith.extui %sign3A_437 : i1 to i32
        %sign3A_439 = arith.constant 0 : i32
        %sign3A_440 = arith.cmpi slt, %jit3A_427, %sign3A_439 : i32
        %sign3A_441 = arith.extui %sign3A_440 : i1 to i32
        %sign3A_442 = arith.subi %sign3A_438, %sign3A_441 : i32
        %ne3A_443 = arith.cmpi ne, %sign3A_435, %sign3A_442 : i32
        %rem3A_444 = arith.remsi %add3A_426, %jit3A_427 : i32
        %ne3A_445 = arith.constant 0 : i32
        %ne3A_446 = arith.cmpi ne, %rem3A_444, %ne3A_445 : i32
        %and3A_447 = arith.andi %ne3A_443, %ne3A_446 : i1
        %sub3A_448 = arith.constant 1 : i32
        %sub3A_449 = arith.subi %div3A_428, %sub3A_448 : i32
        %select_n3A_450 = arith.select %and3A_447, %sub3A_449, %div3A_428 : i32
        %jit3A_451 = arith.constant 32 : i32
        %eq3A_452 = arith.constant 0 : i32
        %eq3A_453 = arith.cmpi eq, %jit3A_451, %eq3A_452 : i32
        %jit3A_454 = arith.constant 1 : i32
        %select_n3A_455 = arith.select %eq3A_453, %jit3A_454, %jit3A_451 : i32
        %rem3A_456 = arith.remsi %add3A_426, %select_n3A_455 : i32
        %ne3A_457 = arith.constant 0 : i32
        %ne3A_458 = arith.cmpi ne, %rem3A_456, %ne3A_457 : i32
        %lt3A_459 = arith.constant 0 : i32
        %lt3A_460 = arith.cmpi slt, %rem3A_456, %lt3A_459 : i32
        %lt3A_461 = arith.constant 0 : i32
        %lt3A_462 = arith.cmpi slt, %select_n3A_455, %lt3A_461 : i32
        %ne3A_463 = arith.xori %lt3A_460, %lt3A_462 : i1
        %and3A_464 = arith.andi %ne3A_463, %ne3A_458 : i1
        %add3A_465 = arith.addi %rem3A_456, %select_n3A_455 : i32
        %select_n3A_466 = arith.select %and3A_464, %add3A_465, %rem3A_456 : i32
        %mul3A_467 = arith.constant 128 : i32
        %mul3A_468 = arith.muli %select_n3A_466, %mul3A_467 : i32
        %dma_wait3A_469 = arith.constant 192 : i32
        %dma_wait3A_470 = arith.constant 0 : i32
        %dma_wait3A_471 = tpu.memref_slice %arg8[%dma_wait3A_469, %dma_wait3A_470] : memref<384x128xf32, #tpu.memory_space<vmem>> -> memref<192x128xf32, #tpu.memory_space<vmem>>
        %dma_wait3A_472 = arith.constant 192 : i32
        %dma_wait3A_473 = tpu.memref_slice %arg6[%select_n3A_450, %dma_wait3A_472, %mul3A_468] : memref<8x384x4096xf32, #tpu.memory_space<hbm>> -> memref<1x192x128xf32, #tpu.memory_space<hbm>>
        %dma_wait3A_474 = tpu.memref_squeeze %dma_wait3A_473 : memref<1x192x128xf32, #tpu.memory_space<hbm>> -> memref<192x128xf32, #tpu.memory_space<hbm>>
        %dma_wait3A_475 = arith.constant 192 : i32
        %dma_wait3A_476 = tpu.memref_slice %arg6[%select_n3A_450, %dma_wait3A_475, %mul3A_468] : memref<8x384x4096xf32, #tpu.memory_space<hbm>> -> memref<1x192x128xf32, #tpu.memory_space<hbm>>
        %dma_wait3A_477 = tpu.memref_squeeze %dma_wait3A_476 : memref<1x192x128xf32, #tpu.memory_space<hbm>> -> memref<192x128xf32, #tpu.memory_space<hbm>>
        %dma_wait3A_478 = arith.constant 192 : i32
        %dma_wait3A_479 = arith.constant 0 : i32
        %dma_wait3A_480 = tpu.memref_slice %arg8[%dma_wait3A_478, %dma_wait3A_479] : memref<384x128xf32, #tpu.memory_space<vmem>> -> memref<192x128xf32, #tpu.memory_space<vmem>>
        tpu.wait_dma2 semaphore(%arg14 : memref<!tpu.dma_semaphore, #tpu.memory_space<semaphore_mem>>) src(%dma_wait3A_480 : memref<192x128xf32, #tpu.memory_space<vmem>>) dst(%dma_wait3A_477 : memref<192x128xf32, #tpu.memory_space<hbm>>)
      } else {
      }
      %scan3A_352 = arith.constant 0 : i32
      %scan3A_353 = arith.constant 0 : i32
      %scan3A_354 = arith.constant 8 : i32
      %scan3A_355 = arith.addi %scan3A_353, %scan3A_354 : i32
      %scan3A_356 = arith.constant 1 : i32
      %scan3A_357 = scf.for %scan3A_424 = %scan3A_353 to %scan3A_355 step %scan3A_356 iter_args(%scan3A_425 = %scan3A_352) -> (i32)  : i32 {
        %mul3A_426 = arith.constant 16 : i32
        %mul3A_427 = arith.muli %scan3A_424, %mul3A_426 : i32
        %get3A = arith.constant 0 : i32
        %get3A_428 = arith.index_cast %get3A : i32 to index
        %get3A_429 = arith.index_cast %mul3A_427 : i32 to index
        %get3A_430 = tpu.vector_load %arg11[%get3A_428, %get3A_429] {strides = array<i32>} : memref<3x128xi32, #tpu.memory_space<vmem>>, vector<16xi32>,
        %get3A_431 = arith.constant 1 : i32
        %get3A_432 = arith.index_cast %get3A_431 : i32 to index
        %get3A_433 = arith.index_cast %mul3A_427 : i32 to index
        %get3A_434 = tpu.vector_load %arg11[%get3A_432, %get3A_433] {strides = array<i32>} : memref<3x128xi32, #tpu.memory_space<vmem>>, vector<16xi32>,
        %get3A_435 = arith.constant 2 : i32
        %get3A_436 = arith.index_cast %get3A_435 : i32 to index
        %get3A_437 = arith.index_cast %mul3A_427 : i32 to index
        %get3A_438 = tpu.vector_load %arg11[%get3A_436, %get3A_437] {strides = array<i32>} : memref<3x128xi32, #tpu.memory_space<vmem>>, vector<16xi32>,
        %get3A_439 = arith.constant 0 : i32
        %get3A_440 = arith.index_cast %get3A_439 : i32 to index
        %get3A_441 = arith.index_cast %mul3A_427 : i32 to index
        %get3A_442 = tpu.vector_load %arg9[%get3A_440, %get3A_441] {strides = array<i32>} : memref<3x128xf32, #tpu.memory_space<vmem>>, vector<16xf32>,
        %get3A_443 = arith.constant 1 : i32
        %get3A_444 = arith.index_cast %get3A_443 : i32 to index
        %get3A_445 = arith.index_cast %mul3A_427 : i32 to index
        %get3A_446 = tpu.vector_load %arg9[%get3A_444, %get3A_445] {strides = array<i32>} : memref<3x128xf32, #tpu.memory_space<vmem>>, vector<16xf32>,
        %get3A_447 = arith.constant 2 : i32
        %get3A_448 = arith.index_cast %get3A_447 : i32 to index
        %get3A_449 = arith.index_cast %mul3A_427 : i32 to index
        %get3A_450 = tpu.vector_load %arg9[%get3A_448, %get3A_449] {strides = array<i32>} : memref<3x128xf32, #tpu.memory_space<vmem>>, vector<16xf32>,
        %get3A_451 = arith.constant 0 : i32
        %get3A_452 = arith.index_cast %get3A_451 : i32 to index
        %get3A_453 = arith.index_cast %mul3A_427 : i32 to index
        %get3A_454 = tpu.vector_load %arg10[%get3A_452, %get3A_453] {strides = array<i32>} : memref<3x128xf32, #tpu.memory_space<vmem>>, vector<16xf32>,
        %get3A_455 = arith.constant 1 : i32
        %get3A_456 = arith.index_cast %get3A_455 : i32 to index
        %get3A_457 = arith.index_cast %mul3A_427 : i32 to index
        %get3A_458 = tpu.vector_load %arg10[%get3A_456, %get3A_457] {strides = array<i32>} : memref<3x128xf32, #tpu.memory_space<vmem>>, vector<16xf32>,
        %get3A_459 = arith.constant 2 : i32
        %get3A_460 = arith.index_cast %get3A_459 : i32 to index
        %get3A_461 = arith.index_cast %mul3A_427 : i32 to index
        %get3A_462 = tpu.vector_load %arg10[%get3A_460, %get3A_461] {strides = array<i32>} : memref<3x128xf32, #tpu.memory_space<vmem>>, vector<16xf32>,
        %min3A = arith.minsi %get3A_430, %get3A_434 : vector<16xi32>
        %min3A_463 = arith.minsi %min3A, %get3A_438 : vector<16xi32>
        %reduce_min3A = arith.constant true
        %reduce_min3A_464 = vector.broadcast %reduce_min3A : i1 to vector<16xi1>
        %reduce_min3A_465 = arith.constant -2147483648 : i32
        %reduce_min3A_466 = vector.broadcast %reduce_min3A_465 : i32 to vector<16xi32>
        %reduce_min3A_467 = arith.xori %min3A_463, %reduce_min3A_466 : vector<16xi32>
        %reduce_min3A_468 = tpu.scan <min>, %reduce_min3A_467 masked %reduce_min3A_464 : vector<16xi32>, vector<16xi1> -> vector<16xi32>
        %reduce_min3A_469 = arith.xori %reduce_min3A_468, %reduce_min3A_466 : vector<16xi32>
        %reduce_min3A_470 = vector.extract %reduce_min3A_469[15] : i32 from vector<16xi32>
        %max3A = arith.maxsi %get3A_430, %get3A_434 : vector<16xi32>
        %max3A_471 = arith.maxsi %max3A, %get3A_438 : vector<16xi32>
        %reduce_max3A = arith.constant true
        %reduce_max3A_472 = vector.broadcast %reduce_max3A : i1 to vector<16xi1>
        %reduce_max3A_473 = arith.constant -2147483648 : i32
        %reduce_max3A_474 = vector.broadcast %reduce_max3A_473 : i32 to vector<16xi32>
        %reduce_max3A_475 = arith.xori %max3A_471, %reduce_max3A_474 : vector<16xi32>
        %reduce_max3A_476 = tpu.scan <max>, %reduce_max3A_475 masked %reduce_max3A_472 : vector<16xi32>, vector<16xi1> -> vector<16xi32>
        %reduce_max3A_477 = arith.xori %reduce_max3A_476, %reduce_max3A_474 : vector<16xi32>
        %reduce_max3A_478 = vector.extract %reduce_max3A_477[15] : i32 from vector<16xi32>
        %add3A_479 = arith.constant 1 : i32
        %add3A_480 = arith.addi %reduce_max3A_478, %add3A_479 : i32
        %ge3A = arith.constant -3 : i32
        %ge3A_481 = arith.cmpi sge, %reduce_min3A_470, %ge3A : i32
        %le3A = arith.constant 3 : i32
        %le3A_482 = arith.cmpi sle, %add3A_480, %le3A : i32
        %and3A_483 = arith.andi %ge3A_481, %le3A_482 : i1
        %sub3A_484 = arith.subi %add3A_480, %reduce_min3A_470 : i32
        %le3A_485 = arith.constant 3 : i32
        %le3A_486 = arith.cmpi sle, %sub3A_484, %le3A_485 : i32
        %and3A_487 = arith.andi %and3A_483, %le3A_486 : i1
        %convert_element_type3A_488 = arith.extui %and3A_487 : i1 to i32
        %cond3A_489 = arith.constant 0 : i32
        %cond3A_490 = arith.cmpi ne, %convert_element_type3A_488, %cond3A_489 : i32
        scf.if %cond3A_490 {
          %add3A_496 = arith.constant 0 : i32
          %add3A_497 = arith.addi %reduce_min3A_470, %add3A_496 : i32
          %eq3A_498 = vector.broadcast %add3A_497 : i32 to vector<16xi32>
          %eq3A_499 = arith.cmpi eq, %get3A_430, %eq3A_498 : vector<16xi32>
          %select_n3A_500 = arith.select %eq3A_499, %get3A_442, %broadcast_in_dim3A_1 : vector<16xi1>, vector<16xf32>
          %add3A_501 = arith.addf %broadcast_in_dim3A_1, %select_n3A_500 : vector<16xf32>
          %add3A_502 = arith.constant 1 : i32
          %add3A_503 = vector.broadcast %add3A_502 : i32 to vector<16xi32>
          %add3A_504 = arith.addi %get3A_430, %add3A_503 : vector<16xi32>
          %eq3A_505 = vector.broadcast %add3A_497 : i32 to vector<16xi32>
          %eq3A_506 = arith.cmpi eq, %add3A_504, %eq3A_505 : vector<16xi32>
          %select_n3A_507 = arith.select %eq3A_506, %get3A_454, %broadcast_in_dim3A_1 : vector<16xi1>, vector<16xf32>
          %add3A_508 = arith.addf %add3A_501, %select_n3A_507 : vector<16xf32>
          %eq3A_509 = vector.broadcast %add3A_497 : i32 to vector<16xi32>
          %eq3A_510 = arith.cmpi eq, %get3A_434, %eq3A_509 : vector<16xi32>
          %select_n3A_511 = arith.select %eq3A_510, %get3A_446, %broadcast_in_dim3A_1 : vector<16xi1>, vector<16xf32>
          %add3A_512 = arith.addf %add3A_508, %select_n3A_511 : vector<16xf32>
          %add3A_513 = arith.constant 1 : i32
          %add3A_514 = vector.broadcast %add3A_513 : i32 to vector<16xi32>
          %add3A_515 = arith.addi %get3A_434, %add3A_514 : vector<16xi32>
          %eq3A_516 = vector.broadcast %add3A_497 : i32 to vector<16xi32>
          %eq3A_517 = arith.cmpi eq, %add3A_515, %eq3A_516 : vector<16xi32>
          %select_n3A_518 = arith.select %eq3A_517, %get3A_458, %broadcast_in_dim3A_1 : vector<16xi1>, vector<16xf32>
          %add3A_519 = arith.addf %add3A_512, %select_n3A_518 : vector<16xf32>
          %eq3A_520 = vector.broadcast %add3A_497 : i32 to vector<16xi32>
          %eq3A_521 = arith.cmpi eq, %get3A_438, %eq3A_520 : vector<16xi32>
          %select_n3A_522 = arith.select %eq3A_521, %get3A_450, %broadcast_in_dim3A_1 : vector<16xi1>, vector<16xf32>
          %add3A_523 = arith.addf %add3A_519, %select_n3A_522 : vector<16xf32>
          %add3A_524 = arith.constant 1 : i32
          %add3A_525 = vector.broadcast %add3A_524 : i32 to vector<16xi32>
          %add3A_526 = arith.addi %get3A_438, %add3A_525 : vector<16xi32>
          %eq3A_527 = vector.broadcast %add3A_497 : i32 to vector<16xi32>
          %eq3A_528 = arith.cmpi eq, %add3A_526, %eq3A_527 : vector<16xi32>
          %select_n3A_529 = arith.select %eq3A_528, %get3A_462, %broadcast_in_dim3A_1 : vector<16xi1>, vector<16xf32>
          %add3A_530 = arith.addf %add3A_523, %select_n3A_529 : vector<16xf32>
          %add3A_531 = arith.constant 1 : i32
          %add3A_532 = arith.addi %reduce_min3A_470, %add3A_531 : i32
          %eq3A_533 = vector.broadcast %add3A_532 : i32 to vector<16xi32>
          %eq3A_534 = arith.cmpi eq, %get3A_430, %eq3A_533 : vector<16xi32>
          %select_n3A_535 = arith.select %eq3A_534, %get3A_442, %broadcast_in_dim3A_1 : vector<16xi1>, vector<16xf32>
          %add3A_536 = arith.addf %broadcast_in_dim3A_1, %select_n3A_535 : vector<16xf32>
          %add3A_537 = arith.constant 1 : i32
          %add3A_538 = vector.broadcast %add3A_537 : i32 to vector<16xi32>
          %add3A_539 = arith.addi %get3A_430, %add3A_538 : vector<16xi32>
          %eq3A_540 = vector.broadcast %add3A_532 : i32 to vector<16xi32>
          %eq3A_541 = arith.cmpi eq, %add3A_539, %eq3A_540 : vector<16xi32>
          %select_n3A_542 = arith.select %eq3A_541, %get3A_454, %broadcast_in_dim3A_1 : vector<16xi1>, vector<16xf32>
          %add3A_543 = arith.addf %add3A_536, %select_n3A_542 : vector<16xf32>
          %eq3A_544 = vector.broadcast %add3A_532 : i32 to vector<16xi32>
          %eq3A_545 = arith.cmpi eq, %get3A_434, %eq3A_544 : vector<16xi32>
          %select_n3A_546 = arith.select %eq3A_545, %get3A_446, %broadcast_in_dim3A_1 : vector<16xi1>, vector<16xf32>
          %add3A_547 = arith.addf %add3A_543, %select_n3A_546 : vector<16xf32>
          %add3A_548 = arith.constant 1 : i32
          %add3A_549 = vector.broadcast %add3A_548 : i32 to vector<16xi32>
          %add3A_550 = arith.addi %get3A_434, %add3A_549 : vector<16xi32>
          %eq3A_551 = vector.broadcast %add3A_532 : i32 to vector<16xi32>
          %eq3A_552 = arith.cmpi eq, %add3A_550, %eq3A_551 : vector<16xi32>
          %select_n3A_553 = arith.select %eq3A_552, %get3A_458, %broadcast_in_dim3A_1 : vector<16xi1>, vector<16xf32>
          %add3A_554 = arith.addf %add3A_547, %select_n3A_553 : vector<16xf32>
          %eq3A_555 = vector.broadcast %add3A_532 : i32 to vector<16xi32>
          %eq3A_556 = arith.cmpi eq, %get3A_438, %eq3A_555 : vector<16xi32>
          %select_n3A_557 = arith.select %eq3A_556, %get3A_450, %broadcast_in_dim3A_1 : vector<16xi1>, vector<16xf32>
          %add3A_558 = arith.addf %add3A_554, %select_n3A_557 : vector<16xf32>
          %add3A_559 = arith.constant 1 : i32
          %add3A_560 = vector.broadcast %add3A_559 : i32 to vector<16xi32>
          %add3A_561 = arith.addi %get3A_438, %add3A_560 : vector<16xi32>
          %eq3A_562 = vector.broadcast %add3A_532 : i32 to vector<16xi32>
          %eq3A_563 = arith.cmpi eq, %add3A_561, %eq3A_562 : vector<16xi32>
          %select_n3A_564 = arith.select %eq3A_563, %get3A_462, %broadcast_in_dim3A_1 : vector<16xi1>, vector<16xf32>
          %add3A_565 = arith.addf %add3A_558, %select_n3A_564 : vector<16xf32>
          %add3A_566 = arith.constant 2 : i32
          %add3A_567 = arith.addi %reduce_min3A_470, %add3A_566 : i32
          %eq3A_568 = vector.broadcast %add3A_567 : i32 to vector<16xi32>
          %eq3A_569 = arith.cmpi eq, %get3A_430, %eq3A_568 : vector<16xi32>
          %select_n3A_570 = arith.select %eq3A_569, %get3A_442, %broadcast_in_dim3A_1 : vector<16xi1>, vector<16xf32>
          %add3A_571 = arith.addf %broadcast_in_dim3A_1, %select_n3A_570 : vector<16xf32>
          %add3A_572 = arith.constant 1 : i32
          %add3A_573 = vector.broadcast %add3A_572 : i32 to vector<16xi32>
          %add3A_574 = arith.addi %get3A_430, %add3A_573 : vector<16xi32>
          %eq3A_575 = vector.broadcast %add3A_567 : i32 to vector<16xi32>
          %eq3A_576 = arith.cmpi eq, %add3A_574, %eq3A_575 : vector<16xi32>
          %select_n3A_577 = arith.select %eq3A_576, %get3A_454, %broadcast_in_dim3A_1 : vector<16xi1>, vector<16xf32>
          %add3A_578 = arith.addf %add3A_571, %select_n3A_577 : vector<16xf32>
          %eq3A_579 = vector.broadcast %add3A_567 : i32 to vector<16xi32>
          %eq3A_580 = arith.cmpi eq, %get3A_434, %eq3A_579 : vector<16xi32>
          %select_n3A_581 = arith.select %eq3A_580, %get3A_446, %broadcast_in_dim3A_1 : vector<16xi1>, vector<16xf32>
          %add3A_582 = arith.addf %add3A_578, %select_n3A_581 : vector<16xf32>
          %add3A_583 = arith.constant 1 : i32
          %add3A_584 = vector.broadcast %add3A_583 : i32 to vector<16xi32>
          %add3A_585 = arith.addi %get3A_434, %add3A_584 : vector<16xi32>
          %eq3A_586 = vector.broadcast %add3A_567 : i32 to vector<16xi32>
          %eq3A_587 = arith.cmpi eq, %add3A_585, %eq3A_586 : vector<16xi32>
          %select_n3A_588 = arith.select %eq3A_587, %get3A_458, %broadcast_in_dim3A_1 : vector<16xi1>, vector<16xf32>
          %add3A_589 = arith.addf %add3A_582, %select_n3A_588 : vector<16xf32>
          %eq3A_590 = vector.broadcast %add3A_567 : i32 to vector<16xi32>
          %eq3A_591 = arith.cmpi eq, %get3A_438, %eq3A_590 : vector<16xi32>
          %select_n3A_592 = arith.select %eq3A_591, %get3A_450, %broadcast_in_dim3A_1 : vector<16xi1>, vector<16xf32>
          %add3A_593 = arith.addf %add3A_589, %select_n3A_592 : vector<16xf32>
          %add3A_594 = arith.constant 1 : i32
          %add3A_595 = vector.broadcast %add3A_594 : i32 to vector<16xi32>
          %add3A_596 = arith.addi %get3A_438, %add3A_595 : vector<16xi32>
          %eq3A_597 = vector.broadcast %add3A_567 : i32 to vector<16xi32>
          %eq3A_598 = arith.cmpi eq, %add3A_596, %eq3A_597 : vector<16xi32>
          %select_n3A_599 = arith.select %eq3A_598, %get3A_462, %broadcast_in_dim3A_1 : vector<16xi1>, vector<16xf32>
          %add3A_600 = arith.addf %add3A_593, %select_n3A_599 : vector<16xf32>
          %add3A_601 = arith.constant 3 : i32
          %add3A_602 = arith.addi %reduce_min3A_470, %add3A_601 : i32
          %eq3A_603 = vector.broadcast %add3A_602 : i32 to vector<16xi32>
          %eq3A_604 = arith.cmpi eq, %get3A_430, %eq3A_603 : vector<16xi32>
          %select_n3A_605 = arith.select %eq3A_604, %get3A_442, %broadcast_in_dim3A_1 : vector<16xi1>, vector<16xf32>
          %add3A_606 = arith.addf %broadcast_in_dim3A_1, %select_n3A_605 : vector<16xf32>
          %add3A_607 = arith.constant 1 : i32
          %add3A_608 = vector.broadcast %add3A_607 : i32 to vector<16xi32>
          %add3A_609 = arith.addi %get3A_430, %add3A_608 : vector<16xi32>
          %eq3A_610 = vector.broadcast %add3A_602 : i32 to vector<16xi32>
          %eq3A_611 = arith.cmpi eq, %add3A_609, %eq3A_610 : vector<16xi32>
          %select_n3A_612 = arith.select %eq3A_611, %get3A_454, %broadcast_in_dim3A_1 : vector<16xi1>, vector<16xf32>
          %add3A_613 = arith.addf %add3A_606, %select_n3A_612 : vector<16xf32>
          %eq3A_614 = vector.broadcast %add3A_602 : i32 to vector<16xi32>
          %eq3A_615 = arith.cmpi eq, %get3A_434, %eq3A_614 : vector<16xi32>
          %select_n3A_616 = arith.select %eq3A_615, %get3A_446, %broadcast_in_dim3A_1 : vector<16xi1>, vector<16xf32>
          %add3A_617 = arith.addf %add3A_613, %select_n3A_616 : vector<16xf32>
          %add3A_618 = arith.constant 1 : i32
          %add3A_619 = vector.broadcast %add3A_618 : i32 to vector<16xi32>
          %add3A_620 = arith.addi %get3A_434, %add3A_619 : vector<16xi32>
          %eq3A_621 = vector.broadcast %add3A_602 : i32 to vector<16xi32>
          %eq3A_622 = arith.cmpi eq, %add3A_620, %eq3A_621 : vector<16xi32>
          %select_n3A_623 = arith.select %eq3A_622, %get3A_458, %broadcast_in_dim3A_1 : vector<16xi1>, vector<16xf32>
          %add3A_624 = arith.addf %add3A_617, %select_n3A_623 : vector<16xf32>
          %eq3A_625 = vector.broadcast %add3A_602 : i32 to vector<16xi32>
          %eq3A_626 = arith.cmpi eq, %get3A_438, %eq3A_625 : vector<16xi32>
          %select_n3A_627 = arith.select %eq3A_626, %get3A_450, %broadcast_in_dim3A_1 : vector<16xi1>, vector<16xf32>
          %add3A_628 = arith.addf %add3A_624, %select_n3A_627 : vector<16xf32>
          %add3A_629 = arith.constant 1 : i32
          %add3A_630 = vector.broadcast %add3A_629 : i32 to vector<16xi32>
          %add3A_631 = arith.addi %get3A_438, %add3A_630 : vector<16xi32>
          %eq3A_632 = vector.broadcast %add3A_602 : i32 to vector<16xi32>
          %eq3A_633 = arith.cmpi eq, %add3A_631, %eq3A_632 : vector<16xi32>
          %select_n3A_634 = arith.select %eq3A_633, %get3A_462, %broadcast_in_dim3A_1 : vector<16xi1>, vector<16xf32>
          %add3A_635 = arith.addf %add3A_628, %select_n3A_634 : vector<16xf32>
          %add3A_636 = arith.constant 8 : i32
          %add3A_637 = arith.addi %reduce_min3A_470, %add3A_636 : i32
          %add3A_638 = arith.constant 192 : i32
          %add3A_639 = arith.addi %add3A_637, %add3A_638 : i32
          %get3A_640 = arith.index_cast %add3A_639 : i32 to index
          %get3A_641 = arith.index_cast %mul3A_427 : i32 to index
          %get3A_642 = tpu.vector_load %arg7[%get3A_640, %get3A_641] {strides = array<i32>} : memref<400x128xf32, #tpu.memory_space<vmem>>, vector<16xf32>,
          %add3A_643 = arith.constant 192 : i32
          %add3A_644 = arith.addi %add3A_637, %add3A_643 : i32
          %add3A_645 = arith.constant 1 : i32
          %add3A_646 = arith.addi %add3A_644, %add3A_645 : i32
          %get3A_647 = arith.index_cast %add3A_646 : i32 to index
          %get3A_648 = arith.index_cast %mul3A_427 : i32 to index
          %get3A_649 = tpu.vector_load %arg7[%get3A_647, %get3A_648] {strides = array<i32>} : memref<400x128xf32, #tpu.memory_space<vmem>>, vector<16xf32>,
          %add3A_650 = arith.constant 192 : i32
          %add3A_651 = arith.addi %add3A_637, %add3A_650 : i32
          %add3A_652 = arith.constant 2 : i32
          %add3A_653 = arith.addi %add3A_651, %add3A_652 : i32
          %get3A_654 = arith.index_cast %add3A_653 : i32 to index
          %get3A_655 = arith.index_cast %mul3A_427 : i32 to index
          %get3A_656 = tpu.vector_load %arg7[%get3A_654, %get3A_655] {strides = array<i32>} : memref<400x128xf32, #tpu.memory_space<vmem>>, vector<16xf32>,
          %parallel_loop3A = arith.constant 192 : i32
          %parallel_loop3A_657 = arith.constant 384 : i32
          %parallel_loop3A_658 = arith.constant 1 : i32
          %parallel_loop3A_659:3 = scf.for %parallel_loop3A_660 = %parallel_loop3A to %parallel_loop3A_657 step %parallel_loop3A_658 iter_args(%parallel_loop3A_661 = %get3A_642, %parallel_loop3A_662 = %get3A_649, %parallel_loop3A_663 = %get3A_656) -> (vector<16xf32>, vector<16xf32>, vector<16xf32>)  : i32 {
            %parallel_loop3A_664 = arith.addi %add3A_637, %parallel_loop3A_660 : i32
            %parallel_loop3A_665 = arith.constant 3 : i32
            %parallel_loop3A_666 = arith.addi %parallel_loop3A_664, %parallel_loop3A_665 : i32
            %parallel_loop3A_667 = arith.index_cast %parallel_loop3A_666 : i32 to index
            %parallel_loop3A_668 = arith.index_cast %mul3A_427 : i32 to index
            %parallel_loop3A_669 = tpu.vector_load %arg7[%parallel_loop3A_667, %parallel_loop3A_668] {strides = array<i32>} : memref<400x128xf32, #tpu.memory_space<vmem>>, vector<16xf32>,
            %parallel_loop3A_670 = arith.mulf %add3A_530, %parallel_loop3A_661 : vector<16xf32>
            %parallel_loop3A_671 = arith.mulf %add3A_565, %parallel_loop3A_662 : vector<16xf32>
            %parallel_loop3A_672 = arith.addf %parallel_loop3A_670, %parallel_loop3A_671 : vector<16xf32>
            %parallel_loop3A_673 = arith.mulf %add3A_600, %parallel_loop3A_663 : vector<16xf32>
            %parallel_loop3A_674 = arith.mulf %add3A_635, %parallel_loop3A_669 : vector<16xf32>
            %parallel_loop3A_675 = arith.addf %parallel_loop3A_673, %parallel_loop3A_674 : vector<16xf32>
            %parallel_loop3A_676 = arith.addf %parallel_loop3A_672, %parallel_loop3A_675 : vector<16xf32>
            %parallel_loop3A_677 = arith.index_cast %parallel_loop3A_660 : i32 to index
            %parallel_loop3A_678 = arith.index_cast %mul3A_427 : i32 to index
            %parallel_loop3A_679 = tpu.vector_load %arg8[%parallel_loop3A_677, %parallel_loop3A_678] {strides = array<i32>} : memref<384x128xf32, #tpu.memory_space<vmem>>, vector<16xf32>,
            tpu.vector_store %arg8[%parallel_loop3A_677, %parallel_loop3A_678], %parallel_loop3A_676 {strides = array<i32>} : memref<384x128xf32, #tpu.memory_space<vmem>>, vector<16xf32>,
            scf.yield %parallel_loop3A_662, %parallel_loop3A_663, %parallel_loop3A_669 : vector<16xf32>, vector<16xf32>, vector<16xf32>
          } {sc.loop_unroll_factor = 8 : i64, sc.parallel_access}
        } else {
        }
        %not3A = arith.constant true
        %not3A_491 = arith.xori %and3A_487, %not3A : i1
        %convert_element_type3A_492 = arith.extui %not3A_491 : i1 to i32
        %cond3A_493 = arith.constant 0 : i32
        %cond3A_494 = arith.cmpi ne, %convert_element_type3A_492, %cond3A_493 : i32
        scf.if %cond3A_494 {
          %parallel_loop3A = arith.constant 192 : i32
          %parallel_loop3A_496 = arith.constant 384 : i32
          %parallel_loop3A_497 = arith.constant 1 : i32
          scf.for %parallel_loop3A_510 = %parallel_loop3A to %parallel_loop3A_496 step %parallel_loop3A_497  : i32 {
            %parallel_loop3A_511 = arith.index_cast %parallel_loop3A_510 : i32 to index
            %parallel_loop3A_512 = arith.index_cast %mul3A_427 : i32 to index
            %parallel_loop3A_513 = tpu.vector_load %arg8[%parallel_loop3A_511, %parallel_loop3A_512] {strides = array<i32>} : memref<384x128xf32, #tpu.memory_space<vmem>>, vector<16xf32>,
            tpu.vector_store %arg8[%parallel_loop3A_511, %parallel_loop3A_512], %broadcast_in_dim3A_1 {strides = array<i32>} : memref<384x128xf32, #tpu.memory_space<vmem>>, vector<16xf32>,
          } {sc.loop_unroll_factor = 8 : i64, sc.parallel_access}
          %add3A_498 = arith.constant 1 : i32
          %add3A_499 = arith.addi %add3A_480, %add3A_498 : i32
          %while3A = arith.constant 0 : i32
          %while3A_500 = arith.subi %add3A_499, %reduce_min3A_470 : i32
          %while3A_501 = arith.addi %reduce_min3A_470, %while3A_500 : i32
          %while3A_502 = arith.constant 1 : i32
          %while3A_503 = arith.divsi %while3A_500, %while3A_502 : i32
          %while3A_504 = arith.muli %while3A_503, %while3A_502 : i32
          %while3A_505 = arith.addi %reduce_min3A_470, %while3A_504 : i32
          %while3A_506 = arith.constant 1 : i32
          %while3A_507 = scf.for %while3A_510 = %reduce_min3A_470 to %while3A_505 step %while3A_506 iter_args(%while3A_511 = %while3A) -> (i32)  : i32 {
            %eq3A_512 = vector.broadcast %while3A_510 : i32 to vector<16xi32>
            %eq3A_513 = arith.cmpi eq, %get3A_430, %eq3A_512 : vector<16xi32>
            %select_n3A_514 = arith.select %eq3A_513, %get3A_442, %broadcast_in_dim3A_1 : vector<16xi1>, vector<16xf32>
            %add3A_515 = arith.addf %broadcast_in_dim3A_1, %select_n3A_514 : vector<16xf32>
            %add3A_516 = arith.constant 1 : i32
            %add3A_517 = vector.broadcast %add3A_516 : i32 to vector<16xi32>
            %add3A_518 = arith.addi %get3A_430, %add3A_517 : vector<16xi32>
            %eq3A_519 = vector.broadcast %while3A_510 : i32 to vector<16xi32>
            %eq3A_520 = arith.cmpi eq, %add3A_518, %eq3A_519 : vector<16xi32>
            %select_n3A_521 = arith.select %eq3A_520, %get3A_454, %broadcast_in_dim3A_1 : vector<16xi1>, vector<16xf32>
            %add3A_522 = arith.addf %add3A_515, %select_n3A_521 : vector<16xf32>
            %eq3A_523 = vector.broadcast %while3A_510 : i32 to vector<16xi32>
            %eq3A_524 = arith.cmpi eq, %get3A_434, %eq3A_523 : vector<16xi32>
            %select_n3A_525 = arith.select %eq3A_524, %get3A_446, %broadcast_in_dim3A_1 : vector<16xi1>, vector<16xf32>
            %add3A_526 = arith.addf %add3A_522, %select_n3A_525 : vector<16xf32>
            %add3A_527 = arith.constant 1 : i32
            %add3A_528 = vector.broadcast %add3A_527 : i32 to vector<16xi32>
            %add3A_529 = arith.addi %get3A_434, %add3A_528 : vector<16xi32>
            %eq3A_530 = vector.broadcast %while3A_510 : i32 to vector<16xi32>
            %eq3A_531 = arith.cmpi eq, %add3A_529, %eq3A_530 : vector<16xi32>
            %select_n3A_532 = arith.select %eq3A_531, %get3A_458, %broadcast_in_dim3A_1 : vector<16xi1>, vector<16xf32>
            %add3A_533 = arith.addf %add3A_526, %select_n3A_532 : vector<16xf32>
            %eq3A_534 = vector.broadcast %while3A_510 : i32 to vector<16xi32>
            %eq3A_535 = arith.cmpi eq, %get3A_438, %eq3A_534 : vector<16xi32>
            %select_n3A_536 = arith.select %eq3A_535, %get3A_450, %broadcast_in_dim3A_1 : vector<16xi1>, vector<16xf32>
            %add3A_537 = arith.addf %add3A_533, %select_n3A_536 : vector<16xf32>
            %add3A_538 = arith.constant 1 : i32
            %add3A_539 = vector.broadcast %add3A_538 : i32 to vector<16xi32>
            %add3A_540 = arith.addi %get3A_438, %add3A_539 : vector<16xi32>
            %eq3A_541 = vector.broadcast %while3A_510 : i32 to vector<16xi32>
            %eq3A_542 = arith.cmpi eq, %add3A_540, %eq3A_541 : vector<16xi32>
            %select_n3A_543 = arith.select %eq3A_542, %get3A_462, %broadcast_in_dim3A_1 : vector<16xi1>, vector<16xf32>
            %add3A_544 = arith.addf %add3A_537, %select_n3A_543 : vector<16xf32>
            %scan3A_545 = arith.constant 0 : i32
            %scan3A_546 = arith.constant 192 : i32
            %scan3A_547 = arith.constant 192 : i32
            %scan3A_548 = arith.addi %scan3A_546, %scan3A_547 : i32
            %scan3A_549 = arith.constant 4 : i32
            %scan3A_550 = scf.for %scan3A_553 = %scan3A_546 to %scan3A_548 step %scan3A_549 iter_args(%scan3A_554 = %scan3A_545) -> (i32)  : i32 {
              %add3A_555 = arith.addi %scan3A_553, %while3A_510 : i32
              %max3A_556 = arith.constant 0 : i32
              %max3A_557 = arith.maxsi %add3A_555, %max3A_556 : i32
              %min3A_558 = arith.constant 383 : i32
              %min3A_559 = arith.minsi %max3A_557, %min3A_558 : i32
              %get3A_560 = arith.index_cast %scan3A_553 : i32 to index
              %get3A_561 = arith.index_cast %mul3A_427 : i32 to index
              %get3A_562 = tpu.vector_load %arg8[%get3A_560, %get3A_561] {strides = array<i32>} : memref<384x128xf32, #tpu.memory_space<vmem>>, vector<16xf32>,
              %add3A_563 = arith.constant 8 : i32
              %add3A_564 = arith.addi %min3A_559, %add3A_563 : i32
              %get3A_565 = arith.index_cast %add3A_564 : i32 to index
              %get3A_566 = arith.index_cast %mul3A_427 : i32 to index
              %get3A_567 = tpu.vector_load %arg7[%get3A_565, %get3A_566] {strides = array<i32>} : memref<400x128xf32, #tpu.memory_space<vmem>>, vector<16xf32>,
              %mul3A_568 = arith.mulf %add3A_544, %get3A_567 : vector<16xf32>
              %add3A_569 = arith.addf %get3A_562, %mul3A_568 : vector<16xf32>
              %swap3A = arith.index_cast %scan3A_553 : i32 to index
              %swap3A_570 = arith.index_cast %mul3A_427 : i32 to index
              %swap3A_571 = tpu.vector_load %arg8[%swap3A, %swap3A_570] {strides = array<i32>} : memref<384x128xf32, #tpu.memory_space<vmem>>, vector<16xf32>,
              tpu.vector_store %arg8[%swap3A, %swap3A_570], %add3A_569 {strides = array<i32>} : memref<384x128xf32, #tpu.memory_space<vmem>>, vector<16xf32>,
              %scan3A_572 = arith.constant 0 : i32
              %scan3A_573 = arith.constant 1 : i32
              %scan3A_574 = arith.addi %scan3A_553, %scan3A_573 : i32
              %add3A_575 = arith.addi %scan3A_574, %while3A_510 : i32
              %max3A_576 = arith.constant 0 : i32
              %max3A_577 = arith.maxsi %add3A_575, %max3A_576 : i32
              %min3A_578 = arith.constant 383 : i32
              %min3A_579 = arith.minsi %max3A_577, %min3A_578 : i32
              %get3A_580 = arith.index_cast %scan3A_574 : i32 to index
              %get3A_581 = arith.index_cast %mul3A_427 : i32 to index
              %get3A_582 = tpu.vector_load %arg8[%get3A_580, %get3A_581] {strides = array<i32>} : memref<384x128xf32, #tpu.memory_space<vmem>>, vector<16xf32>,
              %add3A_583 = arith.constant 8 : i32
              %add3A_584 = arith.addi %min3A_579, %add3A_583 : i32
              %get3A_585 = arith.index_cast %add3A_584 : i32 to index
              %get3A_586 = arith.index_cast %mul3A_427 : i32 to index
              %get3A_587 = tpu.vector_load %arg7[%get3A_585, %get3A_586] {strides = array<i32>} : memref<400x128xf32, #tpu.memory_space<vmem>>, vector<16xf32>,
              %mul3A_588 = arith.mulf %add3A_544, %get3A_587 : vector<16xf32>
              %add3A_589 = arith.addf %get3A_582, %mul3A_588 : vector<16xf32>
              %swap3A_590 = arith.index_cast %scan3A_574 : i32 to index
              %swap3A_591 = arith.index_cast %mul3A_427 : i32 to index
              %swap3A_592 = tpu.vector_load %arg8[%swap3A_590, %swap3A_591] {strides = array<i32>} : memref<384x128xf32, #tpu.memory_space<vmem>>, vector<16xf32>,
              tpu.vector_store %arg8[%swap3A_590, %swap3A_591], %add3A_589 {strides = array<i32>} : memref<384x128xf32, #tpu.memory_space<vmem>>, vector<16xf32>,
              %scan3A_593 = arith.constant 0 : i32
              %scan3A_594 = arith.constant 2 : i32
              %scan3A_595 = arith.addi %scan3A_553, %scan3A_594 : i32
              %add3A_596 = arith.addi %scan3A_595, %while3A_510 : i32
              %max3A_597 = arith.constant 0 : i32
              %max3A_598 = arith.maxsi %add3A_596, %max3A_597 : i32
              %min3A_599 = arith.constant 383 : i32
              %min3A_600 = arith.minsi %max3A_598, %min3A_599 : i32
              %get3A_601 = arith.index_cast %scan3A_595 : i32 to index
              %get3A_602 = arith.index_cast %mul3A_427 : i32 to index
              %get3A_603 = tpu.vector_load %arg8[%get3A_601, %get3A_602] {strides = array<i32>} : memref<384x128xf32, #tpu.memory_space<vmem>>, vector<16xf32>,
              %add3A_604 = arith.constant 8 : i32
              %add3A_605 = arith.addi %min3A_600, %add3A_604 : i32
              %get3A_606 = arith.index_cast %add3A_605 : i32 to index
              %get3A_607 = arith.index_cast %mul3A_427 : i32 to index
              %get3A_608 = tpu.vector_load %arg7[%get3A_606, %get3A_607] {strides = array<i32>} : memref<400x128xf32, #tpu.memory_space<vmem>>, vector<16xf32>,
              %mul3A_609 = arith.mulf %add3A_544, %get3A_608 : vector<16xf32>
              %add3A_610 = arith.addf %get3A_603, %mul3A_609 : vector<16xf32>
              %swap3A_611 = arith.index_cast %scan3A_595 : i32 to index
              %swap3A_612 = arith.index_cast %mul3A_427 : i32 to index
              %swap3A_613 = tpu.vector_load %arg8[%swap3A_611, %swap3A_612] {strides = array<i32>} : memref<384x128xf32, #tpu.memory_space<vmem>>, vector<16xf32>,
              tpu.vector_store %arg8[%swap3A_611, %swap3A_612], %add3A_610 {strides = array<i32>} : memref<384x128xf32, #tpu.memory_space<vmem>>, vector<16xf32>,
              %scan3A_614 = arith.constant 0 : i32
              %scan3A_615 = arith.constant 3 : i32
              %scan3A_616 = arith.addi %scan3A_553, %scan3A_615 : i32
              %add3A_617 = arith.addi %scan3A_616, %while3A_510 : i32
              %max3A_618 = arith.constant 0 : i32
              %max3A_619 = arith.maxsi %add3A_617, %max3A_618 : i32
              %min3A_620 = arith.constant 383 : i32
              %min3A_621 = arith.minsi %max3A_619, %min3A_620 : i32
              %get3A_622 = arith.index_cast %scan3A_616 : i32 to index
              %get3A_623 = arith.index_cast %mul3A_427 : i32 to index
              %get3A_624 = tpu.vector_load %arg8[%get3A_622, %get3A_623] {strides = array<i32>} : memref<384x128xf32, #tpu.memory_space<vmem>>, vector<16xf32>,
              %add3A_625 = arith.constant 8 : i32
              %add3A_626 = arith.addi %min3A_621, %add3A_625 : i32
              %get3A_627 = arith.index_cast %add3A_626 : i32 to index
              %get3A_628 = arith.index_cast %mul3A_427 : i32 to index
              %get3A_629 = tpu.vector_load %arg7[%get3A_627, %get3A_628] {strides = array<i32>} : memref<400x128xf32, #tpu.memory_space<vmem>>, vector<16xf32>,
              %mul3A_630 = arith.mulf %add3A_544, %get3A_629 : vector<16xf32>
              %add3A_631 = arith.addf %get3A_624, %mul3A_630 : vector<16xf32>
              %swap3A_632 = arith.index_cast %scan3A_616 : i32 to index
              %swap3A_633 = arith.index_cast %mul3A_427 : i32 to index
              %swap3A_634 = tpu.vector_load %arg8[%swap3A_632, %swap3A_633] {strides = array<i32>} : memref<384x128xf32, #tpu.memory_space<vmem>>, vector<16xf32>,
              tpu.vector_store %arg8[%swap3A_632, %swap3A_633], %add3A_631 {strides = array<i32>} : memref<384x128xf32, #tpu.memory_space<vmem>>, vector<16xf32>,
              %scan3A_635 = arith.constant 0 : i32
              scf.yield %scan3A_635 : i32
            }
            %scan3A_551 = arith.constant 192 : i32
            %while3A_552 = arith.constant 0 : i32
            scf.yield %while3A_552 : i32
          }
          %while3A_508 = arith.constant 1 : i32
          %while3A_509 = scf.for %while3A_510 = %while3A_505 to %while3A_501 step %while3A_508 iter_args(%while3A_511 = %while3A_507) -> (i32)  : i32 {
            %eq3A_512 = vector.broadcast %while3A_510 : i32 to vector<16xi32>
            %eq3A_513 = arith.cmpi eq, %get3A_430, %eq3A_512 : vector<16xi32>
            %select_n3A_514 = arith.select %eq3A_513, %get3A_442, %broadcast_in_dim3A_1 : vector<16xi1>, vector<16xf32>
            %add3A_515 = arith.addf %broadcast_in_dim3A_1, %select_n3A_514 : vector<16xf32>
            %add3A_516 = arith.constant 1 : i32
            %add3A_517 = vector.broadcast %add3A_516 : i32 to vector<16xi32>
            %add3A_518 = arith.addi %get3A_430, %add3A_517 : vector<16xi32>
            %eq3A_519 = vector.broadcast %while3A_510 : i32 to vector<16xi32>
            %eq3A_520 = arith.cmpi eq, %add3A_518, %eq3A_519 : vector<16xi32>
            %select_n3A_521 = arith.select %eq3A_520, %get3A_454, %broadcast_in_dim3A_1 : vector<16xi1>, vector<16xf32>
            %add3A_522 = arith.addf %add3A_515, %select_n3A_521 : vector<16xf32>
            %eq3A_523 = vector.broadcast %while3A_510 : i32 to vector<16xi32>
            %eq3A_524 = arith.cmpi eq, %get3A_434, %eq3A_523 : vector<16xi32>
            %select_n3A_525 = arith.select %eq3A_524, %get3A_446, %broadcast_in_dim3A_1 : vector<16xi1>, vector<16xf32>
            %add3A_526 = arith.addf %add3A_522, %select_n3A_525 : vector<16xf32>
            %add3A_527 = arith.constant 1 : i32
            %add3A_528 = vector.broadcast %add3A_527 : i32 to vector<16xi32>
            %add3A_529 = arith.addi %get3A_434, %add3A_528 : vector<16xi32>
            %eq3A_530 = vector.broadcast %while3A_510 : i32 to vector<16xi32>
            %eq3A_531 = arith.cmpi eq, %add3A_529, %eq3A_530 : vector<16xi32>
            %select_n3A_532 = arith.select %eq3A_531, %get3A_458, %broadcast_in_dim3A_1 : vector<16xi1>, vector<16xf32>
            %add3A_533 = arith.addf %add3A_526, %select_n3A_532 : vector<16xf32>
            %eq3A_534 = vector.broadcast %while3A_510 : i32 to vector<16xi32>
            %eq3A_535 = arith.cmpi eq, %get3A_438, %eq3A_534 : vector<16xi32>
            %select_n3A_536 = arith.select %eq3A_535, %get3A_450, %broadcast_in_dim3A_1 : vector<16xi1>, vector<16xf32>
            %add3A_537 = arith.addf %add3A_533, %select_n3A_536 : vector<16xf32>
            %add3A_538 = arith.constant 1 : i32
            %add3A_539 = vector.broadcast %add3A_538 : i32 to vector<16xi32>
            %add3A_540 = arith.addi %get3A_438, %add3A_539 : vector<16xi32>
            %eq3A_541 = vector.broadcast %while3A_510 : i32 to vector<16xi32>
            %eq3A_542 = arith.cmpi eq, %add3A_540, %eq3A_541 : vector<16xi32>
            %select_n3A_543 = arith.select %eq3A_542, %get3A_462, %broadcast_in_dim3A_1 : vector<16xi1>, vector<16xf32>
            %add3A_544 = arith.addf %add3A_537, %select_n3A_543 : vector<16xf32>
            %scan3A_545 = arith.constant 0 : i32
            %scan3A_546 = arith.constant 192 : i32
            %scan3A_547 = arith.constant 192 : i32
            %scan3A_548 = arith.addi %scan3A_546, %scan3A_547 : i32
            %scan3A_549 = arith.constant 4 : i32
            %scan3A_550 = scf.for %scan3A_553 = %scan3A_546 to %scan3A_548 step %scan3A_549 iter_args(%scan3A_554 = %scan3A_545) -> (i32)  : i32 {
              %add3A_555 = arith.addi %scan3A_553, %while3A_510 : i32
              %max3A_556 = arith.constant 0 : i32
              %max3A_557 = arith.maxsi %add3A_555, %max3A_556 : i32
              %min3A_558 = arith.constant 383 : i32
              %min3A_559 = arith.minsi %max3A_557, %min3A_558 : i32
              %get3A_560 = arith.index_cast %scan3A_553 : i32 to index
              %get3A_561 = arith.index_cast %mul3A_427 : i32 to index
              %get3A_562 = tpu.vector_load %arg8[%get3A_560, %get3A_561] {strides = array<i32>} : memref<384x128xf32, #tpu.memory_space<vmem>>, vector<16xf32>,
              %add3A_563 = arith.constant 8 : i32
              %add3A_564 = arith.addi %min3A_559, %add3A_563 : i32
              %get3A_565 = arith.index_cast %add3A_564 : i32 to index
              %get3A_566 = arith.index_cast %mul3A_427 : i32 to index
              %get3A_567 = tpu.vector_load %arg7[%get3A_565, %get3A_566] {strides = array<i32>} : memref<400x128xf32, #tpu.memory_space<vmem>>, vector<16xf32>,
              %mul3A_568 = arith.mulf %add3A_544, %get3A_567 : vector<16xf32>
              %add3A_569 = arith.addf %get3A_562, %mul3A_568 : vector<16xf32>
              %swap3A = arith.index_cast %scan3A_553 : i32 to index
              %swap3A_570 = arith.index_cast %mul3A_427 : i32 to index
              %swap3A_571 = tpu.vector_load %arg8[%swap3A, %swap3A_570] {strides = array<i32>} : memref<384x128xf32, #tpu.memory_space<vmem>>, vector<16xf32>,
              tpu.vector_store %arg8[%swap3A, %swap3A_570], %add3A_569 {strides = array<i32>} : memref<384x128xf32, #tpu.memory_space<vmem>>, vector<16xf32>,
              %scan3A_572 = arith.constant 0 : i32
              %scan3A_573 = arith.constant 1 : i32
              %scan3A_574 = arith.addi %scan3A_553, %scan3A_573 : i32
              %add3A_575 = arith.addi %scan3A_574, %while3A_510 : i32
              %max3A_576 = arith.constant 0 : i32
              %max3A_577 = arith.maxsi %add3A_575, %max3A_576 : i32
              %min3A_578 = arith.constant 383 : i32
              %min3A_579 = arith.minsi %max3A_577, %min3A_578 : i32
              %get3A_580 = arith.index_cast %scan3A_574 : i32 to index
              %get3A_581 = arith.index_cast %mul3A_427 : i32 to index
              %get3A_582 = tpu.vector_load %arg8[%get3A_580, %get3A_581] {strides = array<i32>} : memref<384x128xf32, #tpu.memory_space<vmem>>, vector<16xf32>,
              %add3A_583 = arith.constant 8 : i32
              %add3A_584 = arith.addi %min3A_579, %add3A_583 : i32
              %get3A_585 = arith.index_cast %add3A_584 : i32 to index
              %get3A_586 = arith.index_cast %mul3A_427 : i32 to index
              %get3A_587 = tpu.vector_load %arg7[%get3A_585, %get3A_586] {strides = array<i32>} : memref<400x128xf32, #tpu.memory_space<vmem>>, vector<16xf32>,
              %mul3A_588 = arith.mulf %add3A_544, %get3A_587 : vector<16xf32>
              %add3A_589 = arith.addf %get3A_582, %mul3A_588 : vector<16xf32>
              %swap3A_590 = arith.index_cast %scan3A_574 : i32 to index
              %swap3A_591 = arith.index_cast %mul3A_427 : i32 to index
              %swap3A_592 = tpu.vector_load %arg8[%swap3A_590, %swap3A_591] {strides = array<i32>} : memref<384x128xf32, #tpu.memory_space<vmem>>, vector<16xf32>,
              tpu.vector_store %arg8[%swap3A_590, %swap3A_591], %add3A_589 {strides = array<i32>} : memref<384x128xf32, #tpu.memory_space<vmem>>, vector<16xf32>,
              %scan3A_593 = arith.constant 0 : i32
              %scan3A_594 = arith.constant 2 : i32
              %scan3A_595 = arith.addi %scan3A_553, %scan3A_594 : i32
              %add3A_596 = arith.addi %scan3A_595, %while3A_510 : i32
              %max3A_597 = arith.constant 0 : i32
              %max3A_598 = arith.maxsi %add3A_596, %max3A_597 : i32
              %min3A_599 = arith.constant 383 : i32
              %min3A_600 = arith.minsi %max3A_598, %min3A_599 : i32
              %get3A_601 = arith.index_cast %scan3A_595 : i32 to index
              %get3A_602 = arith.index_cast %mul3A_427 : i32 to index
              %get3A_603 = tpu.vector_load %arg8[%get3A_601, %get3A_602] {strides = array<i32>} : memref<384x128xf32, #tpu.memory_space<vmem>>, vector<16xf32>,
              %add3A_604 = arith.constant 8 : i32
              %add3A_605 = arith.addi %min3A_600, %add3A_604 : i32
              %get3A_606 = arith.index_cast %add3A_605 : i32 to index
              %get3A_607 = arith.index_cast %mul3A_427 : i32 to index
              %get3A_608 = tpu.vector_load %arg7[%get3A_606, %get3A_607] {strides = array<i32>} : memref<400x128xf32, #tpu.memory_space<vmem>>, vector<16xf32>,
              %mul3A_609 = arith.mulf %add3A_544, %get3A_608 : vector<16xf32>
              %add3A_610 = arith.addf %get3A_603, %mul3A_609 : vector<16xf32>
              %swap3A_611 = arith.index_cast %scan3A_595 : i32 to index
              %swap3A_612 = arith.index_cast %mul3A_427 : i32 to index
              %swap3A_613 = tpu.vector_load %arg8[%swap3A_611, %swap3A_612] {strides = array<i32>} : memref<384x128xf32, #tpu.memory_space<vmem>>, vector<16xf32>,
              tpu.vector_store %arg8[%swap3A_611, %swap3A_612], %add3A_610 {strides = array<i32>} : memref<384x128xf32, #tpu.memory_space<vmem>>, vector<16xf32>,
              %scan3A_614 = arith.constant 0 : i32
              %scan3A_615 = arith.constant 3 : i32
              %scan3A_616 = arith.addi %scan3A_553, %scan3A_615 : i32
              %add3A_617 = arith.addi %scan3A_616, %while3A_510 : i32
              %max3A_618 = arith.constant 0 : i32
              %max3A_619 = arith.maxsi %add3A_617, %max3A_618 : i32
              %min3A_620 = arith.constant 383 : i32
              %min3A_621 = arith.minsi %max3A_619, %min3A_620 : i32
              %get3A_622 = arith.index_cast %scan3A_616 : i32 to index
              %get3A_623 = arith.index_cast %mul3A_427 : i32 to index
              %get3A_624 = tpu.vector_load %arg8[%get3A_622, %get3A_623] {strides = array<i32>} : memref<384x128xf32, #tpu.memory_space<vmem>>, vector<16xf32>,
              %add3A_625 = arith.constant 8 : i32
              %add3A_626 = arith.addi %min3A_621, %add3A_625 : i32
              %get3A_627 = arith.index_cast %add3A_626 : i32 to index
              %get3A_628 = arith.index_cast %mul3A_427 : i32 to index
              %get3A_629 = tpu.vector_load %arg7[%get3A_627, %get3A_628] {strides = array<i32>} : memref<400x128xf32, #tpu.memory_space<vmem>>, vector<16xf32>,
              %mul3A_630 = arith.mulf %add3A_544, %get3A_629 : vector<16xf32>
              %add3A_631 = arith.addf %get3A_624, %mul3A_630 : vector<16xf32>
              %swap3A_632 = arith.index_cast %scan3A_616 : i32 to index
              %swap3A_633 = arith.index_cast %mul3A_427 : i32 to index
              %swap3A_634 = tpu.vector_load %arg8[%swap3A_632, %swap3A_633] {strides = array<i32>} : memref<384x128xf32, #tpu.memory_space<vmem>>, vector<16xf32>,
              tpu.vector_store %arg8[%swap3A_632, %swap3A_633], %add3A_631 {strides = array<i32>} : memref<384x128xf32, #tpu.memory_space<vmem>>, vector<16xf32>,
              %scan3A_635 = arith.constant 0 : i32
              scf.yield %scan3A_635 : i32
            }
            %scan3A_551 = arith.constant 192 : i32
            %while3A_552 = arith.constant 0 : i32
            scf.yield %while3A_552 : i32
          }
        } else {
        }
        %scan3A_495 = arith.constant 0 : i32
        scf.yield %scan3A_495 : i32
      }
      %scan3A_358 = arith.constant 8 : i32
      %mul3A_359 = arith.constant 8 : i32
      %mul3A_360 = arith.muli %add3A, %mul3A_359 : i32
      %add3A_361 = arith.addi %mul3A_360, %scan3A_170 : i32
      %jit3A_362 = arith.constant 32 : i32
      %div3A_363 = arith.divsi %add3A_361, %jit3A_362 : i32
      %sign3A_364 = arith.constant 0 : i32
      %sign3A_365 = arith.cmpi sgt, %add3A_361, %sign3A_364 : i32
      %sign3A_366 = arith.extui %sign3A_365 : i1 to i32
      %sign3A_367 = arith.constant 0 : i32
      %sign3A_368 = arith.cmpi slt, %add3A_361, %sign3A_367 : i32
      %sign3A_369 = arith.extui %sign3A_368 : i1 to i32
      %sign3A_370 = arith.subi %sign3A_366, %sign3A_369 : i32
      %sign3A_371 = arith.constant 0 : i32
      %sign3A_372 = arith.cmpi sgt, %jit3A_362, %sign3A_371 : i32
      %sign3A_373 = arith.extui %sign3A_372 : i1 to i32
      %sign3A_374 = arith.constant 0 : i32
      %sign3A_375 = arith.cmpi slt, %jit3A_362, %sign3A_374 : i32
      %sign3A_376 = arith.extui %sign3A_375 : i1 to i32
      %sign3A_377 = arith.subi %sign3A_373, %sign3A_376 : i32
      %ne3A_378 = arith.cmpi ne, %sign3A_370, %sign3A_377 : i32
      %rem3A_379 = arith.remsi %add3A_361, %jit3A_362 : i32
      %ne3A_380 = arith.constant 0 : i32
      %ne3A_381 = arith.cmpi ne, %rem3A_379, %ne3A_380 : i32
      %and3A_382 = arith.andi %ne3A_378, %ne3A_381 : i1
      %sub3A_383 = arith.constant 1 : i32
      %sub3A_384 = arith.subi %div3A_363, %sub3A_383 : i32
      %select_n3A_385 = arith.select %and3A_382, %sub3A_384, %div3A_363 : i32
      %jit3A_386 = arith.constant 32 : i32
      %eq3A_387 = arith.constant 0 : i32
      %eq3A_388 = arith.cmpi eq, %jit3A_386, %eq3A_387 : i32
      %jit3A_389 = arith.constant 1 : i32
      %select_n3A_390 = arith.select %eq3A_388, %jit3A_389, %jit3A_386 : i32
      %rem3A_391 = arith.remsi %add3A_361, %select_n3A_390 : i32
      %ne3A_392 = arith.constant 0 : i32
      %ne3A_393 = arith.cmpi ne, %rem3A_391, %ne3A_392 : i32
      %lt3A_394 = arith.constant 0 : i32
      %lt3A_395 = arith.cmpi slt, %rem3A_391, %lt3A_394 : i32
      %lt3A_396 = arith.constant 0 : i32
      %lt3A_397 = arith.cmpi slt, %select_n3A_390, %lt3A_396 : i32
      %ne3A_398 = arith.xori %lt3A_395, %lt3A_397 : i1
      %and3A_399 = arith.andi %ne3A_398, %ne3A_393 : i1
      %add3A_400 = arith.addi %rem3A_391, %select_n3A_390 : i32
      %select_n3A_401 = arith.select %and3A_399, %add3A_400, %rem3A_391 : i32
      %mul3A_402 = arith.constant 128 : i32
      %mul3A_403 = arith.muli %select_n3A_401, %mul3A_402 : i32
      %dma_start3A_404 = arith.constant 192 : i32
      %dma_start3A_405 = arith.constant 0 : i32
      %dma_start3A_406 = tpu.memref_slice %arg8[%dma_start3A_404, %dma_start3A_405] : memref<384x128xf32, #tpu.memory_space<vmem>> -> memref<192x128xf32, #tpu.memory_space<vmem>>
      %dma_start3A_407 = arith.constant 192 : i32
      %dma_start3A_408 = tpu.memref_slice %arg6[%select_n3A_385, %dma_start3A_407, %mul3A_403] : memref<8x384x4096xf32, #tpu.memory_space<hbm>> -> memref<1x192x128xf32, #tpu.memory_space<hbm>>
      %dma_start3A_409 = tpu.memref_squeeze %dma_start3A_408 : memref<1x192x128xf32, #tpu.memory_space<hbm>> -> memref<192x128xf32, #tpu.memory_space<hbm>>
      %dma_start3A_410 = arith.constant 192 : i32
      %dma_start3A_411 = tpu.memref_slice %arg6[%select_n3A_385, %dma_start3A_410, %mul3A_403] : memref<8x384x4096xf32, #tpu.memory_space<hbm>> -> memref<1x192x128xf32, #tpu.memory_space<hbm>>
      %dma_start3A_412 = tpu.memref_squeeze %dma_start3A_411 : memref<1x192x128xf32, #tpu.memory_space<hbm>> -> memref<192x128xf32, #tpu.memory_space<hbm>>
      %dma_start3A_413 = arith.constant 192 : i32
      %dma_start3A_414 = arith.constant 0 : i32
      %dma_start3A_415 = tpu.memref_slice %arg8[%dma_start3A_413, %dma_start3A_414] : memref<384x128xf32, #tpu.memory_space<vmem>> -> memref<192x128xf32, #tpu.memory_space<vmem>>
      tpu.enqueue_dma source(%dma_start3A_415 : memref<192x128xf32, #tpu.memory_space<vmem>>) target(%dma_start3A_412 : memref<192x128xf32, #tpu.memory_space<hbm>>) target_semaphore(%arg14 : memref<!tpu.dma_semaphore, #tpu.memory_space<semaphore_mem>>)
      %add3A_416 = arith.constant 1 : i32
      %add3A_417 = arith.addi %scan3A_170, %add3A_416 : i32
      %lt3A_418 = arith.constant 8 : i32
      %lt3A_419 = arith.cmpi slt, %add3A_417, %lt3A_418 : i32
      %convert_element_type3A_420 = arith.extui %lt3A_419 : i1 to i32
      %cond3A_421 = arith.constant 0 : i32
      %cond3A_422 = arith.cmpi ne, %convert_element_type3A_420, %cond3A_421 : i32
      scf.if %cond3A_422 {
        %add3A_424 = arith.constant 1 : i32
        %add3A_425 = arith.addi %scan3A_170, %add3A_424 : i32
        %mul3A_426 = arith.constant 8 : i32
        %mul3A_427 = arith.muli %add3A, %mul3A_426 : i32
        %add3A_428 = arith.addi %mul3A_427, %add3A_425 : i32
        %jit3A_429 = arith.constant 32 : i32
        %div3A_430 = arith.divsi %add3A_428, %jit3A_429 : i32
        %sign3A_431 = arith.constant 0 : i32
        %sign3A_432 = arith.cmpi sgt, %add3A_428, %sign3A_431 : i32
        %sign3A_433 = arith.extui %sign3A_432 : i1 to i32
        %sign3A_434 = arith.constant 0 : i32
        %sign3A_435 = arith.cmpi slt, %add3A_428, %sign3A_434 : i32
        %sign3A_436 = arith.extui %sign3A_435 : i1 to i32
        %sign3A_437 = arith.subi %sign3A_433, %sign3A_436 : i32
        %sign3A_438 = arith.constant 0 : i32
        %sign3A_439 = arith.cmpi sgt, %jit3A_429, %sign3A_438 : i32
        %sign3A_440 = arith.extui %sign3A_439 : i1 to i32
        %sign3A_441 = arith.constant 0 : i32
        %sign3A_442 = arith.cmpi slt, %jit3A_429, %sign3A_441 : i32
        %sign3A_443 = arith.extui %sign3A_442 : i1 to i32
        %sign3A_444 = arith.subi %sign3A_440, %sign3A_443 : i32
        %ne3A_445 = arith.cmpi ne, %sign3A_437, %sign3A_444 : i32
        %rem3A_446 = arith.remsi %add3A_428, %jit3A_429 : i32
        %ne3A_447 = arith.constant 0 : i32
        %ne3A_448 = arith.cmpi ne, %rem3A_446, %ne3A_447 : i32
        %and3A_449 = arith.andi %ne3A_445, %ne3A_448 : i1
        %sub3A_450 = arith.constant 1 : i32
        %sub3A_451 = arith.subi %div3A_430, %sub3A_450 : i32
        %select_n3A_452 = arith.select %and3A_449, %sub3A_451, %div3A_430 : i32
        %jit3A_453 = arith.constant 32 : i32
        %eq3A_454 = arith.constant 0 : i32
        %eq3A_455 = arith.cmpi eq, %jit3A_453, %eq3A_454 : i32
        %jit3A_456 = arith.constant 1 : i32
        %select_n3A_457 = arith.select %eq3A_455, %jit3A_456, %jit3A_453 : i32
        %rem3A_458 = arith.remsi %add3A_428, %select_n3A_457 : i32
        %ne3A_459 = arith.constant 0 : i32
        %ne3A_460 = arith.cmpi ne, %rem3A_458, %ne3A_459 : i32
        %lt3A_461 = arith.constant 0 : i32
        %lt3A_462 = arith.cmpi slt, %rem3A_458, %lt3A_461 : i32
        %lt3A_463 = arith.constant 0 : i32
        %lt3A_464 = arith.cmpi slt, %select_n3A_457, %lt3A_463 : i32
        %ne3A_465 = arith.xori %lt3A_462, %lt3A_464 : i1
        %and3A_466 = arith.andi %ne3A_465, %ne3A_460 : i1
        %add3A_467 = arith.addi %rem3A_458, %select_n3A_457 : i32
        %select_n3A_468 = arith.select %and3A_466, %add3A_467, %rem3A_458 : i32
        %mul3A_469 = arith.constant 128 : i32
        %mul3A_470 = arith.muli %select_n3A_468, %mul3A_469 : i32
        %dma_start3A_471 = arith.constant 8 : i32
        %dma_start3A_472 = arith.constant 0 : i32
        %dma_start3A_473 = tpu.memref_slice %arg7[%dma_start3A_471, %dma_start3A_472] : memref<400x128xf32, #tpu.memory_space<vmem>> -> memref<384x128xf32, #tpu.memory_space<vmem>>
        %dma_start3A_474 = arith.constant 0 : i32
        %dma_start3A_475 = tpu.memref_slice %arg2[%select_n3A_452, %dma_start3A_474, %mul3A_470] : memref<8x384x4096xf32, #tpu.memory_space<hbm>> -> memref<1x384x128xf32, #tpu.memory_space<hbm>>
        %dma_start3A_476 = tpu.memref_squeeze %dma_start3A_475 : memref<1x384x128xf32, #tpu.memory_space<hbm>> -> memref<384x128xf32, #tpu.memory_space<hbm>>
        %dma_start3A_477 = arith.constant 8 : i32
        %dma_start3A_478 = arith.constant 0 : i32
        %dma_start3A_479 = tpu.memref_slice %arg7[%dma_start3A_477, %dma_start3A_478] : memref<400x128xf32, #tpu.memory_space<vmem>> -> memref<384x128xf32, #tpu.memory_space<vmem>>
        %dma_start3A_480 = arith.constant 0 : i32
        %dma_start3A_481 = tpu.memref_slice %arg2[%select_n3A_452, %dma_start3A_480, %mul3A_470] : memref<8x384x4096xf32, #tpu.memory_space<hbm>> -> memref<1x384x128xf32, #tpu.memory_space<hbm>>
        %dma_start3A_482 = tpu.memref_squeeze %dma_start3A_481 : memref<1x384x128xf32, #tpu.memory_space<hbm>> -> memref<384x128xf32, #tpu.memory_space<hbm>>
        tpu.enqueue_dma source(%dma_start3A_482 : memref<384x128xf32, #tpu.memory_space<hbm>>) target(%dma_start3A_479 : memref<384x128xf32, #tpu.memory_space<vmem>>) target_semaphore(%arg12 : memref<!tpu.dma_semaphore, #tpu.memory_space<semaphore_mem>>)
      } else {
      }
      %scan3A_423 = arith.constant 0 : i32
      scf.yield %scan3A_423 : i32
    }
    %scan3A_54 = arith.constant 8 : i32
    %mul3A_55 = arith.constant 8 : i32
    %mul3A_56 = arith.muli %add3A, %mul3A_55 : i32
    %add3A_57 = arith.constant 7 : i32
    %add3A_58 = arith.addi %mul3A_56, %add3A_57 : i32
    %jit3A_59 = arith.constant 32 : i32
    %div3A_60 = arith.divsi %add3A_58, %jit3A_59 : i32
    %sign3A_61 = arith.constant 0 : i32
    %sign3A_62 = arith.cmpi sgt, %add3A_58, %sign3A_61 : i32
    %sign3A_63 = arith.extui %sign3A_62 : i1 to i32
    %sign3A_64 = arith.constant 0 : i32
    %sign3A_65 = arith.cmpi slt, %add3A_58, %sign3A_64 : i32
    %sign3A_66 = arith.extui %sign3A_65 : i1 to i32
    %sign3A_67 = arith.subi %sign3A_63, %sign3A_66 : i32
    %sign3A_68 = arith.constant 0 : i32
    %sign3A_69 = arith.cmpi sgt, %jit3A_59, %sign3A_68 : i32
    %sign3A_70 = arith.extui %sign3A_69 : i1 to i32
    %sign3A_71 = arith.constant 0 : i32
    %sign3A_72 = arith.cmpi slt, %jit3A_59, %sign3A_71 : i32
    %sign3A_73 = arith.extui %sign3A_72 : i1 to i32
    %sign3A_74 = arith.subi %sign3A_70, %sign3A_73 : i32
    %ne3A_75 = arith.cmpi ne, %sign3A_67, %sign3A_74 : i32
    %rem3A_76 = arith.remsi %add3A_58, %jit3A_59 : i32
    %ne3A_77 = arith.constant 0 : i32
    %ne3A_78 = arith.cmpi ne, %rem3A_76, %ne3A_77 : i32
    %and3A_79 = arith.andi %ne3A_75, %ne3A_78 : i1
    %sub3A_80 = arith.constant 1 : i32
    %sub3A_81 = arith.subi %div3A_60, %sub3A_80 : i32
    %select_n3A_82 = arith.select %and3A_79, %sub3A_81, %div3A_60 : i32
    %jit3A_83 = arith.constant 32 : i32
    %eq3A_84 = arith.constant 0 : i32
    %eq3A_85 = arith.cmpi eq, %jit3A_83, %eq3A_84 : i32
    %jit3A_86 = arith.constant 1 : i32
    %select_n3A_87 = arith.select %eq3A_85, %jit3A_86, %jit3A_83 : i32
    %rem3A_88 = arith.remsi %add3A_58, %select_n3A_87 : i32
    %ne3A_89 = arith.constant 0 : i32
    %ne3A_90 = arith.cmpi ne, %rem3A_88, %ne3A_89 : i32
    %lt3A_91 = arith.constant 0 : i32
    %lt3A_92 = arith.cmpi slt, %rem3A_88, %lt3A_91 : i32
    %lt3A_93 = arith.constant 0 : i32
    %lt3A_94 = arith.cmpi slt, %select_n3A_87, %lt3A_93 : i32
    %ne3A_95 = arith.xori %lt3A_92, %lt3A_94 : i1
    %and3A_96 = arith.andi %ne3A_95, %ne3A_90 : i1
    %add3A_97 = arith.addi %rem3A_88, %select_n3A_87 : i32
    %select_n3A_98 = arith.select %and3A_96, %add3A_97, %rem3A_88 : i32
    %mul3A_99 = arith.constant 128 : i32
    %mul3A_100 = arith.muli %select_n3A_98, %mul3A_99 : i32
    %dma_wait3A = arith.constant 0 : i32
    %dma_wait3A_101 = arith.constant 0 : i32
    %dma_wait3A_102 = tpu.memref_slice %arg8[%dma_wait3A, %dma_wait3A_101] : memref<384x128xf32, #tpu.memory_space<vmem>> -> memref<192x128xf32, #tpu.memory_space<vmem>>
    %dma_wait3A_103 = arith.constant 0 : i32
    %dma_wait3A_104 = tpu.memref_slice %arg6[%select_n3A_82, %dma_wait3A_103, %mul3A_100] : memref<8x384x4096xf32, #tpu.memory_space<hbm>> -> memref<1x192x128xf32, #tpu.memory_space<hbm>>
    %dma_wait3A_105 = tpu.memref_squeeze %dma_wait3A_104 : memref<1x192x128xf32, #tpu.memory_space<hbm>> -> memref<192x128xf32, #tpu.memory_space<hbm>>
    %dma_wait3A_106 = arith.constant 0 : i32
    %dma_wait3A_107 = tpu.memref_slice %arg6[%select_n3A_82, %dma_wait3A_106, %mul3A_100] : memref<8x384x4096xf32, #tpu.memory_space<hbm>> -> memref<1x192x128xf32, #tpu.memory_space<hbm>>
    %dma_wait3A_108 = tpu.memref_squeeze %dma_wait3A_107 : memref<1x192x128xf32, #tpu.memory_space<hbm>> -> memref<192x128xf32, #tpu.memory_space<hbm>>
    %dma_wait3A_109 = arith.constant 0 : i32
    %dma_wait3A_110 = arith.constant 0 : i32
    %dma_wait3A_111 = tpu.memref_slice %arg8[%dma_wait3A_109, %dma_wait3A_110] : memref<384x128xf32, #tpu.memory_space<vmem>> -> memref<192x128xf32, #tpu.memory_space<vmem>>
    tpu.wait_dma2 semaphore(%arg13 : memref<!tpu.dma_semaphore, #tpu.memory_space<semaphore_mem>>) src(%dma_wait3A_111 : memref<192x128xf32, #tpu.memory_space<vmem>>) dst(%dma_wait3A_108 : memref<192x128xf32, #tpu.memory_space<hbm>>)
    %mul3A_112 = arith.constant 8 : i32
    %mul3A_113 = arith.muli %add3A, %mul3A_112 : i32
    %add3A_114 = arith.constant 7 : i32
    %add3A_115 = arith.addi %mul3A_113, %add3A_114 : i32
    %jit3A_116 = arith.constant 32 : i32
    %div3A_117 = arith.divsi %add3A_115, %jit3A_116 : i32
    %sign3A_118 = arith.constant 0 : i32
    %sign3A_119 = arith.cmpi sgt, %add3A_115, %sign3A_118 : i32
    %sign3A_120 = arith.extui %sign3A_119 : i1 to i32
    %sign3A_121 = arith.constant 0 : i32
    %sign3A_122 = arith.cmpi slt, %add3A_115, %sign3A_121 : i32
    %sign3A_123 = arith.extui %sign3A_122 : i1 to i32
    %sign3A_124 = arith.subi %sign3A_120, %sign3A_123 : i32
    %sign3A_125 = arith.constant 0 : i32
    %sign3A_126 = arith.cmpi sgt, %jit3A_116, %sign3A_125 : i32
    %sign3A_127 = arith.extui %sign3A_126 : i1 to i32
    %sign3A_128 = arith.constant 0 : i32
    %sign3A_129 = arith.cmpi slt, %jit3A_116, %sign3A_128 : i32
    %sign3A_130 = arith.extui %sign3A_129 : i1 to i32
    %sign3A_131 = arith.subi %sign3A_127, %sign3A_130 : i32
    %ne3A_132 = arith.cmpi ne, %sign3A_124, %sign3A_131 : i32
    %rem3A_133 = arith.remsi %add3A_115, %jit3A_116 : i32
    %ne3A_134 = arith.constant 0 : i32
    %ne3A_135 = arith.cmpi ne, %rem3A_133, %ne3A_134 : i32
    %and3A_136 = arith.andi %ne3A_132, %ne3A_135 : i1
    %sub3A_137 = arith.constant 1 : i32
    %sub3A_138 = arith.subi %div3A_117, %sub3A_137 : i32
    %select_n3A_139 = arith.select %and3A_136, %sub3A_138, %div3A_117 : i32
    %jit3A_140 = arith.constant 32 : i32
    %eq3A_141 = arith.constant 0 : i32
    %eq3A_142 = arith.cmpi eq, %jit3A_140, %eq3A_141 : i32
    %jit3A_143 = arith.constant 1 : i32
    %select_n3A_144 = arith.select %eq3A_142, %jit3A_143, %jit3A_140 : i32
    %rem3A_145 = arith.remsi %add3A_115, %select_n3A_144 : i32
    %ne3A_146 = arith.constant 0 : i32
    %ne3A_147 = arith.cmpi ne, %rem3A_145, %ne3A_146 : i32
    %lt3A_148 = arith.constant 0 : i32
    %lt3A_149 = arith.cmpi slt, %rem3A_145, %lt3A_148 : i32
    %lt3A_150 = arith.constant 0 : i32
    %lt3A_151 = arith.cmpi slt, %select_n3A_144, %lt3A_150 : i32
    %ne3A_152 = arith.xori %lt3A_149, %lt3A_151 : i1
    %and3A_153 = arith.andi %ne3A_152, %ne3A_147 : i1
    %add3A_154 = arith.addi %rem3A_145, %select_n3A_144 : i32
    %select_n3A_155 = arith.select %and3A_153, %add3A_154, %rem3A_145 : i32
    %mul3A_156 = arith.constant 128 : i32
    %mul3A_157 = arith.muli %select_n3A_155, %mul3A_156 : i32
    %dma_wait3A_158 = arith.constant 192 : i32
    %dma_wait3A_159 = arith.constant 0 : i32
    %dma_wait3A_160 = tpu.memref_slice %arg8[%dma_wait3A_158, %dma_wait3A_159] : memref<384x128xf32, #tpu.memory_space<vmem>> -> memref<192x128xf32, #tpu.memory_space<vmem>>
    %dma_wait3A_161 = arith.constant 192 : i32
    %dma_wait3A_162 = tpu.memref_slice %arg6[%select_n3A_139, %dma_wait3A_161, %mul3A_157] : memref<8x384x4096xf32, #tpu.memory_space<hbm>> -> memref<1x192x128xf32, #tpu.memory_space<hbm>>
    %dma_wait3A_163 = tpu.memref_squeeze %dma_wait3A_162 : memref<1x192x128xf32, #tpu.memory_space<hbm>> -> memref<192x128xf32, #tpu.memory_space<hbm>>
    %dma_wait3A_164 = arith.constant 192 : i32
    %dma_wait3A_165 = tpu.memref_slice %arg6[%select_n3A_139, %dma_wait3A_164, %mul3A_157] : memref<8x384x4096xf32, #tpu.memory_space<hbm>> -> memref<1x192x128xf32, #tpu.memory_space<hbm>>
    %dma_wait3A_166 = tpu.memref_squeeze %dma_wait3A_165 : memref<1x192x128xf32, #tpu.memory_space<hbm>> -> memref<192x128xf32, #tpu.memory_space<hbm>>
    %dma_wait3A_167 = arith.constant 192 : i32
    %dma_wait3A_168 = arith.constant 0 : i32
    %dma_wait3A_169 = tpu.memref_slice %arg8[%dma_wait3A_167, %dma_wait3A_168] : memref<384x128xf32, #tpu.memory_space<vmem>> -> memref<192x128xf32, #tpu.memory_space<vmem>>
    tpu.wait_dma2 semaphore(%arg14 : memref<!tpu.dma_semaphore, #tpu.memory_space<semaphore_mem>>) src(%dma_wait3A_169 : memref<192x128xf32, #tpu.memory_space<vmem>>) dst(%dma_wait3A_166 : memref<192x128xf32, #tpu.memory_space<hbm>>)
    return
  }
}

module attributes {stable_mosaic.version = 14 : i64} {
  func.func @_dense_body(%arg0: i32, %arg1: memref<1x384x4096xf32, #tpu.memory_space<vmem>>, %arg2: memref<384x3xf32, #tpu.memory_space<vmem>>, %arg3: memref<384x1xf32, #tpu.memory_space<vmem>>, %arg4: memref<384x1xf32, #tpu.memory_space<vmem>>, %arg5: memref<384x1xf32, #tpu.memory_space<vmem>>, %arg6: memref<8x384xf32, #tpu.memory_space<vmem>>, %arg7: memref<8x1xf32, #tpu.memory_space<vmem>>, %arg8: memref<1x3x4096xf32, #tpu.memory_space<vmem>>, %arg9: memref<1x3x4096xf32, #tpu.memory_space<vmem>>, %arg10: memref<1x3x4096xi32, #tpu.memory_space<vmem>>) attributes {dimension_semantics = [#tpu.dimension_semantics<arbitrary>], iteration_bounds = array<i64: 8>, scalar_prefetch = 0 : i64, scratch_operands = 0 : i64, tpu.core_type = #tpu.core_type<tc>, window_params = [{transform_indices = @transform_0, window_bounds = array<i64: 1, 384, 4096>}, {pipeline_mode = #tpu.pipeline_mode<synchronous>, transform_indices = @transform_1, window_bounds = array<i64: 384, 3>}, {pipeline_mode = #tpu.pipeline_mode<synchronous>, transform_indices = @transform_2, window_bounds = array<i64: 384, 1>}, {pipeline_mode = #tpu.pipeline_mode<synchronous>, transform_indices = @transform_3, window_bounds = array<i64: 384, 1>}, {pipeline_mode = #tpu.pipeline_mode<synchronous>, transform_indices = @transform_4, window_bounds = array<i64: 384, 1>}, {pipeline_mode = #tpu.pipeline_mode<synchronous>, transform_indices = @transform_5, window_bounds = array<i64: 8, 384>}, {pipeline_mode = #tpu.pipeline_mode<synchronous>, transform_indices = @transform_6, window_bounds = array<i64: 8, 1>}, {transform_indices = @transform_7, window_bounds = array<i64: 1, 3, 4096>}, {transform_indices = @transform_8, window_bounds = array<i64: 1, 3, 4096>}, {transform_indices = @transform_9, window_bounds = array<i64: 1, 3, 4096>}]} {
    %get3A = arith.constant 0 : index
    %get3A_0 = arith.constant 0 : index
    %get3A_1 = arith.constant 0 : index
    %get3A_2 = vector.load %arg1[%get3A, %get3A_0, %get3A_1] : memref<1x384x4096xf32, #tpu.memory_space<vmem>>, vector<1x384x4096xf32>
    %get3A_3 = vector.shape_cast %get3A_2 : vector<1x384x4096xf32> to vector<384x4096xf32>
    %get3A_4 = arith.constant 0 : index
    %get3A_5 = arith.constant 0 : index
    %get3A_6 = vector.load %arg2[%get3A_4, %get3A_5] : memref<384x3xf32, #tpu.memory_space<vmem>>, vector<384x1xf32>
    %get3A_7 = arith.constant 0 : index
    %get3A_8 = arith.constant 1 : index
    %get3A_9 = vector.load %arg2[%get3A_7, %get3A_8] : memref<384x3xf32, #tpu.memory_space<vmem>>, vector<384x1xf32>
    %get3A_10 = arith.constant 0 : index
    %get3A_11 = arith.constant 2 : index
    %get3A_12 = vector.load %arg2[%get3A_10, %get3A_11] : memref<384x3xf32, #tpu.memory_space<vmem>>, vector<384x1xf32>
    %broadcast_in_dim3A = arith.constant 0.000000e+00 : f32
    %broadcast_in_dim3A_13 = vector.broadcast %broadcast_in_dim3A : f32 to vector<384x1xf32>
    %slice3A = vector.extract_strided_slice %get3A_3 {offsets = [0, 0], sizes = [384, 4095], strides = [1, 1]} : vector<384x4096xf32> to vector<384x4095xf32>
    %concatenate3A = tpu.concatenate %broadcast_in_dim3A_13, %slice3A in 1 : vector<384x1xf32>, vector<384x4095xf32> -> vector<384x4096xf32>
    %slice3A_14 = vector.extract_strided_slice %get3A_3 {offsets = [0, 1], sizes = [384, 4095], strides = [1, 1]} : vector<384x4096xf32> to vector<384x4095xf32>
    %concatenate3A_15 = tpu.concatenate %slice3A_14, %broadcast_in_dim3A_13 in 1 : vector<384x4095xf32>, vector<384x1xf32> -> vector<384x4096xf32>
    %mul3A = vector.broadcast %get3A_6 : vector<384x1xf32> to vector<384x4096xf32>
    %mul3A_16 = arith.mulf %concatenate3A, %mul3A : vector<384x4096xf32>
    %mul3A_17 = vector.broadcast %get3A_9 : vector<384x1xf32> to vector<384x4096xf32>
    %mul3A_18 = arith.mulf %get3A_3, %mul3A_17 : vector<384x4096xf32>
    %add3A = arith.addf %mul3A_16, %mul3A_18 : vector<384x4096xf32>
    %mul3A_19 = vector.broadcast %get3A_12 : vector<384x1xf32> to vector<384x4096xf32>
    %mul3A_20 = arith.mulf %concatenate3A_15, %mul3A_19 : vector<384x4096xf32>
    %add3A_21 = arith.addf %add3A, %mul3A_20 : vector<384x4096xf32>
    %get3A_22 = arith.constant 0 : index
    %get3A_23 = arith.constant 0 : index
    %get3A_24 = vector.load %arg3[%get3A_22, %get3A_23] : memref<384x1xf32, #tpu.memory_space<vmem>>, vector<384x1xf32>
    %add3A_25 = vector.broadcast %get3A_24 : vector<384x1xf32> to vector<384x4096xf32>
    %add3A_26 = arith.addf %add3A_21, %add3A_25 : vector<384x4096xf32>
    %get3A_27 = arith.constant 0 : index
    %get3A_28 = arith.constant 0 : index
    %get3A_29 = vector.load %arg4[%get3A_27, %get3A_28] : memref<384x1xf32, #tpu.memory_space<vmem>>, vector<384x1xf32>
    %mul3A_30 = vector.broadcast %get3A_29 : vector<384x1xf32> to vector<384x4096xf32>
    %mul3A_31 = arith.mulf %add3A_26, %mul3A_30 : vector<384x4096xf32>
    %get3A_32 = arith.constant 0 : index
    %get3A_33 = arith.constant 0 : index
    %get3A_34 = vector.load %arg5[%get3A_32, %get3A_33] : memref<384x1xf32, #tpu.memory_space<vmem>>, vector<384x1xf32>
    %add3A_35 = vector.broadcast %get3A_34 : vector<384x1xf32> to vector<384x4096xf32>
    %add3A_36 = arith.addf %mul3A_31, %add3A_35 : vector<384x4096xf32>
    %mul3A_37 = arith.constant 5.000000e-01 : f32
    %mul3A_38 = vector.broadcast %mul3A_37 : f32 to vector<384x4096xf32>
    %mul3A_39 = arith.mulf %mul3A_38, %add3A_36 : vector<384x4096xf32>
    %mul3A_40 = arith.constant 0.707106769 : f32
    %mul3A_41 = vector.broadcast %mul3A_40 : f32 to vector<384x4096xf32>
    %mul3A_42 = arith.mulf %add3A_36, %mul3A_41 : vector<384x4096xf32>
    %erf3A = math.erf %mul3A_42 : vector<384x4096xf32>
    %add3A_43 = arith.constant 1.000000e+00 : f32
    %add3A_44 = vector.broadcast %add3A_43 : f32 to vector<384x4096xf32>
    %add3A_45 = arith.addf %add3A_44, %erf3A : vector<384x4096xf32>
    %mul3A_46 = arith.mulf %mul3A_39, %add3A_45 : vector<384x4096xf32>
    %get3A_47 = arith.constant 0 : index
    %get3A_48 = arith.constant 0 : index
    %get3A_49 = vector.load %arg6[%get3A_47, %get3A_48] : memref<8x384xf32, #tpu.memory_space<vmem>>, vector<8x384xf32>
    %dot_general3A = arith.constant dense<0.000000e+00> : vector<8x4096xf32>
    %dot_general3A_50 = tpu.matmul %get3A_49, %mul3A_46, %dot_general3A {dimension_numbers = #tpu.dot_dimension_numbers<[1], [0], [0], [1], [0, 0, 1, 1], [], []>, transpose_lhs_hint = false} : vector<8x384xf32>, vector<384x4096xf32>, vector<8x4096xf32> -> vector<8x4096xf32>
    %get3A_51 = arith.constant 0 : index
    %get3A_52 = arith.constant 0 : index
    %get3A_53 = vector.load %arg7[%get3A_51, %get3A_52] : memref<8x1xf32, #tpu.memory_space<vmem>>, vector<8x1xf32>
    %add3A_54 = vector.broadcast %get3A_53 : vector<8x1xf32> to vector<8x4096xf32>
    %add3A_55 = arith.addf %dot_general3A_50, %add3A_54 : vector<8x4096xf32>
    %slice3A_56 = vector.extract_strided_slice %add3A_55 {offsets = [0, 0], sizes = [3, 4096], strides = [1, 1]} : vector<8x4096xf32> to vector<3x4096xf32>
    %slice3A_57 = vector.extract_strided_slice %add3A_55 {offsets = [3, 0], sizes = [3, 4096], strides = [1, 1]} : vector<8x4096xf32> to vector<3x4096xf32>
    %reduce_max3A = arith.constant dense<0xFF800000> : vector<4096xf32>
    %reduce_max3A_58 = vector.multi_reduction <maximumf>, %slice3A_57, %reduce_max3A [0] : vector<3x4096xf32> to vector<4096xf32>
    %broadcast_in_dim3A_59 = vector.shape_cast %reduce_max3A_58 : vector<4096xf32> to vector<1x4096xf32>
    %sub3A = vector.broadcast %broadcast_in_dim3A_59 : vector<1x4096xf32> to vector<3x4096xf32>
    %sub3A_60 = arith.subf %slice3A_57, %sub3A : vector<3x4096xf32>
    %exp3A = math.exp %sub3A_60 : vector<3x4096xf32>
    %reduce_sum3A = arith.constant dense<0.000000e+00> : vector<4096xf32>
    %reduce_sum3A_61 = vector.multi_reduction <add>, %exp3A, %reduce_sum3A [0] : vector<3x4096xf32> to vector<4096xf32>
    %broadcast_in_dim3A_62 = vector.shape_cast %reduce_sum3A_61 : vector<4096xf32> to vector<1x4096xf32>
    %div3A = vector.broadcast %broadcast_in_dim3A_62 : vector<1x4096xf32> to vector<3x4096xf32>
    %div3A_63 = arith.divf %exp3A, %div3A : vector<3x4096xf32>
    %jit3A = arith.constant -3.840000e+02 : f32
    %jit3A_64 = arith.constant 3.840000e+02 : f32
    %max3A = vector.broadcast %jit3A : f32 to vector<3x4096xf32>
    %max3A_65 = arith.maximumf %max3A, %slice3A_56 : vector<3x4096xf32>
    %min3A = vector.broadcast %jit3A_64 : f32 to vector<3x4096xf32>
    %min3A_66 = arith.minimumf %min3A, %max3A_65 : vector<3x4096xf32>
    %floor3A = math.floor %min3A_66 : vector<3x4096xf32>
    %sub3A_67 = arith.subf %min3A_66, %floor3A : vector<3x4096xf32>
    %sub3A_68 = arith.constant 1.000000e+00 : f32
    %sub3A_69 = vector.broadcast %sub3A_68 : f32 to vector<3x4096xf32>
    %sub3A_70 = arith.subf %sub3A_69, %sub3A_67 : vector<3x4096xf32>
    %mul3A_71 = arith.mulf %div3A_63, %sub3A_70 : vector<3x4096xf32>
    %swap3A = arith.constant 0 : index
    %swap3A_72 = arith.constant 0 : index
    %swap3A_73 = arith.constant 0 : index
    %swap3A_74 = vector.load %arg8[%swap3A, %swap3A_72, %swap3A_73] : memref<1x3x4096xf32, #tpu.memory_space<vmem>>, vector<1x3x4096xf32>
    %swap3A_75 = vector.shape_cast %swap3A_74 : vector<1x3x4096xf32> to vector<3x4096xf32>
    %swap3A_76 = vector.shape_cast %mul3A_71 : vector<3x4096xf32> to vector<1x3x4096xf32>
    tpu.vector_store %arg8[%swap3A, %swap3A_72, %swap3A_73], %swap3A_76 {strides = array<i32>} : memref<1x3x4096xf32, #tpu.memory_space<vmem>>, vector<1x3x4096xf32>,
    %mul3A_77 = arith.mulf %div3A_63, %sub3A_67 : vector<3x4096xf32>
    %swap3A_78 = arith.constant 0 : index
    %swap3A_79 = arith.constant 0 : index
    %swap3A_80 = arith.constant 0 : index
    %swap3A_81 = vector.load %arg9[%swap3A_78, %swap3A_79, %swap3A_80] : memref<1x3x4096xf32, #tpu.memory_space<vmem>>, vector<1x3x4096xf32>
    %swap3A_82 = vector.shape_cast %swap3A_81 : vector<1x3x4096xf32> to vector<3x4096xf32>
    %swap3A_83 = vector.shape_cast %mul3A_77 : vector<3x4096xf32> to vector<1x3x4096xf32>
    tpu.vector_store %arg9[%swap3A_78, %swap3A_79, %swap3A_80], %swap3A_83 {strides = array<i32>} : memref<1x3x4096xf32, #tpu.memory_space<vmem>>, vector<1x3x4096xf32>,
    %convert_element_type3A = arith.fptosi %floor3A : vector<3x4096xf32> to vector<3x4096xi32>
    %swap3A_84 = arith.constant 0 : index
    %swap3A_85 = arith.constant 0 : index
    %swap3A_86 = arith.constant 0 : index
    %swap3A_87 = vector.load %arg10[%swap3A_84, %swap3A_85, %swap3A_86] : memref<1x3x4096xi32, #tpu.memory_space<vmem>>, vector<1x3x4096xi32>
    %swap3A_88 = vector.shape_cast %swap3A_87 : vector<1x3x4096xi32> to vector<3x4096xi32>
    %swap3A_89 = vector.shape_cast %convert_element_type3A : vector<3x4096xi32> to vector<1x3x4096xi32>
    tpu.vector_store %arg10[%swap3A_84, %swap3A_85, %swap3A_86], %swap3A_89 {strides = array<i32>} : memref<1x3x4096xi32, #tpu.memory_space<vmem>>, vector<1x3x4096xi32>,
    return
  }
  func.func @transform_0(%arg0: i32) -> (i32, i32, i32) {
    %c0_i32 = arith.constant 0 : i32
    %c0_i32_0 = arith.constant 0 : i32
    %c0_i32_1 = arith.constant 0 : i32
    return %arg0, %c0_i32, %c0_i32_0 : i32, i32, i32
  }
  func.func @transform_1(%arg0: i32) -> (i32, i32) {
    %c0_i32 = arith.constant 0 : i32
    %c0_i32_0 = arith.constant 0 : i32
    %c0_i32_1 = arith.constant 0 : i32
    return %c0_i32, %c0_i32_0 : i32, i32
  }
  func.func @transform_2(%arg0: i32) -> (i32, i32) {
    %c0_i32 = arith.constant 0 : i32
    %c0_i32_0 = arith.constant 0 : i32
    %c0_i32_1 = arith.constant 0 : i32
    return %c0_i32, %c0_i32_0 : i32, i32
  }
  func.func @transform_3(%arg0: i32) -> (i32, i32) {
    %c0_i32 = arith.constant 0 : i32
    %c0_i32_0 = arith.constant 0 : i32
    %c0_i32_1 = arith.constant 0 : i32
    return %c0_i32, %c0_i32_0 : i32, i32
  }
  func.func @transform_4(%arg0: i32) -> (i32, i32) {
    %c0_i32 = arith.constant 0 : i32
    %c0_i32_0 = arith.constant 0 : i32
    %c0_i32_1 = arith.constant 0 : i32
    return %c0_i32, %c0_i32_0 : i32, i32
  }
  func.func @transform_5(%arg0: i32) -> (i32, i32) {
    %c0_i32 = arith.constant 0 : i32
    %c0_i32_0 = arith.constant 0 : i32
    %c0_i32_1 = arith.constant 0 : i32
    return %c0_i32, %c0_i32_0 : i32, i32
  }
  func.func @transform_6(%arg0: i32) -> (i32, i32) {
    %c0_i32 = arith.constant 0 : i32
    %c0_i32_0 = arith.constant 0 : i32
    %c0_i32_1 = arith.constant 0 : i32
    return %c0_i32, %c0_i32_0 : i32, i32
  }
  func.func @transform_7(%arg0: i32) -> (i32, i32, i32) {
    %c0_i32 = arith.constant 0 : i32
    %c0_i32_0 = arith.constant 0 : i32
    %c0_i32_1 = arith.constant 0 : i32
    return %arg0, %c0_i32, %c0_i32_0 : i32, i32, i32
  }
  func.func @transform_8(%arg0: i32) -> (i32, i32, i32) {
    %c0_i32 = arith.constant 0 : i32
    %c0_i32_0 = arith.constant 0 : i32
    %c0_i32_1 = arith.constant 0 : i32
    return %arg0, %c0_i32, %c0_i32_0 : i32, i32, i32
  }
  func.func @transform_9(%arg0: i32) -> (i32, i32, i32) {
    %c0_i32 = arith.constant 0 : i32
    %c0_i32_0 = arith.constant 0 : i32
    %c0_i32_1 = arith.constant 0 : i32
    return %arg0, %c0_i32, %c0_i32_0 : i32, i32, i32
  }
}

</mosaic_0001>

<sc_bundles>
// kernel: kernel.4.cloned.1.call-start
scs
__scs_entry_jumppad:
0x0: {  	(pc) =	sbr.rel $0x88, $3  }
0x1: {  	(tag) =	ssettag $0x0;
	lr =	simm.s32 $0x1  }
0x2: {  	[smem:$0x3F98] =	sst lr;
	_ =	strace $0xD0000000  }
0x3: {  	_ = 	snop  }
0x4: {  	_ = 	snop  }
0x5: {  	_ = 	snop  }
0x6: {  	_ = 	snop  }
0x7: {  	_ = 	snop  }
__scs_overlays_trampoline_lowered:
0x8: {  	[smem:$0x3FA7] =	sst s0  }
0x9: {  	[smem:$0x3FA8] =	sst s1  }
0xa: {  	[smem:$0x3FA9] =	sst s2  }
0xb: {  	[smem:$0x3FAA] =	sst s3  }
0xc: {  	[smem:$0x3FAB] =	sst s4  }
0xd: {  	[smem:$0x3FAC] =	sst s5  }
0xe: {  	[smem:$0x3FAD] =	sst s6  }
0xf: {  	[smem:$0x3FAE] =	sst s7  }
0x10: {  	[smem:$0x3FAF] =	sst s8  }
0x11: {  	[smem:$0x3FB0] =	sst s9;
	s0 =	simm.s32 @!p0 $0x0  }
0x12: {  	s1 =	sld [smem:$0x3F96];
	s0 =	simm.s32 @p0 $0x1  }
0x13: {  	[smem:$0x3FB1] =	sst s0;
	s0 =	simm.s32 @!p1 $0x0  }
0x14: {  	s2 =	sld [smem:$0x3F95];
	s0 =	simm.s32 @p1 $0x1  }
0x15: {  	[smem:$0x3FB2] =	sst s0;
	s0 =	simm.s32 @!p2 $0x0  }
0x16: {  	s3 =	sld [smem:$0x3FDB];
	s0 =	simm.s32 @p2 $0x1  }
0x17: {  	s4 =	simm.s32 $0x1BF5;
	[smem:$0x3FB4] =	sst s0  }
0x18: {  	s0 =	sld [smem:$0x3F97];
	_ =	swait.ge [sflag:s4], $0x0  }
0x19: {  	s7 =	sld [smem:$0x3F98]  }
0x1a: {  	s8 =	sadd.s32 $0xFFFFE003, lr  }
0x1b: {  	s9 =	sadd.s32 $0xFFFFFEF7, lr;
	s5 =	simm.s32 $0xFFFFFFFF;
	p2 =	slt.u32 s8, $0xFFFFF086  }
0x1c: {  	p1 =	slt.u32 s9, $0xF7A;
	s5 =	simm.s32 @!p2 $0x0  }
0x1d: {  	s5 =	simm.s32 @p1 $0x1;
	p0 =	seq.s32 s7, s2  }
0x1e: {  	s7 =	smul.u32 @!p0 $0xF7A, s2;
	p2 =	seq.s32 @!p0 s5, $0x0  }
0x1f: {  	s9 =	smul.u32 $0xF7A, s1;
	s8 =	simm.s32 @!p0 $0x1BF5;
	p2 =	por !p2, p0  }
0x20: {  	[sflag:s8] =	ssyncset.s32 @!p0 $0xFFFFF086;
	s6 =	sadd.s32 @!p0 s3, s7;
	s7 =	simm.s32 @!p0 $0x108  }
0x21: {  	s3 =	sadd.s32 s3, s9;
	s6 =	sadd.s32 @!p0 $0x88, s6;
	s7 =	simm.s32 @p2 $0x1082  }
0x22: {  	[simem:s7], [sflag:s8] =	dma.local @!p0 [hbm:s6], $0xF7A  }
0x23: {  	s9 =	sor.u32 $0xD0000000, s2;
	s6 =	simm.s32 $0x108;
	_ =	swait.ge @!p0 [sflag:s8], $0x0  }
0x24: {  	s3 =	sadd.s32 $0x88, s3;
	s6 =	simm.s32 @!p1 $0x1082;
	[sflag:s4] =	ssyncset.s32 $0xFFFFF086  }
0x25: {  	[simem:s6], [sflag:s4] =	dma.local [hbm:s3], $0xF7A  }
0x26: {  	[smem:$0x3F98] =	sst s1;
	(tag) =	ssettag s2;
	_ =	strace s9  }
0x27: {  	s1 =	sld [smem:$0x3FA8]  }
0x28: {  	s2 =	sld [smem:$0x3FA9]  }
0x29: {  	s4 =	sld [smem:$0x3FAB]  }
0x2a: {  	p0 =	seq.s32 s5, $0x0;
	s5 =	sld [smem:$0x3FAC]  }
0x2b: {  	s6 =	sld [smem:$0x3FAD]  }
0x2c: {  	s7 =	sld [smem:$0x3FAE]  }
0x2d: {  	s3 =	simm.s32 $0x108;
	s8 =	sld [smem:$0x3FAF]  }
0x2e: {  	s3 =	simm.s32 @!p0 $0x1082;
	s9 =	sld [smem:$0x3FB0]  }
0x2f: {  	lr =	sadd.s32 s0, s3;
	s0 =	sld [smem:$0x3FA7]  }
0x30: {  	s3 =	sld [smem:$0x3FAA]  }
0x31: {  	[smem:$0x3FB3] =	sst s10  }
0x32: {  	s10 =	sld [smem:$0x3FB1];
	_ =	sdelay $0x3  }
0x33: {  	p0 =	seq.s32 s10, $0x1;
	s10 =	sld [smem:$0x3FB3];
	_ =	sdelay $0x3  }
0x34: {  	[smem:$0x3FB3] =	sst s10  }
0x35: {  	s10 =	sld [smem:$0x3FB2];
	_ =	sdelay $0x3  }
0x36: {  	p1 =	seq.s32 s10, $0x1;
	s10 =	sld [smem:$0x3FB3];
	_ =	sdelay $0x3  }
0x37: {  	[smem:$0x3FB3] =	sst s10  }
0x38: {  	s10 =	sld [smem:$0x3FB4]  }
0x39: {  	_ = 	snop;
	(pc) =	sbr.ind lr, $3  }
0x3a: {  	_ = 	snop  }
0x3b: {  	_ = 	snop  }
0x3c: {  	p2 =	seq.s32 s10, $0x1;
	s10 =	sld [smem:$0x3FB3]  }
0x3d: {  	_ =	shalt  }
0x3e: {  	_ =	shalt  }
0x3f: {  	_ =	shalt  }
0x40: {  	_ =	shalt  }
0x41: {  	_ =	shalt  }
0x42: {  	_ =	shalt  }
0x43: {  	_ =	shalt  }
0x44: {  	_ =	shalt  }
0x45: {  	_ =	shalt  }
0x46: {  	_ =	shalt  }
0x47: {  	_ =	shalt  }
0x48: {  	_ =	shalt  }
0x49: {  	_ =	shalt  }
0x4a: {  	_ =	shalt  }
0x4b: {  	_ =	shalt  }
0x4c: {  	_ =	shalt  }
0x4d: {  	_ =	shalt  }
0x4e: {  	_ =	shalt  }
0x4f: {  	_ =	shalt  }
0x50: {  	_ =	shalt  }
0x51: {  	_ =	shalt  }
0x52: {  	_ =	shalt  }
0x53: {  	_ =	shalt  }
0x54: {  	_ =	shalt  }
0x55: {  	_ =	shalt  }
0x56: {  	_ =	shalt  }
0x57: {  	_ =	shalt  }
0x58: {  	_ =	shalt  }
0x59: {  	_ =	shalt  }
0x5a: {  	_ =	shalt  }
0x5b: {  	_ =	shalt  }
0x5c: {  	_ =	shalt  }
0x5d: {  	_ =	shalt  }
0x5e: {  	_ =	shalt  }
0x5f: {  	_ =	shalt  }
0x60: {  	_ =	shalt  }
0x61: {  	_ =	shalt  }
0x62: {  	_ =	shalt  }
0x63: {  	_ =	shalt  }
0x64: {  	_ =	shalt  }
0x65: {  	_ =	shalt  }
0x66: {  	_ =	shalt  }
0x67: {  	_ =	shalt  }
0x68: {  	_ =	shalt  }
0x69: {  	_ =	shalt  }
0x6a: {  	_ =	shalt  }
0x6b: {  	_ =	shalt  }
0x6c: {  	_ =	shalt  }
0x6d: {  	_ =	shalt  }
0x6e: {  	_ =	shalt  }
0x6f: {  	_ =	shalt  }
0x70: {  	_ =	shalt  }
0x71: {  	_ =	shalt  }
0x72: {  	_ =	shalt  }
0x73: {  	_ =	shalt  }
0x74: {  	_ =	shalt  }
0x75: {  	_ =	shalt  }
0x76: {  	_ =	shalt  }
0x77: {  	_ =	shalt  }
0x78: {  	_ =	shalt  }
0x79: {  	_ =	shalt  }
0x7a: {  	_ =	shalt  }
0x7b: {  	_ =	shalt  }
0x7c: {  	_ =	shalt  }
0x7d: {  	_ =	shalt  }
0x7e: {  	_ =	shalt  }
0x7f: {  	_ =	shalt  }
0x80: {  	_ =	shalt  }
0x81: {  	_ =	shalt  }
0x82: {  	_ =	shalt  }
0x83: {  	_ =	shalt  }
0x84: {  	_ =	shalt  }
0x85: {  	_ =	shalt  }
0x86: {  	_ =	shalt  }
0x87: {  	_ =	shalt  }
.Lfunc_end0:
.L_simem_size_0:
called_computation_lowered:
.L_overlay_start_0:
0x88: {  	s2 =	sld [smem:$0x3FD9]  }
0x89: {  	s3 =	sld [smem:$0x3FFE];
	_ =	sdelay $0x1  }
0x8a: {  	s1 =	srdreg.scid  }
0x8b: {  	s0 =	sand.u32 $0x1, s1  }
0x8c: {  	s17 =	sshll.u32 s0, $0xA;
	s2 =	sadd.s32 s3, s2  }
0x8d: {  	s2 =	sadd.s32 s2, s17  }
0x8e: {  	[smem:$0x3FBF] =	sst s2  }
0x8f: {  	_ = 	snop  }
0x90: {  	s2 =	sld [smem:$0x3FC9]  }
0x91: {  	s18 =	sld [smem:$0x3FD0];
	(tm) =	ssettm $0x1  }
0x92: {  	s4 =	sld [smem:$0x3FFB];
	_ =	sdelay $0x3  }
0x93: {  	_ =	strace s4  }
0x94: {  	s4 =	sld [smem:$0x3FFC];
	_ =	sdelay $0x3  }
0x95: {  	_ =	strace s4  }
0x96: {  	s4 =	sld [smem:$0x3FFD];
	_ =	sdelay $0x3  }
0x97: {  	_ =	strace s4  }
0x98: {  	_ =	strace $0x8FFFFFFF  }
0x99: {  	s19 =	sld [smem:$0x3FDB];
	_ =	sdelay $0x1  }
0x9a: {  	s5 =	simm.s32 $_scs_section_size  }
0x9b: {  	s6 =	simm.s32 $_size__tile_overlayer_lowered;
	s7 =	simm.s32 $_tile_overlayer_lowered  }
0x9c: {  	s22 =	simm.s32 $0x1BFF;
	s21 =	sshll.u32 s7, $0x1;
	s4 =	sadd.s32 s5, s19  }
0x9d: {  	s8 =	simm.s32 $0x0;
	s20 =	sshll.u32 s6, $0x1;
	s6 =	sadd.s32 s21, s4  }
0x9e: {  	[timem:s8], [sflag:s22] =	dma.local [hbm:s6], s20  }
0x9f: {  	_ =	swait.ge [sflag:s22], s20  }
0xa0: {  	s5 =	ssub.s32 $0x0, s20;
	[sflag:s22] =	ssyncset.done $0x0  }
0xa1: {  	[sflag:s22] =	ssyncadd.s32 s5;
	_ =	sdelay $0x1  }
0xa2: {  	s23 =	simm.s32 $0x1B8B  }
0xa3: {  	_ =	swait.ge [sflag:s23], $0x1  }
0xa4: {  	[sflag:s23] =	ssyncset.done $0x0  }
0xa5: {  	s25 =	simm.s32 $0x1B8E;
	s24 =	sld [smem:$0x3FFE];
	[sflag:s23] =	ssyncadd.s32 $0xFFFFFFFF  }
0xa6: {  	s26 =	simm.s32 $execute0_lowered;
	[smem:$0x3FD2] =	sst s25  }
0xa7: {  	s6 =	sshll.u32 s26, $0x1;
	_ =	strace $0x80000046;
	[dreg:$0x1] =	wrdreg $0xFFFFFFFF  }
0xa8: {  	s28 =	simm.s32 $_size_execute0_lowered;
	s4 =	sadd.s32 s4, s6;
	[dreg:$0x0] =	wrdreg $0x0  }
0xa9: {  	s6 =	sshll.u32 s28, $0x1;
	[dreg:$0x2] =	wrdreg s4  }
0xaa: {  	[dreg:$0x3] =	wrdreg s6  }
0xab: {  	[dreg:$0x4] =	wrdreg $0xC0  }
0xac: {  	_ =	task [dreg:s8], $0x5FFFF  }
0xad: {  	[dreg:$0x1] =	wrdreg $0xFFFFFFFF  }
0xae: {  	[dreg:$0x0] =	wrdreg $0x60  }
0xaf: {  	[dreg:$0x2] =	wrdreg s2  }
0xb0: {  	[dreg:$0x3] =	wrdreg s24  }
0xb1: {  	[dreg:$0x4] =	wrdreg s18  }
0xb2: {  	[dreg:$0x5] =	wrdreg $0x9  }
0xb3: {  	_ =	task.clear_ibuf [dreg:s8], $0x6FFFF;
	_ =	strace $0x90000046  }
0xb4: {  	s29 =	simm.s32 $0x9;
	_ =	strace $0x80000048  }
0xb5: {  	_ =	swait.ge [sflag:s29], $0x1  }
0xb6: {  	[sflag:s29] =	ssyncadd.s32 $0xFFFFFFFF  }
0xb7: {  	_ =	strace $0x90000048  }
0xb8: {  	_ =	sfence  }
0xb9: {  	s30 =	sld [smem:$0x0];
	_ =	sdelay $0x2  }
0xba: {  	s31 =	sshll.u32 s1, $0xD;
	s1 =	sshrl.u32 s1, $0x2  }
0xbb: {  	s3 =	sand.u32 $0x4000, s31;
	s1 =	sadd.s32 s1, s30  }
0xbc: {  	s0 =	sor.u32 s3, s0;
	s1 =	sshll.u32 s1, $0x11  }
0xbd: {  	s0 =	sor.u32 s1, s0  }
0xbe: {  	s0 =	sadd.s32 $0x8F2B, s0  }
0xbf: {  	[sflag:s0] =	ssyncadd.remote.s32 $0x1  }
0xc0: {  	_ =	sfence.sel $0xFFFF  }
0xc1: {  	[dreg:$0x0] =	wrdreg $0xFFFFFFFF;
	(pc) =	sbr.abs _section_cstart, $3  }
0xc2: {  	[dreg:$0x1] =	wrdreg $0xFFFFFFFF  }
0xc3: {  	_ =	task.clear_ibuf [dreg:s8], $0x2FFFF;
	_ =	strace $0x9FFFFFFF  }
0xc4: {  	(tm) =	ssettm $0x7FFFFFFF  }
0xc5: {  	_ =	shalt  }
tec
execute0_lowered:
.L_overlay_start_1:
0x0: {  	(tag) =	ssettag $0x1  }
0x1: {  	s11 =	rddreg [dreg:$0x0]  }
0x2: {  	s0 =	rddreg [dreg:$0x1]  }
0x3: {  	s1 =	srdreg.scid;
	s6 =	stileid.u32;
	s4 =	simm.s32 $0x0  }
0x4: {  	s14 =	simm.s32 $0x8000;
	s15 =	simm.s32 $0x400;
	s16 =	simm.s32 $0x200  }
0x5: {  	s17 =	simm.s32 $0x4000;
	s18 =	simm.s32 $0x18800;
	s19 =	simm.s32 $0x4  }
0x6: {  	s20 =	simm.s32 $0x18A00;
	s21 =	simm.s32 $0x18C00;
	s22 =	simm.s32 $0x1  }
0x7: {  	s24 =	simm.s32 $0x12800;
	s1 =	sand.u32 $0x1, s1;
	s2 =	sshll.u32 s6, $0x4  }
0x8: {  	[smem:$0x7FF] =	sst s4;
	s29 =	sshrl.u32 s6, $0x1;
	s3 =	sshll.u32 s1, $0x3  }
0x9: {  	s7 =	sadd.s32 $0xE00, s0;
	s8 =	sadd.s32 $0x4E00, s0;
	s5 =	sor.u32 s3, s2  }
0xa: {  	s6 =	smul.u32 $0x180000, s29;
	s1 =	ssub.s32 $0x2, s1;
	s3 =	sshll.u32 s5, $0xA  }
.Ltmp0:
0xb: {  	s10 =	sshrl.u32 s1, $0x1;
	s3 =	sand.u32 $0x6000, s3;
	(pc) =	sbr.rel .LBB2_1-.Ltmp0, $4  }
0xc: {  	s9 =	sadd.s32 $0x8E00, s0;
	s30 =	ssub.s32 s1, s10;
	s3 =	sor.u32 s6, s3  }
0xd: {  	_ =	strace $0x80000047;
	s0 =	smax.u32 s30, $0x1;
	s31 =	sshrl.u32 s3, $0x3  }
0xe: {  	s12 =	sshll.u32 s29, $0xB;
	[dreg:$0x5] =	wrdreg s0;
	s1 =	sadd.s32 s11, s31  }
0xf: {  	v0 =	vimm.f32 $0.0e+00;
	s2 =	simm.s32 $0x0;
	s11 =	sand.u32 $0x18, s5;
	[dreg:$0x4] =	wrdreg s1  }
.LBB2_29:
0x10: {  	s0 =	simm.s32 $0x2  }
0x11: {  	_ =	swait.ge [sflag:s0], $0x6000  }
0x12: {  	[sflag:s0] =	ssyncset.done $0x0  }
0x13: {  	s1 =	simm.s32 $0x3;
	[sflag:s0] =	ssyncadd.s32 $0xFFFFA000  }
0x14: {  	_ =	swait.ge [sflag:s1], $0x6000  }
0x15: {  	s2 =	rddreg [dreg:$0x6]  }
0x16: {  	s31 =	rddreg [dreg:$0x5];
	s2 =	sadd.s32 $0x1, s2  }
0x17: {  	p0 =	sne.s32 s2, s31  }
.Ltmp1:
0x18: {  	_ = 	snop;
	(pc) =	sbr.rel @!p0 .LBB2_30-.Ltmp1, $3  }
0x19: {  	_ =	sdelay $0x1  }
0x1a: {  	[sflag:s1] =	ssyncset.done $0x0  }
0x1b: {  	[sflag:s1] =	ssyncadd.s32 $0xFFFFA000  }
.LBB2_1:
.Ltmp2:
0x1c: {  	(pc) =	sbr.rel .LBB2_2-.Ltmp2, $4  }
0x1d: {  	_ = 	snop  }
0x1e: {  	[dreg:$0x6] =	wrdreg s2  }
0x1f: {  	s0 =	rddreg [dreg:$0x4];
	s29 =	simm.s32 $0x0  }
0x20: {  	[tilespmem:s15], [sflag:$0x1] =	stream.strided.gather [hbm4b:s0+s15], $0xC000, s14, s15, $0x38;
	[tilespmem:$0x18E00] =	vst v63  }
.LBB2_28:
0x21: {  	s0 =	sadd.s32 $0x18000, s30;
	p0 =	seq.s32 s29, $0x7  }
0x22: {  	[hbm4b:s0+s15] =	stream.strided.scatter [tilespmem:s24], [sflag:$0x3], $0x6000, s14, s15, $0x38;
	[tilespmem:$0x18E00] =	vst v63  }
0x23: {  	s29 =	sadd.s32 @!p0 $0x1, s29  }
0x24: {  	s0 =	sadd.s32 @!p0 s5, s29  }
0x25: {  	s1 =	sshrl.u32 @!p0 s0, $0x5  }
0x26: {  	s0 =	sshll.u32 @!p0 s0, $0xA;
	s1 =	smul.u32 @!p0 $0x180000, s1  }
0x27: {  	s0 =	sand.u32 @!p0 $0x7C00, s0  }
0x28: {  	s0 =	sor.u32 @!p0 s0, s1  }
0x29: {  	s2 =	simm.s32 @!p0 $0x400;
	s1 =	rddreg [dreg:$0x0];
	s0 =	sshrl.u32 @!p0 s0, $0x3  }
0x2a: {  	p1 =	sne.s32 @!p0 s29, $0x8;
	s0 =	sadd.s32 @!p0 s1, s0;
	s1 =	simm.s32 @!p0 $0x8000  }
0x2b: {  	[tilespmem:s2], [sflag:$0x1] =	stream.strided.gather @!p0 [hbm4b:s0+s2], $0xC000, s1, s2, $0x38;
	[tilespmem:$0x18E00] =	vst v63  }
0x2c: {  	p0 =	por p0, !p1  }
.Ltmp3:
0x2d: {  	_ = 	snop;
	(pc) =	sbr.rel @p0 .LBB2_29-.Ltmp3, $1  }
0x2e: {  	_ =	sdelay $0x3  }
.LBB2_2:
0x2f: {  	s30 =	sor.u32 s11, s29  }
0x30: {  	s0 =	sshll.u32 s30, $0x6  }
0x31: {  	s0 =	sadd.s32 s12, s0  }
0x32: {  	s1 =	sadd.s32 s7, s0  }
0x33: {  	[tilespmem:s18], [sflag:$0x4] =	stream.strided.gather [hbm4b:s1+s16], $0x0, s17, s16, $0x38;
	[tilespmem:$0x18E00] =	vst v63  }
0x34: {  	_ = 	snop  }
0x35: {  	[tilespmem:s18], [sflag:$0x4] =	stream.linear.gather [hbm4b:s1+s4], $0x180, $0x38;
	[tilespmem:$0x18E00] =	vst v63  }
0x36: {  	_ =	swait.ge [sflag:s19], $0x180  }
0x37: {  	[sflag:s19] =	ssyncset.done $0x0  }
0x38: {  	s28 =	sadd.s32 s8, s0;
	[sflag:s19] =	ssyncadd.s32 $0xFFFFFE80  }
0x39: {  	[tilespmem:s20], [sflag:$0x4] =	stream.strided.gather [hbm4b:s28+s16], $0x0, s17, s16, $0x38;
	[tilespmem:$0x18E00] =	vst v63  }
0x3a: {  	_ = 	snop  }
0x3b: {  	[tilespmem:s20], [sflag:$0x4] =	stream.linear.gather [hbm4b:s28+s4], $0x180, $0x38;
	[tilespmem:$0x18E00] =	vst v63  }
0x3c: {  	_ =	swait.ge [sflag:s19], $0x180  }
0x3d: {  	[sflag:s19] =	ssyncset.done $0x0  }
0x3e: {  	s0 =	sadd.s32 s9, s0;
	[sflag:s19] =	ssyncadd.s32 $0xFFFFFE80  }
0x3f: {  	[tilespmem:s21], [sflag:$0x4] =	stream.strided.gather [hbm4b:s0+s16], $0x0, s17, s16, $0x38;
	[tilespmem:$0x18E00] =	vst v63  }
0x40: {  	_ = 	snop  }
0x41: {  	[tilespmem:s21], [sflag:$0x4] =	stream.linear.gather [hbm4b:s0+s4], $0x180, $0x38;
	[tilespmem:$0x18E00] =	vst v63  }
0x42: {  	_ =	swait.ge [sflag:s19], $0x180  }
0x43: {  	[sflag:s19] =	ssyncset.done $0x0  }
0x44: {  	[sflag:s19] =	ssyncadd.s32 $0xFFFFFE80  }
0x45: {  	_ =	swait.ge [sflag:s22], $0xC000  }
0x46: {  	[sflag:s22] =	ssyncset.done $0x0  }
0x47: {  	[sflag:s22] =	ssyncadd.s32 $0xFFFF4000  }
0x48: {  	v1 =	vld [tilespmem:$0x400];
	_ =	sdelay $0x2  }
0x49: {  	v2 =	vld [tilespmem:$0xC380];
	_ =	sdelay $0x1  }
0x4a: {  	[tilespmem:$0x380] =	vst v1  }
0x4b: {  	v3 =	vld [tilespmem:$0x410];
	[tilespmem:$0x300] =	vst v1  }
0x4c: {  	[tilespmem:$0x280] =	vst v1  }
0x4d: {  	[tilespmem:$0xC400] =	vst v2  }
0x4e: {  	v1 =	vld [tilespmem:$0xC390];
	[tilespmem:$0xC480] =	vst v2  }
0x4f: {  	[tilespmem:$0xC500] =	vst v2  }
0x50: {  	[tilespmem:$0x390] =	vst v3  }
0x51: {  	v2 =	vld [tilespmem:$0x420];
	[tilespmem:$0x310] =	vst v3  }
0x52: {  	[tilespmem:$0x290] =	vst v3  }
0x53: {  	[tilespmem:$0xC410] =	vst v1  }
0x54: {  	v3 =	vld [tilespmem:$0xC3A0];
	[tilespmem:$0xC490] =	vst v1  }
0x55: {  	[tilespmem:$0xC510] =	vst v1  }
0x56: {  	[tilespmem:$0x3A0] =	vst v2  }
0x57: {  	[tilespmem:$0x320] =	vst v2;
	v1 =	vld [tilespmem:$0x430]  }
0x58: {  	[tilespmem:$0x2A0] =	vst v2;
	v2 =	vld [tilespmem:$0xC3B0]  }
0x59: {  	[tilespmem:$0xC420] =	vst v3  }
0x5a: {  	[tilespmem:$0xC4A0] =	vst v3  }
0x5b: {  	[tilespmem:$0xC520] =	vst v3  }
0x5c: {  	[tilespmem:$0x3B0] =	vst v1  }
0x5d: {  	v3 =	vld [tilespmem:$0x440];
	[tilespmem:$0xC430] =	vst v2  }
0x5e: {  	[tilespmem:$0x330] =	vst v1  }
0x5f: {  	[tilespmem:$0xC4B0] =	vst v2  }
0x60: {  	[tilespmem:$0x2B0] =	vst v1;
	v1 =	vld [tilespmem:$0xC3C0]  }
0x61: {  	[tilespmem:$0xC530] =	vst v2  }
0x62: {  	[tilespmem:$0x3C0] =	vst v3  }
0x63: {  	[tilespmem:$0x340] =	vst v3;
	v2 =	vld [tilespmem:$0x450]  }
0x64: {  	[tilespmem:$0x2C0] =	vst v3;
	v3 =	vld [tilespmem:$0xC3D0]  }
0x65: {  	[tilespmem:$0xC440] =	vst v1  }
0x66: {  	[tilespmem:$0xC4C0] =	vst v1  }
0x67: {  	[tilespmem:$0xC540] =	vst v1  }
0x68: {  	[tilespmem:$0x3D0] =	vst v2  }
0x69: {  	[tilespmem:$0xC450] =	vst v3;
	v1 =	vld [tilespmem:$0x460]  }
0x6a: {  	[tilespmem:$0x350] =	vst v2  }
0x6b: {  	[tilespmem:$0xC4D0] =	vst v3  }
0x6c: {  	[tilespmem:$0x2D0] =	vst v2;
	v2 =	vld [tilespmem:$0xC3E0]  }
0x6d: {  	[tilespmem:$0xC550] =	vst v3  }
0x6e: {  	[tilespmem:$0x3E0] =	vst v1  }
0x6f: {  	v3 =	vld [tilespmem:$0x470];
	[tilespmem:$0x360] =	vst v1  }
0x70: {  	[tilespmem:$0x2E0] =	vst v1  }
0x71: {  	[tilespmem:$0xC460] =	vst v2  }
0x72: {  	v1 =	vld [tilespmem:$0xC3F0];
	[tilespmem:$0xC4E0] =	vst v2  }
0x73: {  	[tilespmem:$0xC560] =	vst v2  }
0x74: {  	[tilespmem:$0x3F0] =	vst v3  }
0x75: {  	[tilespmem:$0x370] =	vst v3  }
0x76: {  	[tilespmem:$0x2F0] =	vst v3  }
0x77: {  	[tilespmem:$0xC470] =	vst v1  }
.Ltmp4:
0x78: {  	p0 =	seq.s32 s29, $0x0;
	[tilespmem:$0xC4F0] =	vst v1;
	(pc) =	sbr.rel .LBB2_3-.Ltmp4, $4  }
0x79: {  	s0 =	simm.s32 @!p0 $0x2;
	[tilespmem:$0xC570] =	vst v1  }
0x7a: {  	_ =	swait.ge @!p0 [sflag:s0], $0x6000  }
0x7b: {  	s31 =	simm.s32 $0x0;
	s23 =	simm.s32 $0xCA00;
	[sflag:s0] =	ssyncset.done @!p0 $0x0  }
0x7c: {  	s2 =	simm.s32 $0xC900;
	s10 =	simm.s32 $0x0;
	[sflag:s0] =	ssyncadd.s32 @!p0 $0xFFFFA000  }
.LBB2_14:
0x7d: {  	s10 =	sadd.s32 $0x1, s10  }
0x7e: {  	p1 =	sne.s32 s10, $0x8  }
.Ltmp5:
0x7f: {  	_ = 	snop;
	(pc) =	sbr.rel @!p1 .LBB2_15-.Ltmp5, $2  }
0x80: {  	_ =	sdelay $0x2  }
0x81: {  	s31 =	sadd.s32 $0x40, s31;
	s23 =	sadd.s32 $0x10, s23;
	s2 =	sadd.s32 $0x10, s2  }
.LBB2_3:
0x82: {  	s28 =	sshll.u32 s10, $0x4  }
0x83: {  	v5 =	vld [tilespmem:s28+$0x18C00]  }
0x84: {  	v2 =	vld [tilespmem:s28+$0x18C80];
	_ =	sdelay $0x1  }
0x85: {  	v1 =	vld [tilespmem:s28+$0x18D00];
	_ =	sdelay $0x2  }
0x86: {  	vm0 =	vgt.s32 v5, v2  }
0x87: {  	v3 =	vsel vm0, v2, v5  }
0x88: {  	v4 =	vsel vm0, v5, v2;
	vm1 =	vlt.s32 v3, v1  }
0x89: {  	vm0 =	vgt.s32 v4, v1;
	v3 =	vsel vm1, v3, v1  }
0x8a: {  	v4 =	vsel vm0, v4, v1;
	v3 =	vxor.u32 $0x80000000, v3  }
0x8b: {  	(xrf0) =	vmin.scan.msk.u32 $0xffff, v3;
	v3 =	vxor.u32 $0x80000000, v4  }
0x8c: {  	(xrf0) =	vmax.scan.msk.u32 $0xffff, v3;
	_ =	sdelay $0x4  }
0x8d: {  	v3, _, _ =	vpop (xrf0)  }
0x8e: {  	(v2sf) =	vpush v3, $0xF;
	v3, _, _ =	vpop (xrf0)  }
0x8f: {  	(v2sf) =	vpush v3, $0xF;
	_ =	sdelay $0xd  }
0x90: {  	s13 =	spop (v2sf)  }
0x91: {  	s25 =	sxor.u32 $0x80000000, s13;
	s1 =	spop (v2sf)  }
0x92: {  	s3 =	sadd.s32 $0x80000001, s1;
	p1 =	slt.s32 s25, $0xFFFFFFFD  }
0x93: {  	p2 =	sgt.s32 @!p1 s3, $0x3  }
0x94: {  	s3 =	ssub.s32 s3, s25;
	p2 =	por p1, p2  }
0x95: {  	p3 =	sgt.s32 @!p2 s3, $0x3  }
0x96: {  	v9 =	vld [tilespmem:s28+$0x18800];
	p3 =	por p2, p3  }
.Ltmp6:
0x97: {  	v6 =	vld [tilespmem:s28+$0x18880];
	(pc) =	sbr.rel @p3 .LBB2_4-.Ltmp6, $4  }
0x98: {  	v8 =	vld [tilespmem:s28+$0x18A00]  }
0x99: {  	v7 =	vld [tilespmem:s28+$0x18A80]  }
0x9a: {  	v4 =	vld [tilespmem:s28+$0x18900]  }
0x9b: {  	v3 =	vld [tilespmem:s28+$0x18B00]  }
0x9c: {  	v9 =	vadd.f32 $0.0e+00, v9;
	v10 =	vadd.s32 $0x1, v5;
	vm0 =	veq.s32 v5, s25  }
0x9d: {  	vm6 =	veq.s32 v2, s25;
	s0 =	sadd.s32 $0x80000001, s13;
	vm11 =	veq.s32 v1, s25;
	vm1 =	veq.s32 v10, s25  }
0x9e: {  	s26 =	sadd.s32 $0x80000002, s13;
	vm7 =	veq.s32 v5, s0;
	vm8 =	veq.s32 v10, s0;
	vm10 =	veq.s32 v2, s0  }
0x9f: {  	vm14 =	veq.s32 v1, s0;
	vm4 =	veq.s32 v5, s26;
	vm5 =	veq.s32 v10, s26  }
0xa0: {  	v11 =	vnsel vm0, $0x0, v9;
	v12 =	vnsel vm1, $0x0, v8;
	v13 =	vnsel vm7, $0x0, v9  }
0xa1: {  	s1 =	sadd.s32 $0x80000003, s13;
	v14 =	vnsel vm8, $0x0, v8;
	v17 =	vnsel vm4, $0x0, v9;
	v18 =	vnsel vm5, $0x0, v8  }
0xa2: {  	vm7 =	veq.s32 v10, s1;
	vm8 =	veq.s32 v2, s1;
	v11 =	vadd.f32 v12, v11  }
0xa3: {  	v12 =	vnsel vm6, $0x0, v6;
	v13 =	vadd.f32 v14, v13;
	v14 =	vnsel vm10, $0x0, v6  }
0xa4: {  	v16 =	vnsel vm14, $0x0, v4;
	v11 =	vadd.f32 v11, v12;
	v12 =	vadd.s32 $0x1, v2  }
0xa5: {  	s3 =	sshll.u32 s13, $0x9;
	vm6 =	veq.s32 v5, s1;
	v8 =	vnsel vm7, $0x0, v8;
	vm9 =	veq.s32 v12, s25  }
0xa6: {  	s13 =	sadd.s32 $0x1000, s3;
	s3 =	sshra.s32 s3, $0x2;
	v19 =	vnsel vm6, $0x0, v9;
	v13 =	vadd.f32 v13, v14;
	v15 =	vnsel vm9, $0x0, v7  }
0xa7: {  	v10 =	vadd.f32 v8, v19;
	v8 =	vmov s3;
	v11 =	vadd.f32 v11, v15  }
0xa8: {  	v14 =	vadd.s32 $0x1, v1;
	vm12 =	veq.s32 v12, s0;
	v15 =	vnsel vm11, $0x0, v4  }
0xa9: {  	s13 =	sshra.s32 s13, $0x2;
	vm13 =	veq.s32 v14, s25;
	v11 =	vadd.f32 v11, v15;
	v15 =	vnsel vm12, $0x0, v7  }
0xaa: {  	s13 =	sadd.s32 s28, s13;
	vm15 =	veq.s32 v14, s0;
	v13 =	vadd.f32 v13, v15;
	v15 =	vnsel vm13, $0x0, v3  }
0xab: {  	vm14 =	veq.s32 v14, s1;
	vm9 =	veq.s32 v2, s26;
	v9 =	vadd.f32 v11, v15;
	v15 =	vld [tilespmem:s13+$0x0];
	s13 =	sshra.s32 s31, $0x2  }
0xac: {  	v13 =	vadd.f32 v13, v16;
	v16 =	vnsel vm15, $0x0, v3;
	vm15 =	veq.s32 v14, s26;
	v14 =	vld.idx.msk [tilespmem:v8+s13+$0x680 ss:$0x1], $0xffff  }
0xad: {  	vm10 =	veq.s32 v12, s1;
	v2 =	vnsel vm9, $0x0, v6;
	v11 =	vadd.f32 v18, v17;
	v24 =	vld.idx.msk [tilespmem:v8+s13+$0x700 ss:$0x1], $0xffff  }
0xae: {  	vm11 =	veq.s32 v12, s26;
	v27 =	vld.idx.msk [tilespmem:v8+s13+$0x600 ss:$0x1], $0xffff;
	v5 =	vadd.f32 v13, v16;
	v13 =	vnsel vm8, $0x0, v6  }
0xaf: {  	vm12 =	veq.s32 v1, s1;
	v2 =	vadd.f32 v11, v2;
	v6 =	vadd.f32 v10, v13  }
0xb0: {  	s3 =	sadd.s32 s28, s3;
	vm13 =	veq.s32 v1, s26;
	v26 =	vld.idx.msk [tilespmem:v8+s13+$0x780 ss:$0x1], $0xffff;
	v10 =	vnsel vm10, $0x0, v7;
	v7 =	vnsel vm11, $0x0, v7  }
0xb1: {  	v1 =	vnsel vm13, $0x0, v4;
	v11 =	vld [tilespmem:s3+$0x500];
	v2 =	vadd.f32 v2, v7;
	v10 =	vadd.f32 v6, v10  }
0xb2: {  	v13 =	vld [tilespmem:s3+$0x480];
	v7 =	vnsel vm12, $0x0, v4;
	v21 =	vmul.f32 v15, v9;
	v17 =	vmul.f32 v14, v9  }
0xb3: {  	v22 =	vmul.f32 v24, v5;
	v31 =	vmul.f32 v27, v9;
	v4 =	vadd.f32 v10, v7;
	v7 =	vld.idx.msk [tilespmem:v8+s13+$0x800 ss:$0x1], $0xffff  }
0xb4: {  	v1 =	vadd.f32 v2, v1;
	v2 =	vnsel vm14, $0x0, v3;
	v10 =	vnsel vm15, $0x0, v3;
	v3 =	vld.idx.msk [tilespmem:v8+s13+$0x880 ss:$0x1], $0xffff  }
0xb5: {  	v32 =	vmul.f32 v14, v5;
	v25 =	vmul.f32 v26, v5  }
0xb6: {  	v16 =	vmul.f32 v11, v5;
	v12 =	vmul.f32 v11, v9;
	v1 =	vadd.f32 v1, v10  }
0xb7: {  	v6 =	vld.idx.msk [tilespmem:v8+s13+$0x900 ss:$0x1], $0xffff;
	v18 =	vmul.f32 v13, v5;
	v13 =	vmul.f32 v13, v9;
	v2 =	vadd.f32 v4, v2  }
0xb8: {  	v10 =	vmul.f32 v11, v1;
	v20 =	vmul.f32 v14, v1  }
0xb9: {  	v23 =	vadd.f32 v22, v17;
	v11 =	vmul.f32 v7, v1;
	v19 =	vmul.f32 v3, v2  }
0xba: {  	v30 =	vmul.f32 v27, v1;
	v15 =	vmul.f32 v24, v1;
	v17 =	vadd.f32 v16, v13  }
0xbb: {  	v16 =	vadd.f32 v32, v31;
	v31 =	vmul.f32 v26, v1;
	v19 =	vadd.f32 v19, v11;
	v11 =	vld.idx.msk [tilespmem:v8+s13+$0x580 ss:$0x1], $0xffff  }
0xbc: {  	v13 =	vadd.f32 v18, v21;
	v18 =	vmul.f32 v26, v9;
	v4 =	vmul.f32 v6, v2  }
0xbd: {  	v22 =	vmul.f32 v27, v2;
	v14 =	vmul.f32 v14, v2  }
0xbe: {  	v21 =	vmul.f32 v26, v2;
	v29 =	vmul.f32 v7, v2  }
0xbf: {  	v28 =	vmul.f32 v24, v2;
	v27 =	vmul.f32 v27, v5;
	v14 =	vadd.f32 v14, v30  }
0xc0: {  	s25 =	simm.s32 $0x0;
	s26 =	sadd.s32 $0x1000, s31;
	v30 =	vmul.f32 v24, v9;
	v24 =	vmovc v7;
	v29 =	vadd.f32 v29, v31;
	v26 =	vmul.f32 v11, v9  }
.LBB2_12:
0xc1: {  	v31 =	vmul.f32 v11, v1  }
0xc2: {  	s1 =	sshra.s32 s26, $0x2;
	s25 =	sadd.s32 $0x8, s25;
	v20 =	vadd.f32 v28, v20;
	v25 =	vadd.f32 v25, v30;
	v28 =	vmovc v6;
	v30 =	vmovc v7;
	v32 =	vmov v3  }
0xc3: {  	v33 =	vmul.f32 v28, v5;
	v34 =	vmul.f32 v28, v9;
	v6 =	vld.idx.msk [tilespmem:v8+s1+$0x900 ss:$0x1], $0xffff;
	p1 =	slt.u32 s25, $0xB8;
	v23 =	vadd.f32 v29, v23  }
0xc4: {  	v35 =	vmul.f32 v11, v5;
	v29 =	vmul.f32 v3, v5;
	v7 =	vld.idx.msk [tilespmem:v8+s1+$0x800 ss:$0x1], $0xffff;
	v19 =	vadd.f32 v19, v25  }
0xc5: {  	v11 =	vmul.f32 v11, v2;
	v26 =	vadd.f32 v27, v26;
	v22 =	vadd.f32 v22, v31;
	v25 =	vld.idx.msk [tilespmem:v8+s1+$0x680 ss:$0x1], $0xffff  }
0xc6: {  	v15 =	vadd.f32 v21, v15;
	[tilespmem:s13+$0xCB00] =	vst v19;
	v19 =	vmul.f32 v3, v1;
	v3 =	vld.idx.msk [tilespmem:v8+s1+$0x880 ss:$0x1], $0xffff  }
0xc7: {  	v21 =	vmul.f32 v30, v9;
	v20 =	vadd.f32 v20, v26;
	v17 =	vadd.f32 v22, v17;
	v27 =	vld.idx.msk [tilespmem:v8+s1+$0x700 ss:$0x1], $0xffff  }
0xc8: {  	v24 =	vmul.f32 v24, v5;
	v22 =	vadd.f32 v11, v10;
	v31 =	vld.idx.msk [tilespmem:v8+s1+$0x600 ss:$0x1], $0xffff;
	v19 =	vadd.f32 v4, v19  }
0xc9: {  	v12 =	vadd.f32 v35, v12;
	v16 =	vadd.f32 v15, v16;
	v4 =	vmul.f32 v6, v2;
	v11 =	vld.idx.msk [tilespmem:v8+s1+$0x580 ss:$0x1], $0xffff  }
0xca: {  	v15 =	vadd.f32 v24, v18;
	v10 =	vmul.f32 v28, v1;
	v35 =	vmul.f32 v7, v2;
	[tilespmem:s13+$0xC980] =	vst v20  }
0xcb: {  	v18 =	vmul.f32 v32, v9;
	v13 =	vadd.f32 v22, v13;
	v26 =	vmul.f32 v25, v9;
	v24 =	vld.idx.msk [tilespmem:v8+s1+$0x780 ss:$0x1], $0xffff  }
0xcc: {  	v22 =	vmul.f32 v7, v1;
	v30 =	vadd.f32 v19, v15;
	v28 =	vmul.f32 v3, v2;
	[tilespmem:s13+$0xC880] =	vst v17  }
0xcd: {  	v12 =	vadd.f32 v14, v12;
	v20 =	vmul.f32 v25, v1;
	v17 =	vmul.f32 v27, v5;
	[tilespmem:s13+$0xCA80] =	vst v23  }
0xce: {  	v15 =	vmul.f32 v27, v1;
	v14 =	vmul.f32 v31, v1;
	v19 =	vadd.f32 v28, v22;
	[tilespmem:s13+$0xC800] =	vst v13  }
0xcf: {  	v36 =	vmul.f32 v25, v5;
	v32 =	vmul.f32 v31, v9;
	v23 =	vadd.f32 v17, v26;
	[tilespmem:s13+$0xCA00] =	vst v16  }
.Ltmp7:
0xd0: {  	v22 =	vmul.f32 v31, v2;
	v17 =	vadd.f32 v33, v18;
	v18 =	vmul.f32 v25, v2;
	[tilespmem:s13+$0xC900] =	vst v12;
	(pc) =	sbr.rel @p1 .LBB2_12-.Ltmp7, $4  }
0xd1: {  	v13 =	vadd.f32 v29, v21;
	v21 =	vmul.f32 v24, v2;
	v25 =	vmul.f32 v24, v5;
	[tilespmem:s13+$0xCB80] =	vst v30;
	s13 =	smov.u32 s1  }
0xd2: {  	v28 =	vmul.f32 v27, v2;
	v16 =	vadd.f32 v36, v32;
	v29 =	vmul.f32 v24, v1;
	v12 =	vmovc v34  }
0xd3: {  	v14 =	vadd.f32 v18, v14;
	v18 =	vmul.f32 v24, v9;
	v24 =	vmovc v7;
	v30 =	vmul.f32 v27, v9  }
0xd4: {  	s26 =	sadd.s32 $0x1000, s26;
	v26 =	vmul.f32 v11, v9;
	v27 =	vmul.f32 v31, v5;
	v29 =	vadd.f32 v35, v29  }
0xd5: {  	v7 =	vadd.f32 v25, v30  }
0xd6: {  	v6 =	vmul.f32 v11, v1;
	v8 =	vadd.f32 v28, v20;
	v61 =	vadd.f32 v21, v15  }
0xd7: {  	v2 =	vmul.f32 v11, v2;
	v9 =	vadd.f32 v27, v26;
	v59 =	vadd.f32 v29, v23  }
0xd8: {  	v1 =	vmul.f32 v3, v1;
	v7 =	vadd.f32 v19, v7;
	v6 =	vadd.f32 v22, v6  }
0xd9: {  	v62 =	vmul.f32 v24, v5;
	v2 =	vadd.f32 v2, v10;
	v63 =	vadd.f32 v61, v16;
	[tilespmem:s13+$0xCA80] =	vst v59  }
0xda: {  	v60 =	vmul.f32 v11, v5;
	v1 =	vadd.f32 v4, v1;
	v3 =	vadd.f32 v8, v9;
	[tilespmem:s13+$0xCB00] =	vst v7  }
0xdb: {  	v5 =	vadd.f32 v62, v18;
	v6 =	vadd.f32 v6, v17;
	[tilespmem:s13+$0xCA00] =	vst v63  }
.Ltmp8:
0xdc: {  	v2 =	vadd.f32 v2, v13;
	[tilespmem:s13+$0xC980] =	vst v3;
	v3 =	vadd.f32 v60, v12;
	(pc) =	sbr.rel .LBB2_14-.Ltmp8, $4  }
0xdd: {  	v1 =	vadd.f32 v1, v5;
	[tilespmem:s13+$0xC880] =	vst v6  }
0xde: {  	[tilespmem:s13+$0xC800] =	vst v2;
	v3 =	vadd.f32 v14, v3  }
0xdf: {  	[tilespmem:s13+$0xCB80] =	vst v1  }
0xe0: {  	[tilespmem:s13+$0xC900] =	vst v3  }
.LBB2_4:
0xe1: {  	s0 =	smov.u32 s23;
	s26 =	simm.s32 $0xFFFFFFF8  }
0xe2: {  	s3 =	smov.u32 s23;
	s0 =	smov.u32 @p1 s23;
	s26 =	simm.s32 @p1 $0xFFFFFFF8  }
0xe3: {  	s3 =	smov.u32 @p2 s0;
	s26 =	simm.s32 @!p2 $0xFFFFFFF8  }
0xe4: {  	[tilespmem:s3+$0xFFFFFE00] =	vst v0;
	s26 =	sadd.s32 $0x8, s26  }
0xe5: {  	[tilespmem:s3+$0x180] =	vst v0;
	p1 =	slt.u32 s26, $0xB8  }
.Ltmp9:
0xe6: {  	[tilespmem:s3+$0x100] =	vst v0;
	(pc) =	sbr.rel @!p1 .LBB2_6-.Ltmp9, $4  }
0xe7: {  	[tilespmem:s3+$0x80] =	vst v0  }
0xe8: {  	[tilespmem:s3+$0x0] =	vst v0  }
0xe9: {  	[tilespmem:s3+$0xFFFFFF80] =	vst v0  }
0xea: {  	[tilespmem:s3+$0xFFFFFF00] =	vst v0  }
.LBB2_5:
0xeb: {  	s26 =	sadd.s32 $0x8, s26;
	[tilespmem:s3+$0xFFFFFE80] =	vst v0;
	s3 =	sadd.s32 $0x400, s3  }
0xec: {  	[tilespmem:s3+$0xFFFFFE00] =	vst v0;
	p1 =	slt.u32 s26, $0xB8  }
0xed: {  	[tilespmem:s3+$0x180] =	vst v0  }
.Ltmp10:
0xee: {  	[tilespmem:s3+$0x100] =	vst v0;
	(pc) =	sbr.rel @p1 .LBB2_5-.Ltmp10, $4  }
0xef: {  	[tilespmem:s3+$0x80] =	vst v0  }
0xf0: {  	[tilespmem:s3+$0x0] =	vst v0  }
0xf1: {  	[tilespmem:s3+$0xFFFFFF80] =	vst v0  }
0xf2: {  	[tilespmem:s3+$0xFFFFFF00] =	vst v0  }
.LBB2_6:
0xf3: {  	s26 =	sadd.s32 $0x80000002, s1  }
0xf4: {  	p1 =	sge.s32 s25, s26  }
.Ltmp11:
0xf5: {  	_ = 	snop;
	(pc) =	sbr.rel @p1 .LBB2_14-.Ltmp11, $2  }
0xf6: {  	_ =	sdelay $0x2  }
0xf7: {  	[tilespmem:s3+$0xFFFFFE80] =	vst v0  }
0xf8: {  	v9 =	vadd.f32 $0.0e+00, v9;
	v10 =	vadd.s32 $0x1, v5  }
0xf9: {  	v11 =	vadd.s32 $0x1, v2;
	v12 =	vadd.s32 $0x1, v1;
	v13 =	vmov s28  }
.LBB2_8:
0xfa: {  	vm0 =	veq.s32 v5, s25;
	vm1 =	veq.s32 v10, s25  }
0xfb: {  	s0 =	sadd.s32 $0xFFFFFFFC, s13;
	v14 =	vnsel vm0, $0x0, v9;
	v15 =	vnsel vm1, $0x0, v8  }
0xfc: {  	vm12 =	veq.s32 v2, s25;
	s1 =	sadd.s32 $0x80000004, s0;
	v14 =	vadd.f32 v15, v14  }
0xfd: {  	v15 =	vnsel vm12, $0x0, v6;
	p1 =	sgt.s32 s1, $0x0  }
0xfe: {  	vm13 =	veq.s32 v11, s25;
	s1 =	simm.s32 @!p1 $0x0;
	v14 =	vadd.f32 v14, v15  }
0xff: {  	v15 =	vnsel vm13, $0x0, v7;
	s1 =	smin.u32 s1, $0x17F  }
0x100: {  	vm14 =	veq.s32 v1, s25;
	s1 =	sshll.u32 s1, $0x7;
	v14 =	vadd.f32 v14, v15  }
0x101: {  	v15 =	vnsel vm14, $0x0, v4;
	v16 =	vld.idx.msk [tilespmem:v13+s1+$0x400 ss:$0x1], $0xffff  }
0x102: {  	vm15 =	veq.s32 v12, s25;
	v14 =	vadd.f32 v14, v15  }
0x103: {  	v17 =	vld [tilespmem:s2+$0xFFFFFF00];
	v15 =	vnsel vm15, $0x0, v3  }
0x104: {  	v14 =	vadd.f32 v14, v15;
	_ =	sdelay $0x1  }
0x105: {  	s1 =	sadd.s32 $0x80000005, s0;
	v15 =	vmul.f32 v16, v14  }
0x106: {  	p1 =	sgt.s32 s1, $0x0  }
0x107: {  	s1 =	simm.s32 @!p1 $0x0;
	v15 =	vadd.f32 v15, v17  }
0x108: {  	s1 =	smin.u32 s1, $0x17F  }
0x109: {  	s1 =	sshll.u32 s1, $0x7;
	[tilespmem:s2+$0xFFFFFF00] =	vst v15  }
0x10a: {  	v15 =	vld.idx.msk [tilespmem:v13+s1+$0x400 ss:$0x1], $0xffff;
	_ =	sdelay $0x1  }
0x10b: {  	v16 =	vld [tilespmem:s2+$0xFFFFFF80];
	_ =	sdelay $0x2  }
0x10c: {  	s1 =	sadd.s32 $0x80000006, s0;
	v15 =	vmul.f32 v15, v14  }
0x10d: {  	p1 =	sgt.s32 s1, $0x0  }
0x10e: {  	s1 =	simm.s32 @!p1 $0x0;
	v15 =	vadd.f32 v15, v16  }
0x10f: {  	s1 =	smin.u32 s1, $0x17F  }
0x110: {  	s1 =	sshll.u32 s1, $0x7;
	[tilespmem:s2+$0xFFFFFF80] =	vst v15  }
0x111: {  	v15 =	vld.idx.msk [tilespmem:v13+s1+$0x400 ss:$0x1], $0xffff;
	_ =	sdelay $0x1  }
0x112: {  	v16 =	vld [tilespmem:s2+$0x0];
	_ =	sdelay $0x2  }
0x113: {  	s0 =	sadd.s32 $0x80000007, s0;
	v15 =	vmul.f32 v15, v14  }
0x114: {  	p1 =	sgt.s32 s0, $0x0  }
0x115: {  	s0 =	simm.s32 @!p1 $0x0;
	v15 =	vadd.f32 v15, v16  }
0x116: {  	s0 =	smin.u32 s0, $0x17F  }
0x117: {  	s0 =	sshll.u32 s0, $0x7;
	[tilespmem:s2+$0x0] =	vst v15  }
0x118: {  	v15 =	vld.idx.msk [tilespmem:v13+s0+$0x400 ss:$0x1], $0xffff;
	_ =	sdelay $0x1  }
0x119: {  	s28 =	smov.u32 s2;
	s1 =	simm.s32 $0x0;
	v16 =	vld [tilespmem:s2+$0x80]  }
.LBB2_9:
0x11a: {  	_ = 	snop  }
0x11b: {  	s3 =	sadd.s32 s1, s13;
	s1 =	sadd.s32 $0x4, s1  }
0x11c: {  	s0 =	sadd.s32 $0x80000004, s3;
	p1 =	slt.u32 s1, $0xBC;
	v15 =	vmul.f32 v15, v14  }
0x11d: {  	p2 =	sgt.s32 s0, $0x0  }
0x11e: {  	s0 =	simm.s32 @!p2 $0x0;
	v15 =	vadd.f32 v15, v16  }
0x11f: {  	s0 =	smin.u32 s0, $0x17F  }
0x120: {  	s0 =	sshll.u32 s0, $0x7;
	[tilespmem:s28+$0x80] =	vst v15  }
0x121: {  	v15 =	vld.idx.msk [tilespmem:v13+s0+$0x400 ss:$0x1], $0xffff;
	_ =	sdelay $0x1  }
0x122: {  	s28 =	sadd.s32 $0x200, s28  }
0x123: {  	v16 =	vld [tilespmem:s28+$0xFFFFFF00];
	_ =	sdelay $0x2  }
0x124: {  	s0 =	sadd.s32 $0x80000005, s3;
	v15 =	vmul.f32 v15, v14  }
0x125: {  	p2 =	sgt.s32 s0, $0x0  }
0x126: {  	s0 =	simm.s32 @!p2 $0x0;
	v15 =	vadd.f32 v15, v16  }
0x127: {  	s0 =	smin.u32 s0, $0x17F  }
0x128: {  	s0 =	sshll.u32 s0, $0x7;
	[tilespmem:s28+$0xFFFFFF00] =	vst v15  }
0x129: {  	v15 =	vld.idx.msk [tilespmem:v13+s0+$0x400 ss:$0x1], $0xffff;
	_ =	sdelay $0x2  }
0x12a: {  	v16 =	vld [tilespmem:s28+$0xFFFFFF80];
	_ =	sdelay $0x2  }
0x12b: {  	s0 =	sadd.s32 $0x80000006, s3;
	v15 =	vmul.f32 v15, v14  }
0x12c: {  	p2 =	sgt.s32 s0, $0x0  }
0x12d: {  	s0 =	simm.s32 @!p2 $0x0;
	v15 =	vadd.f32 v15, v16  }
0x12e: {  	s0 =	smin.u32 s0, $0x17F  }
0x12f: {  	s0 =	sshll.u32 s0, $0x7;
	[tilespmem:s28+$0xFFFFFF80] =	vst v15  }
0x130: {  	v15 =	vld.idx.msk [tilespmem:v13+s0+$0x400 ss:$0x1], $0xffff;
	_ =	sdelay $0x2  }
0x131: {  	v16 =	vld [tilespmem:s28+$0x0];
	_ =	sdelay $0x2  }
0x132: {  	s0 =	sadd.s32 $0x80000007, s3;
	v15 =	vmul.f32 v15, v14  }
0x133: {  	p2 =	sgt.s32 s0, $0x0  }
0x134: {  	s0 =	simm.s32 @!p2 $0x0;
	v15 =	vadd.f32 v15, v16  }
0x135: {  	s0 =	smin.u32 s0, $0x17F  }
.Ltmp12:
0x136: {  	s0 =	sshll.u32 s0, $0x7;
	[tilespmem:s28+$0x0] =	vst v15;
	(pc) =	sbr.rel @p1 .LBB2_9-.Ltmp12, $2  }
0x137: {  	v15 =	vld.idx.msk [tilespmem:v13+s0+$0x400 ss:$0x1], $0xffff;
	_ =	sdelay $0x2  }
0x138: {  	v16 =	vld [tilespmem:s28+$0x80]  }
0x139: {  	s25 =	sadd.s32 $0x1, s25  }
0x13a: {  	p1 =	sne.s32 s25, s26  }
.Ltmp13:
0x13b: {  	v14 =	vmul.f32 v15, v14;
	(pc) =	sbr.rel @p1 .LBB2_8-.Ltmp13, $4  }
.Ltmp14:
0x13c: {  	_ = 	snop;
	(pc) =	sbr.rel @!p1 .LBB2_14-.Ltmp14, $4  }
0x13d: {  	v14 =	vadd.f32 v14, v16  }
0x13e: {  	_ = 	snop  }
0x13f: {  	s13 =	sadd.s32 $0x1, s13;
	[tilespmem:s28+$0x80] =	vst v14  }
0x140: {  	_ = 	snop  }
.LBB2_15:
0x141: {  	s0 =	sshll.u32 s30, $0xA  }
0x142: {  	s0 =	sadd.s32 s6, s0  }
0x143: {  	s1 =	rddreg [dreg:$0x2];
	s28 =	simm.s32 $0xC800;
	s0 =	sshrl.u32 s0, $0x3  }
.Ltmp15:
0x144: {  	s30 =	sadd.s32 s1, s0;
	s0 =	simm.s32 @!p0 $0x3;
	(pc) =	sbr.rel .LBB2_16-.Ltmp15, $4  }
0x145: {  	[hbm4b:s30+s15] =	stream.strided.scatter [tilespmem:s28], [sflag:$0x2], $0x6000, s14, s15, $0x38;
	[tilespmem:$0x18E00] =	vst v63  }
0x146: {  	_ =	swait.ge @!p0 [sflag:s0], $0x6000  }
0x147: {  	s2 =	simm.s32 $0x12B80;
	s10 =	simm.s32 $0x12980;
	[sflag:s0] =	ssyncset.done @!p0 $0x0  }
0x148: {  	s31 =	simm.s32 $0x0;
	[sflag:s0] =	ssyncadd.s32 @!p0 $0xFFFFA000;
	s0 =	simm.s32 $0x0  }
.LBB2_27:
0x149: {  	s31 =	sadd.s32 $0x1, s31  }
0x14a: {  	p0 =	sne.s32 s31, $0x8  }
.Ltmp16:
0x14b: {  	_ = 	snop;
	(pc) =	sbr.rel @!p0 .LBB2_28-.Ltmp16, $2  }
0x14c: {  	_ =	sdelay $0x2  }
0x14d: {  	s0 =	sadd.s32 $0x40, s0;
	s2 =	sadd.s32 $0x10, s2;
	s10 =	sadd.s32 $0x10, s10  }
.LBB2_16:
0x14e: {  	s28 =	sshll.u32 s31, $0x4  }
0x14f: {  	v5 =	vld [tilespmem:s28+$0x18C00]  }
0x150: {  	v2 =	vld [tilespmem:s28+$0x18C80];
	_ =	sdelay $0x1  }
0x151: {  	v1 =	vld [tilespmem:s28+$0x18D00];
	_ =	sdelay $0x2  }
0x152: {  	vm0 =	vgt.s32 v5, v2  }
0x153: {  	v3 =	vsel vm0, v2, v5  }
0x154: {  	v4 =	vsel vm0, v5, v2;
	vm1 =	vlt.s32 v3, v1  }
0x155: {  	vm0 =	vgt.s32 v4, v1;
	v3 =	vsel vm1, v3, v1  }
0x156: {  	v4 =	vsel vm0, v4, v1;
	v3 =	vxor.u32 $0x80000000, v3  }
0x157: {  	(xrf0) =	vmin.scan.msk.u32 $0xffff, v3;
	v3 =	vxor.u32 $0x80000000, v4  }
0x158: {  	(xrf0) =	vmax.scan.msk.u32 $0xffff, v3;
	_ =	sdelay $0x4  }
0x159: {  	v3, _, _ =	vpop (xrf0)  }
0x15a: {  	(v2sf) =	vpush v3, $0xF;
	v3, _, _ =	vpop (xrf0)  }
0x15b: {  	(v2sf) =	vpush v3, $0xF;
	_ =	sdelay $0xd  }
0x15c: {  	s13 =	spop (v2sf)  }
0x15d: {  	s25 =	sxor.u32 $0x80000000, s13;
	s1 =	spop (v2sf)  }
0x15e: {  	s3 =	sadd.s32 $0x80000001, s1;
	p0 =	slt.s32 s25, $0xFFFFFFFD  }
0x15f: {  	p1 =	sgt.s32 @!p0 s3, $0x3  }
0x160: {  	s3 =	ssub.s32 s3, s25;
	p1 =	por p0, p1  }
0x161: {  	p2 =	sgt.s32 @!p1 s3, $0x3  }
0x162: {  	v9 =	vld [tilespmem:s28+$0x18800];
	p2 =	por p1, p2  }
.Ltmp17:
0x163: {  	v7 =	vld [tilespmem:s28+$0x18880];
	(pc) =	sbr.rel @p2 .LBB2_17-.Ltmp17, $4  }
0x164: {  	v8 =	vld [tilespmem:s28+$0x18A00]  }
0x165: {  	v6 =	vld [tilespmem:s28+$0x18A80]  }
0x166: {  	v4 =	vld [tilespmem:s28+$0x18900]  }
0x167: {  	v3 =	vld [tilespmem:s28+$0x18B00]  }
0x168: {  	v9 =	vadd.f32 $0.0e+00, v9  }
0x169: {  	v10 =	vadd.s32 $0x1, v5;
	vm0 =	veq.s32 v5, s25;
	vm6 =	veq.s32 v2, s25;
	s1 =	sadd.s32 $0x80000001, s13  }
0x16a: {  	vm11 =	veq.s32 v1, s25;
	vm1 =	veq.s32 v10, s25;
	vm7 =	veq.s32 v5, s1  }
0x16b: {  	vm8 =	veq.s32 v10, s1;
	vm10 =	veq.s32 v2, s1;
	vm14 =	veq.s32 v1, s1  }
0x16c: {  	s3 =	sadd.s32 $0x80000003, s13;
	v11 =	vnsel vm0, $0x0, v9;
	v12 =	vnsel vm1, $0x0, v8;
	v13 =	vnsel vm7, $0x0, v9  }
0x16d: {  	v14 =	vnsel vm8, $0x0, v8;
	vm7 =	veq.s32 v10, s3;
	v11 =	vadd.f32 v12, v11  }
0x16e: {  	vm8 =	veq.s32 v2, s3;
	v12 =	vnsel vm6, $0x0, v7;
	v13 =	vadd.f32 v14, v13  }
0x16f: {  	v14 =	vnsel vm10, $0x0, v7;
	v11 =	vadd.f32 v11, v12;
	v12 =	vadd.s32 $0x1, v2  }
0x170: {  	v16 =	vnsel vm14, $0x0, v4;
	vm6 =	veq.s32 v5, s3;
	vm9 =	veq.s32 v12, s25  }
0x171: {  	v19 =	vnsel vm6, $0x0, v9;
	v13 =	vadd.f32 v13, v14;
	v15 =	vnsel vm9, $0x0, v6  }
0x172: {  	v14 =	vadd.s32 $0x1, v1;
	vm12 =	veq.s32 v12, s1;
	v11 =	vadd.f32 v11, v15  }
0x173: {  	vm13 =	veq.s32 v14, s25;
	vm15 =	veq.s32 v14, s1;
	s25 =	sadd.s32 $0x80000002, s13;
	v15 =	vnsel vm11, $0x0, v4  }
0x174: {  	vm4 =	veq.s32 v5, s25;
	v11 =	vadd.f32 v11, v15;
	v15 =	vnsel vm12, $0x0, v6  }
0x175: {  	vm5 =	veq.s32 v10, s25;
	vm9 =	veq.s32 v2, s25;
	v13 =	vadd.f32 v13, v15  }
0x176: {  	s26 =	sshll.u32 s13, $0x9;
	v17 =	vnsel vm4, $0x0, v9;
	v18 =	vnsel vm5, $0x0, v8;
	v8 =	vnsel vm7, $0x0, v8  }
0x177: {  	s13 =	sshra.s32 s26, $0x2;
	v10 =	vadd.f32 v8, v19;
	v15 =	vnsel vm13, $0x0, v3;
	v13 =	vadd.f32 v13, v16  }
0x178: {  	v8 =	vmov s13;
	v9 =	vadd.f32 v11, v15;
	v16 =	vnsel vm15, $0x0, v3  }
0x179: {  	s13 =	sadd.s32 s28, s13;
	v11 =	vadd.f32 v18, v17;
	v5 =	vadd.f32 v13, v16;
	v13 =	vnsel vm8, $0x0, v7  }
0x17a: {  	vm10 =	veq.s32 v12, s3;
	v2 =	vnsel vm9, $0x0, v7;
	v7 =	vadd.f32 v10, v13;
	v10 =	vld [tilespmem:s13+$0x6400]  }
0x17b: {  	vm11 =	veq.s32 v12, s25;
	v2 =	vadd.f32 v11, v2;
	v11 =	vnsel vm10, $0x0, v6;
	v13 =	vld [tilespmem:s13+$0x6500]  }
0x17c: {  	v6 =	vnsel vm11, $0x0, v6;
	v7 =	vadd.f32 v7, v11;
	v11 =	vld [tilespmem:s13+$0x6480];
	s13 =	sshra.s32 s0, $0x2  }
0x17d: {  	vm14 =	veq.s32 v14, s3;
	vm13 =	veq.s32 v1, s25;
	v2 =	vadd.f32 v2, v6;
	v6 =	vld.idx.msk [tilespmem:v8+s13+$0x6900 ss:$0x1], $0xffff  }
0x17e: {  	vm12 =	veq.s32 v1, s3;
	v1 =	vnsel vm13, $0x0, v4;
	vm15 =	veq.s32 v14, s25;
	v14 =	vld.idx.msk [tilespmem:v8+s13+$0x6680 ss:$0x1], $0xffff  }
0x17f: {  	v12 =	vnsel vm12, $0x0, v4;
	v1 =	vadd.f32 v2, v1;
	v24 =	vld.idx.msk [tilespmem:v8+s13+$0x6700 ss:$0x1], $0xffff  }
0x180: {  	v2 =	vnsel vm14, $0x0, v3;
	v27 =	vld.idx.msk [tilespmem:v8+s13+$0x6600 ss:$0x1], $0xffff;
	v4 =	vadd.f32 v7, v12;
	v12 =	vnsel vm15, $0x0, v3  }
0x181: {  	v7 =	vld.idx.msk [tilespmem:v8+s13+$0x6800 ss:$0x1], $0xffff;
	v16 =	vmul.f32 v13, v5;
	v1 =	vadd.f32 v1, v12;
	v12 =	vmul.f32 v13, v9  }
0x182: {  	v3 =	vld.idx.msk [tilespmem:v8+s13+$0x6880 ss:$0x1], $0xffff;
	v21 =	vmul.f32 v10, v9;
	v2 =	vadd.f32 v4, v2;
	v18 =	vmul.f32 v11, v5  }
0x183: {  	v10 =	vmul.f32 v13, v1;
	v13 =	vmul.f32 v11, v9  }
0x184: {  	v26 =	vld.idx.msk [tilespmem:v8+s13+$0x6780 ss:$0x1], $0xffff;
	v4 =	vmul.f32 v6, v2;
	v17 =	vmul.f32 v14, v9  }
0x185: {  	v20 =	vmul.f32 v14, v1;
	v22 =	vmul.f32 v24, v5  }
0x186: {  	v30 =	vmul.f32 v27, v1;
	v15 =	vmul.f32 v24, v1  }
0x187: {  	v11 =	vmul.f32 v7, v1;
	v19 =	vmul.f32 v3, v2  }
0x188: {  	v31 =	vmul.f32 v27, v9;
	v32 =	vmul.f32 v14, v5  }
0x189: {  	v14 =	vmul.f32 v14, v2;
	v25 =	vmul.f32 v26, v5;
	v19 =	vadd.f32 v19, v11;
	v11 =	vld.idx.msk [tilespmem:v8+s13+$0x6580 ss:$0x1], $0xffff  }
0x18a: {  	v28 =	vmul.f32 v24, v2;
	v29 =	vmul.f32 v7, v2;
	v23 =	vadd.f32 v22, v17  }
0x18b: {  	v17 =	vadd.f32 v16, v13;
	v22 =	vmul.f32 v27, v2;
	v13 =	vadd.f32 v18, v21  }
0x18c: {  	v21 =	vmul.f32 v26, v2;
	v16 =	vadd.f32 v32, v31;
	v31 =	vmul.f32 v26, v1  }
0x18d: {  	v14 =	vadd.f32 v14, v30;
	v30 =	vmul.f32 v24, v9;
	v18 =	vmul.f32 v26, v9  }
0x18e: {  	s26 =	sadd.s32 $0x1000, s0;
	s25 =	simm.s32 $0xC0;
	v27 =	vmul.f32 v27, v5;
	v24 =	vmovc v7;
	v29 =	vadd.f32 v29, v31;
	v26 =	vmul.f32 v11, v9  }
.LBB2_25:
0x18f: {  	v31 =	vmul.f32 v11, v1  }
0x190: {  	s1 =	sshra.s32 s26, $0x2;
	s25 =	sadd.s32 $0x8, s25;
	v20 =	vadd.f32 v28, v20;
	v25 =	vadd.f32 v25, v30;
	v28 =	vmovc v6;
	v30 =	vmovc v7;
	v32 =	vmov v3  }
0x191: {  	v33 =	vmul.f32 v28, v5;
	v34 =	vmul.f32 v28, v9;
	v6 =	vld.idx.msk [tilespmem:v8+s1+$0x6900 ss:$0x1], $0xffff;
	p0 =	slt.u32 s25, $0x178;
	v23 =	vadd.f32 v29, v23  }
0x192: {  	v35 =	vmul.f32 v11, v5;
	v29 =	vmul.f32 v3, v5;
	v7 =	vld.idx.msk [tilespmem:v8+s1+$0x6800 ss:$0x1], $0xffff;
	v19 =	vadd.f32 v19, v25  }
0x193: {  	v11 =	vmul.f32 v11, v2;
	v26 =	vadd.f32 v27, v26;
	v22 =	vadd.f32 v22, v31;
	v25 =	vld.idx.msk [tilespmem:v8+s1+$0x6680 ss:$0x1], $0xffff  }
0x194: {  	v15 =	vadd.f32 v21, v15;
	[tilespmem:s13+$0x12B00] =	vst v19;
	v19 =	vmul.f32 v3, v1;
	v3 =	vld.idx.msk [tilespmem:v8+s1+$0x6880 ss:$0x1], $0xffff  }
0x195: {  	v21 =	vmul.f32 v30, v9;
	v20 =	vadd.f32 v20, v26;
	v17 =	vadd.f32 v22, v17;
	v27 =	vld.idx.msk [tilespmem:v8+s1+$0x6700 ss:$0x1], $0xffff  }
0x196: {  	v24 =	vmul.f32 v24, v5;
	v22 =	vadd.f32 v11, v10;
	v31 =	vld.idx.msk [tilespmem:v8+s1+$0x6600 ss:$0x1], $0xffff;
	v19 =	vadd.f32 v4, v19  }
0x197: {  	v12 =	vadd.f32 v35, v12;
	v16 =	vadd.f32 v15, v16;
	v4 =	vmul.f32 v6, v2;
	v11 =	vld.idx.msk [tilespmem:v8+s1+$0x6580 ss:$0x1], $0xffff  }
0x198: {  	v15 =	vadd.f32 v24, v18;
	v10 =	vmul.f32 v28, v1;
	v35 =	vmul.f32 v7, v2;
	[tilespmem:s13+$0x12980] =	vst v20  }
0x199: {  	v18 =	vmul.f32 v32, v9;
	v13 =	vadd.f32 v22, v13;
	v26 =	vmul.f32 v25, v9;
	v24 =	vld.idx.msk [tilespmem:v8+s1+$0x6780 ss:$0x1], $0xffff  }
0x19a: {  	v22 =	vmul.f32 v7, v1;
	v30 =	vadd.f32 v19, v15;
	v28 =	vmul.f32 v3, v2;
	[tilespmem:s13+$0x12880] =	vst v17  }
0x19b: {  	v12 =	vadd.f32 v14, v12;
	v20 =	vmul.f32 v25, v1;
	v17 =	vmul.f32 v27, v5;
	[tilespmem:s13+$0x12A80] =	vst v23  }
0x19c: {  	v15 =	vmul.f32 v27, v1;
	v14 =	vmul.f32 v31, v1;
	v19 =	vadd.f32 v28, v22;
	[tilespmem:s13+$0x12800] =	vst v13  }
0x19d: {  	v36 =	vmul.f32 v25, v5;
	v32 =	vmul.f32 v31, v9;
	v23 =	vadd.f32 v17, v26;
	[tilespmem:s13+$0x12A00] =	vst v16  }
.Ltmp18:
0x19e: {  	v22 =	vmul.f32 v31, v2;
	v17 =	vadd.f32 v33, v18;
	v18 =	vmul.f32 v25, v2;
	[tilespmem:s13+$0x12900] =	vst v12;
	(pc) =	sbr.rel @p0 .LBB2_25-.Ltmp18, $4  }
0x19f: {  	v13 =	vadd.f32 v29, v21;
	v21 =	vmul.f32 v24, v2;
	v25 =	vmul.f32 v24, v5;
	[tilespmem:s13+$0x12B80] =	vst v30;
	s13 =	smov.u32 s1  }
0x1a0: {  	v28 =	vmul.f32 v27, v2;
	v16 =	vadd.f32 v36, v32;
	v29 =	vmul.f32 v24, v1;
	v12 =	vmovc v34  }
0x1a1: {  	v14 =	vadd.f32 v18, v14;
	v18 =	vmul.f32 v24, v9;
	v24 =	vmovc v7;
	v30 =	vmul.f32 v27, v9  }
0x1a2: {  	s26 =	sadd.s32 $0x1000, s26;
	v26 =	vmul.f32 v11, v9;
	v27 =	vmul.f32 v31, v5;
	v29 =	vadd.f32 v35, v29  }
0x1a3: {  	v7 =	vadd.f32 v25, v30  }
0x1a4: {  	v6 =	vmul.f32 v11, v1;
	v8 =	vadd.f32 v28, v20;
	v61 =	vadd.f32 v21, v15  }
0x1a5: {  	v2 =	vmul.f32 v11, v2;
	v9 =	vadd.f32 v27, v26;
	v59 =	vadd.f32 v29, v23  }
0x1a6: {  	v1 =	vmul.f32 v3, v1;
	v7 =	vadd.f32 v19, v7;
	v6 =	vadd.f32 v22, v6  }
0x1a7: {  	v62 =	vmul.f32 v24, v5;
	v2 =	vadd.f32 v2, v10;
	v63 =	vadd.f32 v61, v16;
	[tilespmem:s13+$0x12A80] =	vst v59  }
0x1a8: {  	v60 =	vmul.f32 v11, v5;
	v1 =	vadd.f32 v4, v1;
	v3 =	vadd.f32 v8, v9;
	[tilespmem:s13+$0x12B00] =	vst v7  }
0x1a9: {  	v5 =	vadd.f32 v62, v18;
	v6 =	vadd.f32 v6, v17;
	[tilespmem:s13+$0x12A00] =	vst v63  }
.Ltmp19:
0x1aa: {  	v2 =	vadd.f32 v2, v13;
	[tilespmem:s13+$0x12980] =	vst v3;
	v3 =	vadd.f32 v60, v12;
	(pc) =	sbr.rel .LBB2_27-.Ltmp19, $4  }
0x1ab: {  	v1 =	vadd.f32 v1, v5;
	[tilespmem:s13+$0x12880] =	vst v6  }
0x1ac: {  	[tilespmem:s13+$0x12800] =	vst v2;
	v3 =	vadd.f32 v14, v3  }
0x1ad: {  	[tilespmem:s13+$0x12B80] =	vst v1  }
0x1ae: {  	[tilespmem:s13+$0x12900] =	vst v3  }
.LBB2_17:
0x1af: {  	s23 =	smov.u32 s2;
	s26 =	simm.s32 $0xB8  }
0x1b0: {  	s3 =	smov.u32 s2;
	s23 =	smov.u32 @p0 s2;
	s26 =	simm.s32 @p0 $0xB8  }
0x1b1: {  	s3 =	smov.u32 @p1 s23;
	s26 =	simm.s32 @!p1 $0xB8  }
0x1b2: {  	[tilespmem:s3+$0xFFFFFC80] =	vst v0;
	s26 =	sadd.s32 $0x8, s26  }
0x1b3: {  	[tilespmem:s3+$0x0] =	vst v0;
	p0 =	slt.u32 s26, $0x178  }
.Ltmp20:
0x1b4: {  	[tilespmem:s3+$0xFFFFFF80] =	vst v0;
	(pc) =	sbr.rel @!p0 .LBB2_19-.Ltmp20, $4  }
0x1b5: {  	[tilespmem:s3+$0xFFFFFF00] =	vst v0  }
0x1b6: {  	[tilespmem:s3+$0xFFFFFE80] =	vst v0  }
0x1b7: {  	[tilespmem:s3+$0xFFFFFE00] =	vst v0  }
0x1b8: {  	[tilespmem:s3+$0xFFFFFD80] =	vst v0  }
.LBB2_18:
0x1b9: {  	s26 =	sadd.s32 $0x8, s26;
	[tilespmem:s3+$0xFFFFFD00] =	vst v0;
	s3 =	sadd.s32 $0x400, s3  }
0x1ba: {  	[tilespmem:s3+$0xFFFFFC80] =	vst v0;
	p0 =	slt.u32 s26, $0x178  }
0x1bb: {  	[tilespmem:s3+$0x0] =	vst v0  }
.Ltmp21:
0x1bc: {  	[tilespmem:s3+$0xFFFFFF80] =	vst v0;
	(pc) =	sbr.rel @p0 .LBB2_18-.Ltmp21, $4  }
0x1bd: {  	[tilespmem:s3+$0xFFFFFF00] =	vst v0  }
0x1be: {  	[tilespmem:s3+$0xFFFFFE80] =	vst v0  }
0x1bf: {  	[tilespmem:s3+$0xFFFFFE00] =	vst v0  }
0x1c0: {  	[tilespmem:s3+$0xFFFFFD80] =	vst v0  }
.LBB2_19:
0x1c1: {  	s26 =	sadd.s32 $0x80000002, s1  }
0x1c2: {  	p0 =	sge.s32 s25, s26  }
.Ltmp22:
0x1c3: {  	_ = 	snop;
	(pc) =	sbr.rel @p0 .LBB2_27-.Ltmp22, $2  }
0x1c4: {  	_ =	sdelay $0x2  }
0x1c5: {  	[tilespmem:s3+$0xFFFFFD00] =	vst v0  }
0x1c6: {  	v9 =	vadd.f32 $0.0e+00, v9;
	v10 =	vadd.s32 $0x1, v5  }
0x1c7: {  	v11 =	vadd.s32 $0x1, v2;
	v12 =	vadd.s32 $0x1, v1;
	v13 =	vmov s28  }
.LBB2_21:
0x1c8: {  	vm0 =	veq.s32 v5, s25;
	vm1 =	veq.s32 v10, s25  }
0x1c9: {  	s1 =	sadd.s32 $0xBC, s13;
	v14 =	vnsel vm0, $0x0, v9;
	v15 =	vnsel vm1, $0x0, v8  }
0x1ca: {  	vm12 =	veq.s32 v2, s25;
	s3 =	sadd.s32 $0x80000004, s1;
	v14 =	vadd.f32 v15, v14  }
0x1cb: {  	v15 =	vnsel vm12, $0x0, v7;
	p0 =	sgt.s32 s3, $0x0  }
0x1cc: {  	vm13 =	veq.s32 v11, s25;
	s3 =	simm.s32 @!p0 $0x0;
	v14 =	vadd.f32 v14, v15  }
0x1cd: {  	v15 =	vnsel vm13, $0x0, v6;
	s3 =	smin.u32 s3, $0x17F  }
0x1ce: {  	vm14 =	veq.s32 v1, s25;
	s3 =	sshll.u32 s3, $0x7;
	v14 =	vadd.f32 v14, v15  }
0x1cf: {  	v15 =	vnsel vm14, $0x0, v4;
	v16 =	vld.idx.msk [tilespmem:v13+s3+$0x400 ss:$0x1], $0xffff  }
0x1d0: {  	vm15 =	veq.s32 v12, s25;
	v14 =	vadd.f32 v14, v15  }
0x1d1: {  	v17 =	vld [tilespmem:s10+$0xFFFFFE80];
	v15 =	vnsel vm15, $0x0, v3  }
0x1d2: {  	v14 =	vadd.f32 v14, v15;
	_ =	sdelay $0x1  }
0x1d3: {  	s3 =	sadd.s32 $0x80000005, s1;
	v15 =	vmul.f32 v16, v14  }
0x1d4: {  	p0 =	sgt.s32 s3, $0x0  }
0x1d5: {  	s3 =	simm.s32 @!p0 $0x0;
	v15 =	vadd.f32 v15, v17  }
0x1d6: {  	s3 =	smin.u32 s3, $0x17F  }
0x1d7: {  	s3 =	sshll.u32 s3, $0x7;
	[tilespmem:s10+$0xFFFFFE80] =	vst v15  }
0x1d8: {  	v15 =	vld.idx.msk [tilespmem:v13+s3+$0x400 ss:$0x1], $0xffff;
	_ =	sdelay $0x1  }
0x1d9: {  	v16 =	vld [tilespmem:s10+$0xFFFFFF00];
	_ =	sdelay $0x2  }
0x1da: {  	s3 =	sadd.s32 $0x80000006, s1;
	v15 =	vmul.f32 v15, v14  }
0x1db: {  	p0 =	sgt.s32 s3, $0x0  }
0x1dc: {  	s3 =	simm.s32 @!p0 $0x0;
	v15 =	vadd.f32 v15, v16  }
0x1dd: {  	s3 =	smin.u32 s3, $0x17F  }
0x1de: {  	s3 =	sshll.u32 s3, $0x7;
	[tilespmem:s10+$0xFFFFFF00] =	vst v15  }
0x1df: {  	v15 =	vld.idx.msk [tilespmem:v13+s3+$0x400 ss:$0x1], $0xffff;
	_ =	sdelay $0x1  }
0x1e0: {  	v16 =	vld [tilespmem:s10+$0xFFFFFF80];
	_ =	sdelay $0x2  }
0x1e1: {  	s1 =	sadd.s32 $0x80000007, s1;
	v15 =	vmul.f32 v15, v14  }
0x1e2: {  	p0 =	sgt.s32 s1, $0x0  }
0x1e3: {  	s1 =	simm.s32 @!p0 $0x0;
	v15 =	vadd.f32 v15, v16  }
0x1e4: {  	s1 =	smin.u32 s1, $0x17F  }
0x1e5: {  	s1 =	sshll.u32 s1, $0x7;
	[tilespmem:s10+$0xFFFFFF80] =	vst v15  }
0x1e6: {  	v15 =	vld.idx.msk [tilespmem:v13+s1+$0x400 ss:$0x1], $0xffff;
	_ =	sdelay $0x1  }
0x1e7: {  	s28 =	smov.u32 s10;
	v16 =	vld [tilespmem:s10+$0x0];
	s1 =	simm.s32 $0xC0  }
.LBB2_22:
0x1e8: {  	_ = 	snop  }
0x1e9: {  	s3 =	sadd.s32 s1, s13;
	s1 =	sadd.s32 $0x4, s1  }
0x1ea: {  	s23 =	sadd.s32 $0x80000004, s3;
	p0 =	slt.u32 s1, $0x17C;
	v15 =	vmul.f32 v15, v14  }
0x1eb: {  	p1 =	sgt.s32 s23, $0x0  }
0x1ec: {  	s23 =	simm.s32 @!p1 $0x0;
	v15 =	vadd.f32 v15, v16  }
0x1ed: {  	s23 =	smin.u32 s23, $0x17F  }
0x1ee: {  	s23 =	sshll.u32 s23, $0x7;
	[tilespmem:s28+$0x0] =	vst v15  }
0x1ef: {  	v15 =	vld.idx.msk [tilespmem:v13+s23+$0x400 ss:$0x1], $0xffff;
	_ =	sdelay $0x1  }
0x1f0: {  	s28 =	sadd.s32 $0x200, s28  }
0x1f1: {  	v16 =	vld [tilespmem:s28+$0xFFFFFE80];
	_ =	sdelay $0x2  }
0x1f2: {  	s23 =	sadd.s32 $0x80000005, s3;
	v15 =	vmul.f32 v15, v14  }
0x1f3: {  	p1 =	sgt.s32 s23, $0x0  }
0x1f4: {  	s23 =	simm.s32 @!p1 $0x0;
	v15 =	vadd.f32 v15, v16  }
0x1f5: {  	s23 =	smin.u32 s23, $0x17F  }
0x1f6: {  	s23 =	sshll.u32 s23, $0x7;
	[tilespmem:s28+$0xFFFFFE80] =	vst v15  }
0x1f7: {  	v15 =	vld.idx.msk [tilespmem:v13+s23+$0x400 ss:$0x1], $0xffff;
	_ =	sdelay $0x2  }
0x1f8: {  	v16 =	vld [tilespmem:s28+$0xFFFFFF00];
	_ =	sdelay $0x2  }
0x1f9: {  	s23 =	sadd.s32 $0x80000006, s3;
	v15 =	vmul.f32 v15, v14  }
0x1fa: {  	p1 =	sgt.s32 s23, $0x0  }
0x1fb: {  	s23 =	simm.s32 @!p1 $0x0;
	v15 =	vadd.f32 v15, v16  }
0x1fc: {  	s23 =	smin.u32 s23, $0x17F  }
0x1fd: {  	s23 =	sshll.u32 s23, $0x7;
	[tilespmem:s28+$0xFFFFFF00] =	vst v15  }
0x1fe: {  	v15 =	vld.idx.msk [tilespmem:v13+s23+$0x400 ss:$0x1], $0xffff;
	_ =	sdelay $0x2  }
0x1ff: {  	v16 =	vld [tilespmem:s28+$0xFFFFFF80];
	_ =	sdelay $0x2  }
0x200: {  	s3 =	sadd.s32 $0x80000007, s3;
	v15 =	vmul.f32 v15, v14  }
0x201: {  	p1 =	sgt.s32 s3, $0x0  }
0x202: {  	s3 =	simm.s32 @!p1 $0x0;
	v15 =	vadd.f32 v15, v16  }
0x203: {  	s3 =	smin.u32 s3, $0x17F  }
.Ltmp23:
0x204: {  	s3 =	sshll.u32 s3, $0x7;
	[tilespmem:s28+$0xFFFFFF80] =	vst v15;
	(pc) =	sbr.rel @p0 .LBB2_22-.Ltmp23, $2  }
0x205: {  	v15 =	vld.idx.msk [tilespmem:v13+s3+$0x400 ss:$0x1], $0xffff;
	_ =	sdelay $0x2  }
0x206: {  	v16 =	vld [tilespmem:s28+$0x0]  }
0x207: {  	s25 =	sadd.s32 $0x1, s25  }
0x208: {  	p0 =	sne.s32 s25, s26  }
.Ltmp24:
0x209: {  	v14 =	vmul.f32 v15, v14;
	(pc) =	sbr.rel @p0 .LBB2_21-.Ltmp24, $4  }
.Ltmp25:
0x20a: {  	_ = 	snop;
	(pc) =	sbr.rel @!p0 .LBB2_27-.Ltmp25, $4  }
0x20b: {  	v14 =	vadd.f32 v14, v16  }
0x20c: {  	_ = 	snop  }
0x20d: {  	s13 =	sadd.s32 $0x1, s13;
	[tilespmem:s28+$0x0] =	vst v14  }
0x20e: {  	_ = 	snop  }
.LBB2_30:
0x20f: {  	_ =	sfence.sel $0x180000  }
0x210: {  	[bflag:$0x0] =	sbarrier.arrive $0xFFFF  }
0x211: {  	_ =	strace $0x90000047  }
0x212: {  	s0 =	stileid.u32;
	[bflag:$0x2] =	sbarrier.arrive $0xFFFF  }
0x213: {  	p0 =	sne.s32 s0, $0x0;
	s0 =	rddreg [dreg:$0x3]  }
0x214: {  	s0 =	sadd.s32 @!p0 $0x100000, s0  }
0x215: {  	[sflag:s0] =	ssyncadd.tile.s32 @!p0 $0x1;
	_ =	shalt  }
.Lfunc_end2:
_tile_overlayer_lowered:
.L_overlay_start_2:
0x216: {  	(tag) =	ssettag $0x2  }
0x217: {  	s0 =	rddreg [dreg:$0x0];
	s2 =	stileid.u32  }
0x218: {  	s1 =	rddreg [dreg:$0x1];
	p0 =	sne.s32 s2, $0x0  }
0x219: {  	s3 =	rddreg [dreg:$0x2];
	[bflag:$0x3] =	sbarrier.arrive $0xFFFF;
	s2 =	simm.s32 @!p0 $0x1C04  }
0x21a: {  	[timem:s3], [sflag:s2] =	dma.local @!p0 [hbm:s0], s1  }
0x21b: {  	s0 =	simm.s32 @!p0 $0x4  }
0x21c: {  	_ =	swait.ge @!p0 [sflag:s0], s1  }
0x21d: {  	s1 =	ssub.s32 @!p0 $0x0, s1;
	[sflag:s0] =	ssyncset.done @!p0 $0x0  }
0x21e: {  	[sflag:s0] =	ssyncadd.s32 @!p0 s1  }
0x21f: {  	[bflag:$0x3] =	sbarrier.arrive $0xFFFF  }
0x220: {  	_ =	shalt  }

</sc_bundles>
